<compile_context>
chip_gen: v7x
topology: tpu7x:2x2x1
jax: 0.10.2.dev20260603
libtpu: 0.0.44.dev20260713+nightly
codegen_flags: <defaults>
</compile_context>

<pallas_src>
import functools

import jax
import jax.numpy as jnp
from jax import lax
from jax.experimental import pallas as pl
from jax.experimental.pallas import tpu as pltpu
from jax.experimental.pallas import tpu_sc as plsc

EMB_DIM = 64
B_TOTAL = 4096 * 200
NC, NS = 2, 16
NW = NC * NS
B_PER_W = B_TOTAL // NW
VPG = 16
SPC = 20
CHUNK = VPG * SPC
NBUF = 3
LAG = 2
N_CHUNKS = B_PER_W // CHUNK
N_ROUNDS = (N_CHUNKS - LAG) // NBUF

_mesh = plsc.VectorSubcoreMesh(core_axis_name="c", subcore_axis_name="s")


@functools.partial(
    pl.kernel,
    mesh=_mesh,
    out_type=jax.ShapeDtypeStruct((B_TOTAL, EMB_DIM), jnp.float32),
    scratch_types=[
        pltpu.VMEM((B_PER_W,), jnp.int32),
        pltpu.VMEM((NBUF, CHUNK, EMB_DIM), jnp.float32),
        pltpu.SemaphoreType.DMA((NBUF,)),
        pltpu.SemaphoreType.DMA((NBUF,)),
    ],
    compiler_params=pltpu.CompilerParams(use_tc_tiling_on_sc=False),
)
def _gather_kernel(idx_hbm, table_hbm, out_hbm, idx_v, rows_v, gsem, wsem):
    wid = lax.axis_index("s") * NC + lax.axis_index("c")
    wbase = wid * B_PER_W

    pltpu.sync_copy(idx_hbm.at[pl.ds(wbase, B_PER_W)], idx_v)

    def start_gathers(g, b):
        for k in range(SPC):
            idx16 = idx_v[pl.ds(g * CHUNK + k * VPG, VPG)]
            pltpu.make_async_copy(
                table_hbm.at[idx16],
                rows_v.at[b].at[pl.ds(k * VPG, VPG)],
                gsem.at[b],
            ).start()

    def drain_gathers(b):
        pltpu.make_async_copy(
            table_hbm.at[pl.ds(0, CHUNK)],
            rows_v.at[b],
            gsem.at[b],
        ).wait()

    def write_desc(g, b):
        return pltpu.make_async_copy(
            rows_v.at[b],
            out_hbm.at[pl.ds(wbase + g * CHUNK, CHUNK)],
            wsem.at[b],
        )

    for s in range(LAG):
        start_gathers(s, s % NBUF)

    @pl.loop(0, N_ROUNDS)
    def _steady(r):
        for i in range(NBUF):
            j = r * NBUF + i
            s = j + LAG
            drain_gathers(i)
            write_desc(j, i).start()
            bs = (i + LAG) % NBUF
            @pl.when(s >= NBUF)
            def _():
                write_desc(s - NBUF, bs).wait()
            start_gathers(s, bs)

    done = N_ROUNDS * NBUF
    for j in range(done, N_CHUNKS):
        b = j % NBUF
        drain_gathers(b)
        write_desc(j, b).start()
    for j in range(N_CHUNKS - NBUF, N_CHUNKS):
        write_desc(j, j % NBUF).wait()


def kernel(input_ids, weight):
    flat = input_ids.reshape(-1).astype(jnp.int32)
    out = _gather_kernel(flat, weight)
    return out.reshape(input_ids.shape + (weight.shape[1],))

# --- scband reference (transcript-rebuilt; emitter-appended) ---
"""Pipeline reference for scband-embedding-86792699117962 (READ-ONLY COPY).

The authoritative reference and input builder live on the scoring server;
editing this copy changes nothing except your own understanding.
"""

import jax, jax.numpy as jnp
import numpy as np

NUM_EMBEDDINGS = 1000000
EMBEDDING_DIM = 64

def setup_inputs(seed: int = 0) -> dict:
    key = jax.random.key(seed)
    k_idx, k_w = jax.random.split(key)
    input_ids = jax.random.randint(k_idx, (4096, 200), 0, NUM_EMBEDDINGS, dtype=jnp.int64 if jax.config.jax_enable_x64 else jnp.int32)
    # xavier_normal init: std = sqrt(2 / (fan_in + fan_out))
    std = (2.0 / (NUM_EMBEDDINGS + EMBEDDING_DIM)) ** 0.5
    weight = jax.random.normal(k_w, (NUM_EMBEDDINGS, EMBEDDING_DIM), dtype=jnp.float32) * std
    return {"input_ids": input_ids, "weight": weight}

def reference(input_ids, weight):
    # Embedding lookup: output (batch, seq_len, embedding_dim)
    return jnp.take(weight, input_ids, axis=0)

if __name__ == "__main__":
    import jax
    _d = setup_inputs()
    print(jax.jit(kernel)(*tuple(_d.values())))

</pallas_src>

<mosaic_0001>
#map = affine_map<(d0, d1) -> (0)>
#map1 = affine_map<(d0, d1) -> (0, 0)>
module attributes {stable_mosaic.version = 14 : i64} {
  func.func @_gather_kernel(%arg0: i32, %arg1: i32, %arg2: memref<819200xi32, #tpu.memory_space<hbm>>, %arg3: memref<1000000x64xf32, #tpu.memory_space<hbm>>, %arg4: memref<819200x64xf32, #tpu.memory_space<hbm>>, %arg5: memref<25600xi32, #tpu.memory_space<vmem>>, %arg6: memref<3x320x64xf32, #tpu.memory_space<vmem>>, %arg7: memref<3x!tpu.dma_semaphore, #tpu.memory_space<semaphore_mem>>, %arg8: memref<3x!tpu.dma_semaphore, #tpu.memory_space<semaphore_mem>>) attributes {dimension_semantics = [#tpu.dimension_semantics<core_parallel>, #tpu.dimension_semantics<subcore_parallel>], iteration_bounds = array<i64: 2, 16>, scalar_prefetch = 0 : i64, scratch_operands = 4 : i64, tpu.core_type = #tpu.core_type<sc_vector_subcore>, window_params = [{transform_indices = #map}, {transform_indices = #map1}, {transform_indices = #map1}]} {
    %mul3A = arith.constant 2 : i32
    %mul3A_0 = arith.muli %arg1, %mul3A : i32
    %add3A = arith.addi %mul3A_0, %arg0 : i32
    %mul3A_1 = arith.constant 25600 : i32
    %mul3A_2 = arith.muli %add3A, %mul3A_1 : i32
    "tpu.region"() ({
      %run_scoped3A = tpu.sem_alloc : memref<!tpu.dma_semaphore, #tpu.memory_space<semaphore_mem>>
      %dma_start3A_810 = tpu.memref_slice %arg2[%mul3A_2] : memref<819200xi32, #tpu.memory_space<hbm>> -> memref<25600xi32, #tpu.memory_space<hbm>>
      %dma_start3A_811 = tpu.memref_slice %arg2[%mul3A_2] : memref<819200xi32, #tpu.memory_space<hbm>> -> memref<25600xi32, #tpu.memory_space<hbm>>
      tpu.enqueue_dma source(%dma_start3A_811 : memref<25600xi32, #tpu.memory_space<hbm>>) target(%arg5 : memref<25600xi32, #tpu.memory_space<vmem>>) target_semaphore(%run_scoped3A : memref<!tpu.dma_semaphore, #tpu.memory_space<semaphore_mem>>)
      %dma_wait3A_812 = tpu.memref_slice %arg2[%mul3A_2] : memref<819200xi32, #tpu.memory_space<hbm>> -> memref<25600xi32, #tpu.memory_space<hbm>>
      %dma_wait3A_813 = tpu.memref_slice %arg2[%mul3A_2] : memref<819200xi32, #tpu.memory_space<hbm>> -> memref<25600xi32, #tpu.memory_space<hbm>>
      tpu.wait_dma2 semaphore(%run_scoped3A : memref<!tpu.dma_semaphore, #tpu.memory_space<semaphore_mem>>) src(%dma_wait3A_813 : memref<25600xi32, #tpu.memory_space<hbm>>) dst(%arg5 : memref<25600xi32, #tpu.memory_space<vmem>>)
      tpu.yield
    }) : () -> ()
    %get3A = arith.constant 0 : index
    %get3A_3 = tpu.vector_load %arg5[%get3A] {strides = array<i32>} : memref<25600xi32, #tpu.memory_space<vmem>>, vector<16xi32>,
    %get3A_4 = vector.shape_cast %get3A_3 : vector<16xi32> to vector<16xi32>
    %dma_start3A = arith.constant 0 : i32
    %dma_start3A_5 = arith.constant 0 : i32
    %dma_start3A_6 = arith.constant 0 : i32
    %dma_start3A_7 = arith.constant 0 : i32
    %dma_start3A_8 = tpu.memref_slice %arg6[%dma_start3A, %dma_start3A_6, %dma_start3A_7] : memref<3x320x64xf32, #tpu.memory_space<vmem>> -> memref<1x320x64xf32, #tpu.memory_space<vmem>>
    %dma_start3A_9 = tpu.memref_squeeze %dma_start3A_8 : memref<1x320x64xf32, #tpu.memory_space<vmem>> -> memref<320x64xf32, #tpu.memory_space<vmem>>
    %dma_start3A_10 = arith.constant 0 : i32
    %dma_start3A_11 = arith.constant 0 : i32
    %dma_start3A_12 = tpu.memref_slice %dma_start3A_9[%dma_start3A_10, %dma_start3A_11] : memref<320x64xf32, #tpu.memory_space<vmem>> -> memref<16x64xf32, #tpu.memory_space<vmem>>
    %dma_start3A_13 = arith.constant 0 : i32
    %dma_start3A_14 = arith.constant 0 : i32
    %dma_start3A_15 = tpu.memref_slice %arg3[%dma_start3A_13, %dma_start3A_14] : memref<1000000x64xf32, #tpu.memory_space<hbm>> -> memref<1000000x64xf32, #tpu.memory_space<hbm>>
    %dma_start3A_16 = tpu.memref_slice %arg7[%dma_start3A_5] : memref<3x!tpu.dma_semaphore, #tpu.memory_space<semaphore_mem>> -> memref<1x!tpu.dma_semaphore, #tpu.memory_space<semaphore_mem>>
    %dma_start3A_17 = tpu.memref_squeeze %dma_start3A_16 : memref<1x!tpu.dma_semaphore, #tpu.memory_space<semaphore_mem>> -> memref<!tpu.dma_semaphore, #tpu.memory_space<semaphore_mem>>
    tpu.enqueue_indirect_dma source(%dma_start3A_15 : memref<1000000x64xf32, #tpu.memory_space<hbm>>) target(%dma_start3A_12 : memref<16x64xf32, #tpu.memory_space<vmem>>) offsets(%get3A_4 : vector<16xi32>) semaphore(%dma_start3A_17 : memref<!tpu.dma_semaphore, #tpu.memory_space<semaphore_mem>>)
    %get3A_18 = arith.constant 16 : index
    %get3A_19 = tpu.vector_load %arg5[%get3A_18] {strides = array<i32>} : memref<25600xi32, #tpu.memory_space<vmem>>, vector<16xi32>,
    %get3A_20 = vector.shape_cast %get3A_19 : vector<16xi32> to vector<16xi32>
    %dma_start3A_21 = arith.constant 0 : i32
    %dma_start3A_22 = arith.constant 0 : i32
    %dma_start3A_23 = arith.constant 0 : i32
    %dma_start3A_24 = arith.constant 0 : i32
    %dma_start3A_25 = tpu.memref_slice %arg6[%dma_start3A_21, %dma_start3A_23, %dma_start3A_24] : memref<3x320x64xf32, #tpu.memory_space<vmem>> -> memref<1x320x64xf32, #tpu.memory_space<vmem>>
    %dma_start3A_26 = tpu.memref_squeeze %dma_start3A_25 : memref<1x320x64xf32, #tpu.memory_space<vmem>> -> memref<320x64xf32, #tpu.memory_space<vmem>>
    %dma_start3A_27 = arith.constant 16 : i32
    %dma_start3A_28 = arith.constant 0 : i32
    %dma_start3A_29 = tpu.memref_slice %dma_start3A_26[%dma_start3A_27, %dma_start3A_28] : memref<320x64xf32, #tpu.memory_space<vmem>> -> memref<16x64xf32, #tpu.memory_space<vmem>>
    %dma_start3A_30 = arith.constant 0 : i32
    %dma_start3A_31 = arith.constant 0 : i32
    %dma_start3A_32 = tpu.memref_slice %arg3[%dma_start3A_30, %dma_start3A_31] : memref<1000000x64xf32, #tpu.memory_space<hbm>> -> memref<1000000x64xf32, #tpu.memory_space<hbm>>
    %dma_start3A_33 = tpu.memref_slice %arg7[%dma_start3A_22] : memref<3x!tpu.dma_semaphore, #tpu.memory_space<semaphore_mem>> -> memref<1x!tpu.dma_semaphore, #tpu.memory_space<semaphore_mem>>
    %dma_start3A_34 = tpu.memref_squeeze %dma_start3A_33 : memref<1x!tpu.dma_semaphore, #tpu.memory_space<semaphore_mem>> -> memref<!tpu.dma_semaphore, #tpu.memory_space<semaphore_mem>>
    tpu.enqueue_indirect_dma source(%dma_start3A_32 : memref<1000000x64xf32, #tpu.memory_space<hbm>>) target(%dma_start3A_29 : memref<16x64xf32, #tpu.memory_space<vmem>>) offsets(%get3A_20 : vector<16xi32>) semaphore(%dma_start3A_34 : memref<!tpu.dma_semaphore, #tpu.memory_space<semaphore_mem>>)
    %get3A_35 = arith.constant 32 : index
    %get3A_36 = tpu.vector_load %arg5[%get3A_35] {strides = array<i32>} : memref<25600xi32, #tpu.memory_space<vmem>>, vector<16xi32>,
    %get3A_37 = vector.shape_cast %get3A_36 : vector<16xi32> to vector<16xi32>
    %dma_start3A_38 = arith.constant 0 : i32
    %dma_start3A_39 = arith.constant 0 : i32
    %dma_start3A_40 = arith.constant 0 : i32
    %dma_start3A_41 = arith.constant 0 : i32
    %dma_start3A_42 = tpu.memref_slice %arg6[%dma_start3A_38, %dma_start3A_40, %dma_start3A_41] : memref<3x320x64xf32, #tpu.memory_space<vmem>> -> memref<1x320x64xf32, #tpu.memory_space<vmem>>
    %dma_start3A_43 = tpu.memref_squeeze %dma_start3A_42 : memref<1x320x64xf32, #tpu.memory_space<vmem>> -> memref<320x64xf32, #tpu.memory_space<vmem>>
    %dma_start3A_44 = arith.constant 32 : i32
    %dma_start3A_45 = arith.constant 0 : i32
    %dma_start3A_46 = tpu.memref_slice %dma_start3A_43[%dma_start3A_44, %dma_start3A_45] : memref<320x64xf32, #tpu.memory_space<vmem>> -> memref<16x64xf32, #tpu.memory_space<vmem>>
    %dma_start3A_47 = arith.constant 0 : i32
    %dma_start3A_48 = arith.constant 0 : i32
    %dma_start3A_49 = tpu.memref_slice %arg3[%dma_start3A_47, %dma_start3A_48] : memref<1000000x64xf32, #tpu.memory_space<hbm>> -> memref<1000000x64xf32, #tpu.memory_space<hbm>>
    %dma_start3A_50 = tpu.memref_slice %arg7[%dma_start3A_39] : memref<3x!tpu.dma_semaphore, #tpu.memory_space<semaphore_mem>> -> memref<1x!tpu.dma_semaphore, #tpu.memory_space<semaphore_mem>>
    %dma_start3A_51 = tpu.memref_squeeze %dma_start3A_50 : memref<1x!tpu.dma_semaphore, #tpu.memory_space<semaphore_mem>> -> memref<!tpu.dma_semaphore, #tpu.memory_space<semaphore_mem>>
    tpu.enqueue_indirect_dma source(%dma_start3A_49 : memref<1000000x64xf32, #tpu.memory_space<hbm>>) target(%dma_start3A_46 : memref<16x64xf32, #tpu.memory_space<vmem>>) offsets(%get3A_37 : vector<16xi32>) semaphore(%dma_start3A_51 : memref<!tpu.dma_semaphore, #tpu.memory_space<semaphore_mem>>)
    %get3A_52 = arith.constant 48 : index
    %get3A_53 = tpu.vector_load %arg5[%get3A_52] {strides = array<i32>} : memref<25600xi32, #tpu.memory_space<vmem>>, vector<16xi32>,
    %get3A_54 = vector.shape_cast %get3A_53 : vector<16xi32> to vector<16xi32>
    %dma_start3A_55 = arith.constant 0 : i32
    %dma_start3A_56 = arith.constant 0 : i32
    %dma_start3A_57 = arith.constant 0 : i32
    %dma_start3A_58 = arith.constant 0 : i32
    %dma_start3A_59 = tpu.memref_slice %arg6[%dma_start3A_55, %dma_start3A_57, %dma_start3A_58] : memref<3x320x64xf32, #tpu.memory_space<vmem>> -> memref<1x320x64xf32, #tpu.memory_space<vmem>>
    %dma_start3A_60 = tpu.memref_squeeze %dma_start3A_59 : memref<1x320x64xf32, #tpu.memory_space<vmem>> -> memref<320x64xf32, #tpu.memory_space<vmem>>
    %dma_start3A_61 = arith.constant 48 : i32
    %dma_start3A_62 = arith.constant 0 : i32
    %dma_start3A_63 = tpu.memref_slice %dma_start3A_60[%dma_start3A_61, %dma_start3A_62] : memref<320x64xf32, #tpu.memory_space<vmem>> -> memref<16x64xf32, #tpu.memory_space<vmem>>
    %dma_start3A_64 = arith.constant 0 : i32
    %dma_start3A_65 = arith.constant 0 : i32
    %dma_start3A_66 = tpu.memref_slice %arg3[%dma_start3A_64, %dma_start3A_65] : memref<1000000x64xf32, #tpu.memory_space<hbm>> -> memref<1000000x64xf32, #tpu.memory_space<hbm>>
    %dma_start3A_67 = tpu.memref_slice %arg7[%dma_start3A_56] : memref<3x!tpu.dma_semaphore, #tpu.memory_space<semaphore_mem>> -> memref<1x!tpu.dma_semaphore, #tpu.memory_space<semaphore_mem>>
    %dma_start3A_68 = tpu.memref_squeeze %dma_start3A_67 : memref<1x!tpu.dma_semaphore, #tpu.memory_space<semaphore_mem>> -> memref<!tpu.dma_semaphore, #tpu.memory_space<semaphore_mem>>
    tpu.enqueue_indirect_dma source(%dma_start3A_66 : memref<1000000x64xf32, #tpu.memory_space<hbm>>) target(%dma_start3A_63 : memref<16x64xf32, #tpu.memory_space<vmem>>) offsets(%get3A_54 : vector<16xi32>) semaphore(%dma_start3A_68 : memref<!tpu.dma_semaphore, #tpu.memory_space<semaphore_mem>>)
    %get3A_69 = arith.constant 64 : index
    %get3A_70 = tpu.vector_load %arg5[%get3A_69] {strides = array<i32>} : memref<25600xi32, #tpu.memory_space<vmem>>, vector<16xi32>,
    %get3A_71 = vector.shape_cast %get3A_70 : vector<16xi32> to vector<16xi32>
    %dma_start3A_72 = arith.constant 0 : i32
    %dma_start3A_73 = arith.constant 0 : i32
    %dma_start3A_74 = arith.constant 0 : i32
    %dma_start3A_75 = arith.constant 0 : i32
    %dma_start3A_76 = tpu.memref_slice %arg6[%dma_start3A_72, %dma_start3A_74, %dma_start3A_75] : memref<3x320x64xf32, #tpu.memory_space<vmem>> -> memref<1x320x64xf32, #tpu.memory_space<vmem>>
    %dma_start3A_77 = tpu.memref_squeeze %dma_start3A_76 : memref<1x320x64xf32, #tpu.memory_space<vmem>> -> memref<320x64xf32, #tpu.memory_space<vmem>>
    %dma_start3A_78 = arith.constant 64 : i32
    %dma_start3A_79 = arith.constant 0 : i32
    %dma_start3A_80 = tpu.memref_slice %dma_start3A_77[%dma_start3A_78, %dma_start3A_79] : memref<320x64xf32, #tpu.memory_space<vmem>> -> memref<16x64xf32, #tpu.memory_space<vmem>>
    %dma_start3A_81 = arith.constant 0 : i32
    %dma_start3A_82 = arith.constant 0 : i32
    %dma_start3A_83 = tpu.memref_slice %arg3[%dma_start3A_81, %dma_start3A_82] : memref<1000000x64xf32, #tpu.memory_space<hbm>> -> memref<1000000x64xf32, #tpu.memory_space<hbm>>
    %dma_start3A_84 = tpu.memref_slice %arg7[%dma_start3A_73] : memref<3x!tpu.dma_semaphore, #tpu.memory_space<semaphore_mem>> -> memref<1x!tpu.dma_semaphore, #tpu.memory_space<semaphore_mem>>
    %dma_start3A_85 = tpu.memref_squeeze %dma_start3A_84 : memref<1x!tpu.dma_semaphore, #tpu.memory_space<semaphore_mem>> -> memref<!tpu.dma_semaphore, #tpu.memory_space<semaphore_mem>>
    tpu.enqueue_indirect_dma source(%dma_start3A_83 : memref<1000000x64xf32, #tpu.memory_space<hbm>>) target(%dma_start3A_80 : memref<16x64xf32, #tpu.memory_space<vmem>>) offsets(%get3A_71 : vector<16xi32>) semaphore(%dma_start3A_85 : memref<!tpu.dma_semaphore, #tpu.memory_space<semaphore_mem>>)
    %get3A_86 = arith.constant 80 : index
    %get3A_87 = tpu.vector_load %arg5[%get3A_86] {strides = array<i32>} : memref<25600xi32, #tpu.memory_space<vmem>>, vector<16xi32>,
    %get3A_88 = vector.shape_cast %get3A_87 : vector<16xi32> to vector<16xi32>
    %dma_start3A_89 = arith.constant 0 : i32
    %dma_start3A_90 = arith.constant 0 : i32
    %dma_start3A_91 = arith.constant 0 : i32
    %dma_start3A_92 = arith.constant 0 : i32
    %dma_start3A_93 = tpu.memref_slice %arg6[%dma_start3A_89, %dma_start3A_91, %dma_start3A_92] : memref<3x320x64xf32, #tpu.memory_space<vmem>> -> memref<1x320x64xf32, #tpu.memory_space<vmem>>
    %dma_start3A_94 = tpu.memref_squeeze %dma_start3A_93 : memref<1x320x64xf32, #tpu.memory_space<vmem>> -> memref<320x64xf32, #tpu.memory_space<vmem>>
    %dma_start3A_95 = arith.constant 80 : i32
    %dma_start3A_96 = arith.constant 0 : i32
    %dma_start3A_97 = tpu.memref_slice %dma_start3A_94[%dma_start3A_95, %dma_start3A_96] : memref<320x64xf32, #tpu.memory_space<vmem>> -> memref<16x64xf32, #tpu.memory_space<vmem>>
    %dma_start3A_98 = arith.constant 0 : i32
    %dma_start3A_99 = arith.constant 0 : i32
    %dma_start3A_100 = tpu.memref_slice %arg3[%dma_start3A_98, %dma_start3A_99] : memref<1000000x64xf32, #tpu.memory_space<hbm>> -> memref<1000000x64xf32, #tpu.memory_space<hbm>>
    %dma_start3A_101 = tpu.memref_slice %arg7[%dma_start3A_90] : memref<3x!tpu.dma_semaphore, #tpu.memory_space<semaphore_mem>> -> memref<1x!tpu.dma_semaphore, #tpu.memory_space<semaphore_mem>>
    %dma_start3A_102 = tpu.memref_squeeze %dma_start3A_101 : memref<1x!tpu.dma_semaphore, #tpu.memory_space<semaphore_mem>> -> memref<!tpu.dma_semaphore, #tpu.memory_space<semaphore_mem>>
    tpu.enqueue_indirect_dma source(%dma_start3A_100 : memref<1000000x64xf32, #tpu.memory_space<hbm>>) target(%dma_start3A_97 : memref<16x64xf32, #tpu.memory_space<vmem>>) offsets(%get3A_88 : vector<16xi32>) semaphore(%dma_start3A_102 : memref<!tpu.dma_semaphore, #tpu.memory_space<semaphore_mem>>)
    %get3A_103 = arith.constant 96 : index
    %get3A_104 = tpu.vector_load %arg5[%get3A_103] {strides = array<i32>} : memref<25600xi32, #tpu.memory_space<vmem>>, vector<16xi32>,
    %get3A_105 = vector.shape_cast %get3A_104 : vector<16xi32> to vector<16xi32>
    %dma_start3A_106 = arith.constant 0 : i32
    %dma_start3A_107 = arith.constant 0 : i32
    %dma_start3A_108 = arith.constant 0 : i32
    %dma_start3A_109 = arith.constant 0 : i32
    %dma_start3A_110 = tpu.memref_slice %arg6[%dma_start3A_106, %dma_start3A_108, %dma_start3A_109] : memref<3x320x64xf32, #tpu.memory_space<vmem>> -> memref<1x320x64xf32, #tpu.memory_space<vmem>>
    %dma_start3A_111 = tpu.memref_squeeze %dma_start3A_110 : memref<1x320x64xf32, #tpu.memory_space<vmem>> -> memref<320x64xf32, #tpu.memory_space<vmem>>
    %dma_start3A_112 = arith.constant 96 : i32
    %dma_start3A_113 = arith.constant 0 : i32
    %dma_start3A_114 = tpu.memref_slice %dma_start3A_111[%dma_start3A_112, %dma_start3A_113] : memref<320x64xf32, #tpu.memory_space<vmem>> -> memref<16x64xf32, #tpu.memory_space<vmem>>
    %dma_start3A_115 = arith.constant 0 : i32
    %dma_start3A_116 = arith.constant 0 : i32
    %dma_start3A_117 = tpu.memref_slice %arg3[%dma_start3A_115, %dma_start3A_116] : memref<1000000x64xf32, #tpu.memory_space<hbm>> -> memref<1000000x64xf32, #tpu.memory_space<hbm>>
    %dma_start3A_118 = tpu.memref_slice %arg7[%dma_start3A_107] : memref<3x!tpu.dma_semaphore, #tpu.memory_space<semaphore_mem>> -> memref<1x!tpu.dma_semaphore, #tpu.memory_space<semaphore_mem>>
    %dma_start3A_119 = tpu.memref_squeeze %dma_start3A_118 : memref<1x!tpu.dma_semaphore, #tpu.memory_space<semaphore_mem>> -> memref<!tpu.dma_semaphore, #tpu.memory_space<semaphore_mem>>
    tpu.enqueue_indirect_dma source(%dma_start3A_117 : memref<1000000x64xf32, #tpu.memory_space<hbm>>) target(%dma_start3A_114 : memref<16x64xf32, #tpu.memory_space<vmem>>) offsets(%get3A_105 : vector<16xi32>) semaphore(%dma_start3A_119 : memref<!tpu.dma_semaphore, #tpu.memory_space<semaphore_mem>>)
    %get3A_120 = arith.constant 112 : index
    %get3A_121 = tpu.vector_load %arg5[%get3A_120] {strides = array<i32>} : memref<25600xi32, #tpu.memory_space<vmem>>, vector<16xi32>,
    %get3A_122 = vector.shape_cast %get3A_121 : vector<16xi32> to vector<16xi32>
    %dma_start3A_123 = arith.constant 0 : i32
    %dma_start3A_124 = arith.constant 0 : i32
    %dma_start3A_125 = arith.constant 0 : i32
    %dma_start3A_126 = arith.constant 0 : i32
    %dma_start3A_127 = tpu.memref_slice %arg6[%dma_start3A_123, %dma_start3A_125, %dma_start3A_126] : memref<3x320x64xf32, #tpu.memory_space<vmem>> -> memref<1x320x64xf32, #tpu.memory_space<vmem>>
    %dma_start3A_128 = tpu.memref_squeeze %dma_start3A_127 : memref<1x320x64xf32, #tpu.memory_space<vmem>> -> memref<320x64xf32, #tpu.memory_space<vmem>>
    %dma_start3A_129 = arith.constant 112 : i32
    %dma_start3A_130 = arith.constant 0 : i32
    %dma_start3A_131 = tpu.memref_slice %dma_start3A_128[%dma_start3A_129, %dma_start3A_130] : memref<320x64xf32, #tpu.memory_space<vmem>> -> memref<16x64xf32, #tpu.memory_space<vmem>>
    %dma_start3A_132 = arith.constant 0 : i32
    %dma_start3A_133 = arith.constant 0 : i32
    %dma_start3A_134 = tpu.memref_slice %arg3[%dma_start3A_132, %dma_start3A_133] : memref<1000000x64xf32, #tpu.memory_space<hbm>> -> memref<1000000x64xf32, #tpu.memory_space<hbm>>
    %dma_start3A_135 = tpu.memref_slice %arg7[%dma_start3A_124] : memref<3x!tpu.dma_semaphore, #tpu.memory_space<semaphore_mem>> -> memref<1x!tpu.dma_semaphore, #tpu.memory_space<semaphore_mem>>
    %dma_start3A_136 = tpu.memref_squeeze %dma_start3A_135 : memref<1x!tpu.dma_semaphore, #tpu.memory_space<semaphore_mem>> -> memref<!tpu.dma_semaphore, #tpu.memory_space<semaphore_mem>>
    tpu.enqueue_indirect_dma source(%dma_start3A_134 : memref<1000000x64xf32, #tpu.memory_space<hbm>>) target(%dma_start3A_131 : memref<16x64xf32, #tpu.memory_space<vmem>>) offsets(%get3A_122 : vector<16xi32>) semaphore(%dma_start3A_136 : memref<!tpu.dma_semaphore, #tpu.memory_space<semaphore_mem>>)
    %get3A_137 = arith.constant 128 : index
    %get3A_138 = tpu.vector_load %arg5[%get3A_137] {strides = array<i32>} : memref<25600xi32, #tpu.memory_space<vmem>>, vector<16xi32>,
    %get3A_139 = vector.shape_cast %get3A_138 : vector<16xi32> to vector<16xi32>
    %dma_start3A_140 = arith.constant 0 : i32
    %dma_start3A_141 = arith.constant 0 : i32
    %dma_start3A_142 = arith.constant 0 : i32
    %dma_start3A_143 = arith.constant 0 : i32
    %dma_start3A_144 = tpu.memref_slice %arg6[%dma_start3A_140, %dma_start3A_142, %dma_start3A_143] : memref<3x320x64xf32, #tpu.memory_space<vmem>> -> memref<1x320x64xf32, #tpu.memory_space<vmem>>
    %dma_start3A_145 = tpu.memref_squeeze %dma_start3A_144 : memref<1x320x64xf32, #tpu.memory_space<vmem>> -> memref<320x64xf32, #tpu.memory_space<vmem>>
    %dma_start3A_146 = arith.constant 128 : i32
    %dma_start3A_147 = arith.constant 0 : i32
    %dma_start3A_148 = tpu.memref_slice %dma_start3A_145[%dma_start3A_146, %dma_start3A_147] : memref<320x64xf32, #tpu.memory_space<vmem>> -> memref<16x64xf32, #tpu.memory_space<vmem>>
    %dma_start3A_149 = arith.constant 0 : i32
    %dma_start3A_150 = arith.constant 0 : i32
    %dma_start3A_151 = tpu.memref_slice %arg3[%dma_start3A_149, %dma_start3A_150] : memref<1000000x64xf32, #tpu.memory_space<hbm>> -> memref<1000000x64xf32, #tpu.memory_space<hbm>>
    %dma_start3A_152 = tpu.memref_slice %arg7[%dma_start3A_141] : memref<3x!tpu.dma_semaphore, #tpu.memory_space<semaphore_mem>> -> memref<1x!tpu.dma_semaphore, #tpu.memory_space<semaphore_mem>>
    %dma_start3A_153 = tpu.memref_squeeze %dma_start3A_152 : memref<1x!tpu.dma_semaphore, #tpu.memory_space<semaphore_mem>> -> memref<!tpu.dma_semaphore, #tpu.memory_space<semaphore_mem>>
    tpu.enqueue_indirect_dma source(%dma_start3A_151 : memref<1000000x64xf32, #tpu.memory_space<hbm>>) target(%dma_start3A_148 : memref<16x64xf32, #tpu.memory_space<vmem>>) offsets(%get3A_139 : vector<16xi32>) semaphore(%dma_start3A_153 : memref<!tpu.dma_semaphore, #tpu.memory_space<semaphore_mem>>)
    %get3A_154 = arith.constant 144 : index
    %get3A_155 = tpu.vector_load %arg5[%get3A_154] {strides = array<i32>} : memref<25600xi32, #tpu.memory_space<vmem>>, vector<16xi32>,
    %get3A_156 = vector.shape_cast %get3A_155 : vector<16xi32> to vector<16xi32>
    %dma_start3A_157 = arith.constant 0 : i32
    %dma_start3A_158 = arith.constant 0 : i32
    %dma_start3A_159 = arith.constant 0 : i32
    %dma_start3A_160 = arith.constant 0 : i32
    %dma_start3A_161 = tpu.memref_slice %arg6[%dma_start3A_157, %dma_start3A_159, %dma_start3A_160] : memref<3x320x64xf32, #tpu.memory_space<vmem>> -> memref<1x320x64xf32, #tpu.memory_space<vmem>>
    %dma_start3A_162 = tpu.memref_squeeze %dma_start3A_161 : memref<1x320x64xf32, #tpu.memory_space<vmem>> -> memref<320x64xf32, #tpu.memory_space<vmem>>
    %dma_start3A_163 = arith.constant 144 : i32
    %dma_start3A_164 = arith.constant 0 : i32
    %dma_start3A_165 = tpu.memref_slice %dma_start3A_162[%dma_start3A_163, %dma_start3A_164] : memref<320x64xf32, #tpu.memory_space<vmem>> -> memref<16x64xf32, #tpu.memory_space<vmem>>
    %dma_start3A_166 = arith.constant 0 : i32
    %dma_start3A_167 = arith.constant 0 : i32
    %dma_start3A_168 = tpu.memref_slice %arg3[%dma_start3A_166, %dma_start3A_167] : memref<1000000x64xf32, #tpu.memory_space<hbm>> -> memref<1000000x64xf32, #tpu.memory_space<hbm>>
    %dma_start3A_169 = tpu.memref_slice %arg7[%dma_start3A_158] : memref<3x!tpu.dma_semaphore, #tpu.memory_space<semaphore_mem>> -> memref<1x!tpu.dma_semaphore, #tpu.memory_space<semaphore_mem>>
    %dma_start3A_170 = tpu.memref_squeeze %dma_start3A_169 : memref<1x!tpu.dma_semaphore, #tpu.memory_space<semaphore_mem>> -> memref<!tpu.dma_semaphore, #tpu.memory_space<semaphore_mem>>
    tpu.enqueue_indirect_dma source(%dma_start3A_168 : memref<1000000x64xf32, #tpu.memory_space<hbm>>) target(%dma_start3A_165 : memref<16x64xf32, #tpu.memory_space<vmem>>) offsets(%get3A_156 : vector<16xi32>) semaphore(%dma_start3A_170 : memref<!tpu.dma_semaphore, #tpu.memory_space<semaphore_mem>>)
    %get3A_171 = arith.constant 160 : index
    %get3A_172 = tpu.vector_load %arg5[%get3A_171] {strides = array<i32>} : memref<25600xi32, #tpu.memory_space<vmem>>, vector<16xi32>,
    %get3A_173 = vector.shape_cast %get3A_172 : vector<16xi32> to vector<16xi32>
    %dma_start3A_174 = arith.constant 0 : i32
    %dma_start3A_175 = arith.constant 0 : i32
    %dma_start3A_176 = arith.constant 0 : i32
    %dma_start3A_177 = arith.constant 0 : i32
    %dma_start3A_178 = tpu.memref_slice %arg6[%dma_start3A_174, %dma_start3A_176, %dma_start3A_177] : memref<3x320x64xf32, #tpu.memory_space<vmem>> -> memref<1x320x64xf32, #tpu.memory_space<vmem>>
    %dma_start3A_179 = tpu.memref_squeeze %dma_start3A_178 : memref<1x320x64xf32, #tpu.memory_space<vmem>> -> memref<320x64xf32, #tpu.memory_space<vmem>>
    %dma_start3A_180 = arith.constant 160 : i32
    %dma_start3A_181 = arith.constant 0 : i32
    %dma_start3A_182 = tpu.memref_slice %dma_start3A_179[%dma_start3A_180, %dma_start3A_181] : memref<320x64xf32, #tpu.memory_space<vmem>> -> memref<16x64xf32, #tpu.memory_space<vmem>>
    %dma_start3A_183 = arith.constant 0 : i32
    %dma_start3A_184 = arith.constant 0 : i32
    %dma_start3A_185 = tpu.memref_slice %arg3[%dma_start3A_183, %dma_start3A_184] : memref<1000000x64xf32, #tpu.memory_space<hbm>> -> memref<1000000x64xf32, #tpu.memory_space<hbm>>
    %dma_start3A_186 = tpu.memref_slice %arg7[%dma_start3A_175] : memref<3x!tpu.dma_semaphore, #tpu.memory_space<semaphore_mem>> -> memref<1x!tpu.dma_semaphore, #tpu.memory_space<semaphore_mem>>
    %dma_start3A_187 = tpu.memref_squeeze %dma_start3A_186 : memref<1x!tpu.dma_semaphore, #tpu.memory_space<semaphore_mem>> -> memref<!tpu.dma_semaphore, #tpu.memory_space<semaphore_mem>>
    tpu.enqueue_indirect_dma source(%dma_start3A_185 : memref<1000000x64xf32, #tpu.memory_space<hbm>>) target(%dma_start3A_182 : memref<16x64xf32, #tpu.memory_space<vmem>>) offsets(%get3A_173 : vector<16xi32>) semaphore(%dma_start3A_187 : memref<!tpu.dma_semaphore, #tpu.memory_space<semaphore_mem>>)
    %get3A_188 = arith.constant 176 : index
    %get3A_189 = tpu.vector_load %arg5[%get3A_188] {strides = array<i32>} : memref<25600xi32, #tpu.memory_space<vmem>>, vector<16xi32>,
    %get3A_190 = vector.shape_cast %get3A_189 : vector<16xi32> to vector<16xi32>
    %dma_start3A_191 = arith.constant 0 : i32
    %dma_start3A_192 = arith.constant 0 : i32
    %dma_start3A_193 = arith.constant 0 : i32
    %dma_start3A_194 = arith.constant 0 : i32
    %dma_start3A_195 = tpu.memref_slice %arg6[%dma_start3A_191, %dma_start3A_193, %dma_start3A_194] : memref<3x320x64xf32, #tpu.memory_space<vmem>> -> memref<1x320x64xf32, #tpu.memory_space<vmem>>
    %dma_start3A_196 = tpu.memref_squeeze %dma_start3A_195 : memref<1x320x64xf32, #tpu.memory_space<vmem>> -> memref<320x64xf32, #tpu.memory_space<vmem>>
    %dma_start3A_197 = arith.constant 176 : i32
    %dma_start3A_198 = arith.constant 0 : i32
    %dma_start3A_199 = tpu.memref_slice %dma_start3A_196[%dma_start3A_197, %dma_start3A_198] : memref<320x64xf32, #tpu.memory_space<vmem>> -> memref<16x64xf32, #tpu.memory_space<vmem>>
    %dma_start3A_200 = arith.constant 0 : i32
    %dma_start3A_201 = arith.constant 0 : i32
    %dma_start3A_202 = tpu.memref_slice %arg3[%dma_start3A_200, %dma_start3A_201] : memref<1000000x64xf32, #tpu.memory_space<hbm>> -> memref<1000000x64xf32, #tpu.memory_space<hbm>>
    %dma_start3A_203 = tpu.memref_slice %arg7[%dma_start3A_192] : memref<3x!tpu.dma_semaphore, #tpu.memory_space<semaphore_mem>> -> memref<1x!tpu.dma_semaphore, #tpu.memory_space<semaphore_mem>>
    %dma_start3A_204 = tpu.memref_squeeze %dma_start3A_203 : memref<1x!tpu.dma_semaphore, #tpu.memory_space<semaphore_mem>> -> memref<!tpu.dma_semaphore, #tpu.memory_space<semaphore_mem>>
    tpu.enqueue_indirect_dma source(%dma_start3A_202 : memref<1000000x64xf32, #tpu.memory_space<hbm>>) target(%dma_start3A_199 : memref<16x64xf32, #tpu.memory_space<vmem>>) offsets(%get3A_190 : vector<16xi32>) semaphore(%dma_start3A_204 : memref<!tpu.dma_semaphore, #tpu.memory_space<semaphore_mem>>)
    %get3A_205 = arith.constant 192 : index
    %get3A_206 = tpu.vector_load %arg5[%get3A_205] {strides = array<i32>} : memref<25600xi32, #tpu.memory_space<vmem>>, vector<16xi32>,
    %get3A_207 = vector.shape_cast %get3A_206 : vector<16xi32> to vector<16xi32>
    %dma_start3A_208 = arith.constant 0 : i32
    %dma_start3A_209 = arith.constant 0 : i32
    %dma_start3A_210 = arith.constant 0 : i32
    %dma_start3A_211 = arith.constant 0 : i32
    %dma_start3A_212 = tpu.memref_slice %arg6[%dma_start3A_208, %dma_start3A_210, %dma_start3A_211] : memref<3x320x64xf32, #tpu.memory_space<vmem>> -> memref<1x320x64xf32, #tpu.memory_space<vmem>>
    %dma_start3A_213 = tpu.memref_squeeze %dma_start3A_212 : memref<1x320x64xf32, #tpu.memory_space<vmem>> -> memref<320x64xf32, #tpu.memory_space<vmem>>
    %dma_start3A_214 = arith.constant 192 : i32
    %dma_start3A_215 = arith.constant 0 : i32
    %dma_start3A_216 = tpu.memref_slice %dma_start3A_213[%dma_start3A_214, %dma_start3A_215] : memref<320x64xf32, #tpu.memory_space<vmem>> -> memref<16x64xf32, #tpu.memory_space<vmem>>
    %dma_start3A_217 = arith.constant 0 : i32
    %dma_start3A_218 = arith.constant 0 : i32
    %dma_start3A_219 = tpu.memref_slice %arg3[%dma_start3A_217, %dma_start3A_218] : memref<1000000x64xf32, #tpu.memory_space<hbm>> -> memref<1000000x64xf32, #tpu.memory_space<hbm>>
    %dma_start3A_220 = tpu.memref_slice %arg7[%dma_start3A_209] : memref<3x!tpu.dma_semaphore, #tpu.memory_space<semaphore_mem>> -> memref<1x!tpu.dma_semaphore, #tpu.memory_space<semaphore_mem>>
    %dma_start3A_221 = tpu.memref_squeeze %dma_start3A_220 : memref<1x!tpu.dma_semaphore, #tpu.memory_space<semaphore_mem>> -> memref<!tpu.dma_semaphore, #tpu.memory_space<semaphore_mem>>
    tpu.enqueue_indirect_dma source(%dma_start3A_219 : memref<1000000x64xf32, #tpu.memory_space<hbm>>) target(%dma_start3A_216 : memref<16x64xf32, #tpu.memory_space<vmem>>) offsets(%get3A_207 : vector<16xi32>) semaphore(%dma_start3A_221 : memref<!tpu.dma_semaphore, #tpu.memory_space<semaphore_mem>>)
    %get3A_222 = arith.constant 208 : index
    %get3A_223 = tpu.vector_load %arg5[%get3A_222] {strides = array<i32>} : memref<25600xi32, #tpu.memory_space<vmem>>, vector<16xi32>,
    %get3A_224 = vector.shape_cast %get3A_223 : vector<16xi32> to vector<16xi32>
    %dma_start3A_225 = arith.constant 0 : i32
    %dma_start3A_226 = arith.constant 0 : i32
    %dma_start3A_227 = arith.constant 0 : i32
    %dma_start3A_228 = arith.constant 0 : i32
    %dma_start3A_229 = tpu.memref_slice %arg6[%dma_start3A_225, %dma_start3A_227, %dma_start3A_228] : memref<3x320x64xf32, #tpu.memory_space<vmem>> -> memref<1x320x64xf32, #tpu.memory_space<vmem>>
    %dma_start3A_230 = tpu.memref_squeeze %dma_start3A_229 : memref<1x320x64xf32, #tpu.memory_space<vmem>> -> memref<320x64xf32, #tpu.memory_space<vmem>>
    %dma_start3A_231 = arith.constant 208 : i32
    %dma_start3A_232 = arith.constant 0 : i32
    %dma_start3A_233 = tpu.memref_slice %dma_start3A_230[%dma_start3A_231, %dma_start3A_232] : memref<320x64xf32, #tpu.memory_space<vmem>> -> memref<16x64xf32, #tpu.memory_space<vmem>>
    %dma_start3A_234 = arith.constant 0 : i32
    %dma_start3A_235 = arith.constant 0 : i32
    %dma_start3A_236 = tpu.memref_slice %arg3[%dma_start3A_234, %dma_start3A_235] : memref<1000000x64xf32, #tpu.memory_space<hbm>> -> memref<1000000x64xf32, #tpu.memory_space<hbm>>
    %dma_start3A_237 = tpu.memref_slice %arg7[%dma_start3A_226] : memref<3x!tpu.dma_semaphore, #tpu.memory_space<semaphore_mem>> -> memref<1x!tpu.dma_semaphore, #tpu.memory_space<semaphore_mem>>
    %dma_start3A_238 = tpu.memref_squeeze %dma_start3A_237 : memref<1x!tpu.dma_semaphore, #tpu.memory_space<semaphore_mem>> -> memref<!tpu.dma_semaphore, #tpu.memory_space<semaphore_mem>>
    tpu.enqueue_indirect_dma source(%dma_start3A_236 : memref<1000000x64xf32, #tpu.memory_space<hbm>>) target(%dma_start3A_233 : memref<16x64xf32, #tpu.memory_space<vmem>>) offsets(%get3A_224 : vector<16xi32>) semaphore(%dma_start3A_238 : memref<!tpu.dma_semaphore, #tpu.memory_space<semaphore_mem>>)
    %get3A_239 = arith.constant 224 : index
    %get3A_240 = tpu.vector_load %arg5[%get3A_239] {strides = array<i32>} : memref<25600xi32, #tpu.memory_space<vmem>>, vector<16xi32>,
    %get3A_241 = vector.shape_cast %get3A_240 : vector<16xi32> to vector<16xi32>
    %dma_start3A_242 = arith.constant 0 : i32
    %dma_start3A_243 = arith.constant 0 : i32
    %dma_start3A_244 = arith.constant 0 : i32
    %dma_start3A_245 = arith.constant 0 : i32
    %dma_start3A_246 = tpu.memref_slice %arg6[%dma_start3A_242, %dma_start3A_244, %dma_start3A_245] : memref<3x320x64xf32, #tpu.memory_space<vmem>> -> memref<1x320x64xf32, #tpu.memory_space<vmem>>
    %dma_start3A_247 = tpu.memref_squeeze %dma_start3A_246 : memref<1x320x64xf32, #tpu.memory_space<vmem>> -> memref<320x64xf32, #tpu.memory_space<vmem>>
    %dma_start3A_248 = arith.constant 224 : i32
    %dma_start3A_249 = arith.constant 0 : i32
    %dma_start3A_250 = tpu.memref_slice %dma_start3A_247[%dma_start3A_248, %dma_start3A_249] : memref<320x64xf32, #tpu.memory_space<vmem>> -> memref<16x64xf32, #tpu.memory_space<vmem>>
    %dma_start3A_251 = arith.constant 0 : i32
    %dma_start3A_252 = arith.constant 0 : i32
    %dma_start3A_253 = tpu.memref_slice %arg3[%dma_start3A_251, %dma_start3A_252] : memref<1000000x64xf32, #tpu.memory_space<hbm>> -> memref<1000000x64xf32, #tpu.memory_space<hbm>>
    %dma_start3A_254 = tpu.memref_slice %arg7[%dma_start3A_243] : memref<3x!tpu.dma_semaphore, #tpu.memory_space<semaphore_mem>> -> memref<1x!tpu.dma_semaphore, #tpu.memory_space<semaphore_mem>>
    %dma_start3A_255 = tpu.memref_squeeze %dma_start3A_254 : memref<1x!tpu.dma_semaphore, #tpu.memory_space<semaphore_mem>> -> memref<!tpu.dma_semaphore, #tpu.memory_space<semaphore_mem>>
    tpu.enqueue_indirect_dma source(%dma_start3A_253 : memref<1000000x64xf32, #tpu.memory_space<hbm>>) target(%dma_start3A_250 : memref<16x64xf32, #tpu.memory_space<vmem>>) offsets(%get3A_241 : vector<16xi32>) semaphore(%dma_start3A_255 : memref<!tpu.dma_semaphore, #tpu.memory_space<semaphore_mem>>)
    %get3A_256 = arith.constant 240 : index
    %get3A_257 = tpu.vector_load %arg5[%get3A_256] {strides = array<i32>} : memref<25600xi32, #tpu.memory_space<vmem>>, vector<16xi32>,
    %get3A_258 = vector.shape_cast %get3A_257 : vector<16xi32> to vector<16xi32>
    %dma_start3A_259 = arith.constant 0 : i32
    %dma_start3A_260 = arith.constant 0 : i32
    %dma_start3A_261 = arith.constant 0 : i32
    %dma_start3A_262 = arith.constant 0 : i32
    %dma_start3A_263 = tpu.memref_slice %arg6[%dma_start3A_259, %dma_start3A_261, %dma_start3A_262] : memref<3x320x64xf32, #tpu.memory_space<vmem>> -> memref<1x320x64xf32, #tpu.memory_space<vmem>>
    %dma_start3A_264 = tpu.memref_squeeze %dma_start3A_263 : memref<1x320x64xf32, #tpu.memory_space<vmem>> -> memref<320x64xf32, #tpu.memory_space<vmem>>
    %dma_start3A_265 = arith.constant 240 : i32
    %dma_start3A_266 = arith.constant 0 : i32
    %dma_start3A_267 = tpu.memref_slice %dma_start3A_264[%dma_start3A_265, %dma_start3A_266] : memref<320x64xf32, #tpu.memory_space<vmem>> -> memref<16x64xf32, #tpu.memory_space<vmem>>
    %dma_start3A_268 = arith.constant 0 : i32
    %dma_start3A_269 = arith.constant 0 : i32
    %dma_start3A_270 = tpu.memref_slice %arg3[%dma_start3A_268, %dma_start3A_269] : memref<1000000x64xf32, #tpu.memory_space<hbm>> -> memref<1000000x64xf32, #tpu.memory_space<hbm>>
    %dma_start3A_271 = tpu.memref_slice %arg7[%dma_start3A_260] : memref<3x!tpu.dma_semaphore, #tpu.memory_space<semaphore_mem>> -> memref<1x!tpu.dma_semaphore, #tpu.memory_space<semaphore_mem>>
    %dma_start3A_272 = tpu.memref_squeeze %dma_start3A_271 : memref<1x!tpu.dma_semaphore, #tpu.memory_space<semaphore_mem>> -> memref<!tpu.dma_semaphore, #tpu.memory_space<semaphore_mem>>
    tpu.enqueue_indirect_dma source(%dma_start3A_270 : memref<1000000x64xf32, #tpu.memory_space<hbm>>) target(%dma_start3A_267 : memref<16x64xf32, #tpu.memory_space<vmem>>) offsets(%get3A_258 : vector<16xi32>) semaphore(%dma_start3A_272 : memref<!tpu.dma_semaphore, #tpu.memory_space<semaphore_mem>>)
    %get3A_273 = arith.constant 256 : index
    %get3A_274 = tpu.vector_load %arg5[%get3A_273] {strides = array<i32>} : memref<25600xi32, #tpu.memory_space<vmem>>, vector<16xi32>,
    %get3A_275 = vector.shape_cast %get3A_274 : vector<16xi32> to vector<16xi32>
    %dma_start3A_276 = arith.constant 0 : i32
    %dma_start3A_277 = arith.constant 0 : i32
    %dma_start3A_278 = arith.constant 0 : i32
    %dma_start3A_279 = arith.constant 0 : i32
    %dma_start3A_280 = tpu.memref_slice %arg6[%dma_start3A_276, %dma_start3A_278, %dma_start3A_279] : memref<3x320x64xf32, #tpu.memory_space<vmem>> -> memref<1x320x64xf32, #tpu.memory_space<vmem>>
    %dma_start3A_281 = tpu.memref_squeeze %dma_start3A_280 : memref<1x320x64xf32, #tpu.memory_space<vmem>> -> memref<320x64xf32, #tpu.memory_space<vmem>>
    %dma_start3A_282 = arith.constant 256 : i32
    %dma_start3A_283 = arith.constant 0 : i32
    %dma_start3A_284 = tpu.memref_slice %dma_start3A_281[%dma_start3A_282, %dma_start3A_283] : memref<320x64xf32, #tpu.memory_space<vmem>> -> memref<16x64xf32, #tpu.memory_space<vmem>>
    %dma_start3A_285 = arith.constant 0 : i32
    %dma_start3A_286 = arith.constant 0 : i32
    %dma_start3A_287 = tpu.memref_slice %arg3[%dma_start3A_285, %dma_start3A_286] : memref<1000000x64xf32, #tpu.memory_space<hbm>> -> memref<1000000x64xf32, #tpu.memory_space<hbm>>
    %dma_start3A_288 = tpu.memref_slice %arg7[%dma_start3A_277] : memref<3x!tpu.dma_semaphore, #tpu.memory_space<semaphore_mem>> -> memref<1x!tpu.dma_semaphore, #tpu.memory_space<semaphore_mem>>
    %dma_start3A_289 = tpu.memref_squeeze %dma_start3A_288 : memref<1x!tpu.dma_semaphore, #tpu.memory_space<semaphore_mem>> -> memref<!tpu.dma_semaphore, #tpu.memory_space<semaphore_mem>>
    tpu.enqueue_indirect_dma source(%dma_start3A_287 : memref<1000000x64xf32, #tpu.memory_space<hbm>>) target(%dma_start3A_284 : memref<16x64xf32, #tpu.memory_space<vmem>>) offsets(%get3A_275 : vector<16xi32>) semaphore(%dma_start3A_289 : memref<!tpu.dma_semaphore, #tpu.memory_space<semaphore_mem>>)
    %get3A_290 = arith.constant 272 : index
    %get3A_291 = tpu.vector_load %arg5[%get3A_290] {strides = array<i32>} : memref<25600xi32, #tpu.memory_space<vmem>>, vector<16xi32>,
    %get3A_292 = vector.shape_cast %get3A_291 : vector<16xi32> to vector<16xi32>
    %dma_start3A_293 = arith.constant 0 : i32
    %dma_start3A_294 = arith.constant 0 : i32
    %dma_start3A_295 = arith.constant 0 : i32
    %dma_start3A_296 = arith.constant 0 : i32
    %dma_start3A_297 = tpu.memref_slice %arg6[%dma_start3A_293, %dma_start3A_295, %dma_start3A_296] : memref<3x320x64xf32, #tpu.memory_space<vmem>> -> memref<1x320x64xf32, #tpu.memory_space<vmem>>
    %dma_start3A_298 = tpu.memref_squeeze %dma_start3A_297 : memref<1x320x64xf32, #tpu.memory_space<vmem>> -> memref<320x64xf32, #tpu.memory_space<vmem>>
    %dma_start3A_299 = arith.constant 272 : i32
    %dma_start3A_300 = arith.constant 0 : i32
    %dma_start3A_301 = tpu.memref_slice %dma_start3A_298[%dma_start3A_299, %dma_start3A_300] : memref<320x64xf32, #tpu.memory_space<vmem>> -> memref<16x64xf32, #tpu.memory_space<vmem>>
    %dma_start3A_302 = arith.constant 0 : i32
    %dma_start3A_303 = arith.constant 0 : i32
    %dma_start3A_304 = tpu.memref_slice %arg3[%dma_start3A_302, %dma_start3A_303] : memref<1000000x64xf32, #tpu.memory_space<hbm>> -> memref<1000000x64xf32, #tpu.memory_space<hbm>>
    %dma_start3A_305 = tpu.memref_slice %arg7[%dma_start3A_294] : memref<3x!tpu.dma_semaphore, #tpu.memory_space<semaphore_mem>> -> memref<1x!tpu.dma_semaphore, #tpu.memory_space<semaphore_mem>>
    %dma_start3A_306 = tpu.memref_squeeze %dma_start3A_305 : memref<1x!tpu.dma_semaphore, #tpu.memory_space<semaphore_mem>> -> memref<!tpu.dma_semaphore, #tpu.memory_space<semaphore_mem>>
    tpu.enqueue_indirect_dma source(%dma_start3A_304 : memref<1000000x64xf32, #tpu.memory_space<hbm>>) target(%dma_start3A_301 : memref<16x64xf32, #tpu.memory_space<vmem>>) offsets(%get3A_292 : vector<16xi32>) semaphore(%dma_start3A_306 : memref<!tpu.dma_semaphore, #tpu.memory_space<semaphore_mem>>)
    %get3A_307 = arith.constant 288 : index
    %get3A_308 = tpu.vector_load %arg5[%get3A_307] {strides = array<i32>} : memref<25600xi32, #tpu.memory_space<vmem>>, vector<16xi32>,
    %get3A_309 = vector.shape_cast %get3A_308 : vector<16xi32> to vector<16xi32>
    %dma_start3A_310 = arith.constant 0 : i32
    %dma_start3A_311 = arith.constant 0 : i32
    %dma_start3A_312 = arith.constant 0 : i32
    %dma_start3A_313 = arith.constant 0 : i32
    %dma_start3A_314 = tpu.memref_slice %arg6[%dma_start3A_310, %dma_start3A_312, %dma_start3A_313] : memref<3x320x64xf32, #tpu.memory_space<vmem>> -> memref<1x320x64xf32, #tpu.memory_space<vmem>>
    %dma_start3A_315 = tpu.memref_squeeze %dma_start3A_314 : memref<1x320x64xf32, #tpu.memory_space<vmem>> -> memref<320x64xf32, #tpu.memory_space<vmem>>
    %dma_start3A_316 = arith.constant 288 : i32
    %dma_start3A_317 = arith.constant 0 : i32
    %dma_start3A_318 = tpu.memref_slice %dma_start3A_315[%dma_start3A_316, %dma_start3A_317] : memref<320x64xf32, #tpu.memory_space<vmem>> -> memref<16x64xf32, #tpu.memory_space<vmem>>
    %dma_start3A_319 = arith.constant 0 : i32
    %dma_start3A_320 = arith.constant 0 : i32
    %dma_start3A_321 = tpu.memref_slice %arg3[%dma_start3A_319, %dma_start3A_320] : memref<1000000x64xf32, #tpu.memory_space<hbm>> -> memref<1000000x64xf32, #tpu.memory_space<hbm>>
    %dma_start3A_322 = tpu.memref_slice %arg7[%dma_start3A_311] : memref<3x!tpu.dma_semaphore, #tpu.memory_space<semaphore_mem>> -> memref<1x!tpu.dma_semaphore, #tpu.memory_space<semaphore_mem>>
    %dma_start3A_323 = tpu.memref_squeeze %dma_start3A_322 : memref<1x!tpu.dma_semaphore, #tpu.memory_space<semaphore_mem>> -> memref<!tpu.dma_semaphore, #tpu.memory_space<semaphore_mem>>
    tpu.enqueue_indirect_dma source(%dma_start3A_321 : memref<1000000x64xf32, #tpu.memory_space<hbm>>) target(%dma_start3A_318 : memref<16x64xf32, #tpu.memory_space<vmem>>) offsets(%get3A_309 : vector<16xi32>) semaphore(%dma_start3A_323 : memref<!tpu.dma_semaphore, #tpu.memory_space<semaphore_mem>>)
    %get3A_324 = arith.constant 304 : index
    %get3A_325 = tpu.vector_load %arg5[%get3A_324] {strides = array<i32>} : memref<25600xi32, #tpu.memory_space<vmem>>, vector<16xi32>,
    %get3A_326 = vector.shape_cast %get3A_325 : vector<16xi32> to vector<16xi32>
    %dma_start3A_327 = arith.constant 0 : i32
    %dma_start3A_328 = arith.constant 0 : i32
    %dma_start3A_329 = arith.constant 0 : i32
    %dma_start3A_330 = arith.constant 0 : i32
    %dma_start3A_331 = tpu.memref_slice %arg6[%dma_start3A_327, %dma_start3A_329, %dma_start3A_330] : memref<3x320x64xf32, #tpu.memory_space<vmem>> -> memref<1x320x64xf32, #tpu.memory_space<vmem>>
    %dma_start3A_332 = tpu.memref_squeeze %dma_start3A_331 : memref<1x320x64xf32, #tpu.memory_space<vmem>> -> memref<320x64xf32, #tpu.memory_space<vmem>>
    %dma_start3A_333 = arith.constant 304 : i32
    %dma_start3A_334 = arith.constant 0 : i32
    %dma_start3A_335 = tpu.memref_slice %dma_start3A_332[%dma_start3A_333, %dma_start3A_334] : memref<320x64xf32, #tpu.memory_space<vmem>> -> memref<16x64xf32, #tpu.memory_space<vmem>>
    %dma_start3A_336 = arith.constant 0 : i32
    %dma_start3A_337 = arith.constant 0 : i32
    %dma_start3A_338 = tpu.memref_slice %arg3[%dma_start3A_336, %dma_start3A_337] : memref<1000000x64xf32, #tpu.memory_space<hbm>> -> memref<1000000x64xf32, #tpu.memory_space<hbm>>
    %dma_start3A_339 = tpu.memref_slice %arg7[%dma_start3A_328] : memref<3x!tpu.dma_semaphore, #tpu.memory_space<semaphore_mem>> -> memref<1x!tpu.dma_semaphore, #tpu.memory_space<semaphore_mem>>
    %dma_start3A_340 = tpu.memref_squeeze %dma_start3A_339 : memref<1x!tpu.dma_semaphore, #tpu.memory_space<semaphore_mem>> -> memref<!tpu.dma_semaphore, #tpu.memory_space<semaphore_mem>>
    tpu.enqueue_indirect_dma source(%dma_start3A_338 : memref<1000000x64xf32, #tpu.memory_space<hbm>>) target(%dma_start3A_335 : memref<16x64xf32, #tpu.memory_space<vmem>>) offsets(%get3A_326 : vector<16xi32>) semaphore(%dma_start3A_340 : memref<!tpu.dma_semaphore, #tpu.memory_space<semaphore_mem>>)
    %get3A_341 = arith.constant 320 : index
    %get3A_342 = tpu.vector_load %arg5[%get3A_341] {strides = array<i32>} : memref<25600xi32, #tpu.memory_space<vmem>>, vector<16xi32>,
    %get3A_343 = vector.shape_cast %get3A_342 : vector<16xi32> to vector<16xi32>
    %dma_start3A_344 = arith.constant 1 : i32
    %dma_start3A_345 = arith.constant 1 : i32
    %dma_start3A_346 = arith.constant 0 : i32
    %dma_start3A_347 = arith.constant 0 : i32
    %dma_start3A_348 = tpu.memref_slice %arg6[%dma_start3A_344, %dma_start3A_346, %dma_start3A_347] : memref<3x320x64xf32, #tpu.memory_space<vmem>> -> memref<1x320x64xf32, #tpu.memory_space<vmem>>
    %dma_start3A_349 = tpu.memref_squeeze %dma_start3A_348 : memref<1x320x64xf32, #tpu.memory_space<vmem>> -> memref<320x64xf32, #tpu.memory_space<vmem>>
    %dma_start3A_350 = arith.constant 0 : i32
    %dma_start3A_351 = arith.constant 0 : i32
    %dma_start3A_352 = tpu.memref_slice %dma_start3A_349[%dma_start3A_350, %dma_start3A_351] : memref<320x64xf32, #tpu.memory_space<vmem>> -> memref<16x64xf32, #tpu.memory_space<vmem>>
    %dma_start3A_353 = arith.constant 0 : i32
    %dma_start3A_354 = arith.constant 0 : i32
    %dma_start3A_355 = tpu.memref_slice %arg3[%dma_start3A_353, %dma_start3A_354] : memref<1000000x64xf32, #tpu.memory_space<hbm>> -> memref<1000000x64xf32, #tpu.memory_space<hbm>>
    %dma_start3A_356 = tpu.memref_slice %arg7[%dma_start3A_345] : memref<3x!tpu.dma_semaphore, #tpu.memory_space<semaphore_mem>> -> memref<1x!tpu.dma_semaphore, #tpu.memory_space<semaphore_mem>>
    %dma_start3A_357 = tpu.memref_squeeze %dma_start3A_356 : memref<1x!tpu.dma_semaphore, #tpu.memory_space<semaphore_mem>> -> memref<!tpu.dma_semaphore, #tpu.memory_space<semaphore_mem>>
    tpu.enqueue_indirect_dma source(%dma_start3A_355 : memref<1000000x64xf32, #tpu.memory_space<hbm>>) target(%dma_start3A_352 : memref<16x64xf32, #tpu.memory_space<vmem>>) offsets(%get3A_343 : vector<16xi32>) semaphore(%dma_start3A_357 : memref<!tpu.dma_semaphore, #tpu.memory_space<semaphore_mem>>)
    %get3A_358 = arith.constant 336 : index
    %get3A_359 = tpu.vector_load %arg5[%get3A_358] {strides = array<i32>} : memref<25600xi32, #tpu.memory_space<vmem>>, vector<16xi32>,
    %get3A_360 = vector.shape_cast %get3A_359 : vector<16xi32> to vector<16xi32>
    %dma_start3A_361 = arith.constant 1 : i32
    %dma_start3A_362 = arith.constant 1 : i32
    %dma_start3A_363 = arith.constant 0 : i32
    %dma_start3A_364 = arith.constant 0 : i32
    %dma_start3A_365 = tpu.memref_slice %arg6[%dma_start3A_361, %dma_start3A_363, %dma_start3A_364] : memref<3x320x64xf32, #tpu.memory_space<vmem>> -> memref<1x320x64xf32, #tpu.memory_space<vmem>>
    %dma_start3A_366 = tpu.memref_squeeze %dma_start3A_365 : memref<1x320x64xf32, #tpu.memory_space<vmem>> -> memref<320x64xf32, #tpu.memory_space<vmem>>
    %dma_start3A_367 = arith.constant 16 : i32
    %dma_start3A_368 = arith.constant 0 : i32
    %dma_start3A_369 = tpu.memref_slice %dma_start3A_366[%dma_start3A_367, %dma_start3A_368] : memref<320x64xf32, #tpu.memory_space<vmem>> -> memref<16x64xf32, #tpu.memory_space<vmem>>
    %dma_start3A_370 = arith.constant 0 : i32
    %dma_start3A_371 = arith.constant 0 : i32
    %dma_start3A_372 = tpu.memref_slice %arg3[%dma_start3A_370, %dma_start3A_371] : memref<1000000x64xf32, #tpu.memory_space<hbm>> -> memref<1000000x64xf32, #tpu.memory_space<hbm>>
    %dma_start3A_373 = tpu.memref_slice %arg7[%dma_start3A_362] : memref<3x!tpu.dma_semaphore, #tpu.memory_space<semaphore_mem>> -> memref<1x!tpu.dma_semaphore, #tpu.memory_space<semaphore_mem>>
    %dma_start3A_374 = tpu.memref_squeeze %dma_start3A_373 : memref<1x!tpu.dma_semaphore, #tpu.memory_space<semaphore_mem>> -> memref<!tpu.dma_semaphore, #tpu.memory_space<semaphore_mem>>
    tpu.enqueue_indirect_dma source(%dma_start3A_372 : memref<1000000x64xf32, #tpu.memory_space<hbm>>) target(%dma_start3A_369 : memref<16x64xf32, #tpu.memory_space<vmem>>) offsets(%get3A_360 : vector<16xi32>) semaphore(%dma_start3A_374 : memref<!tpu.dma_semaphore, #tpu.memory_space<semaphore_mem>>)
    %get3A_375 = arith.constant 352 : index
    %get3A_376 = tpu.vector_load %arg5[%get3A_375] {strides = array<i32>} : memref<25600xi32, #tpu.memory_space<vmem>>, vector<16xi32>,
    %get3A_377 = vector.shape_cast %get3A_376 : vector<16xi32> to vector<16xi32>
    %dma_start3A_378 = arith.constant 1 : i32
    %dma_start3A_379 = arith.constant 1 : i32
    %dma_start3A_380 = arith.constant 0 : i32
    %dma_start3A_381 = arith.constant 0 : i32
    %dma_start3A_382 = tpu.memref_slice %arg6[%dma_start3A_378, %dma_start3A_380, %dma_start3A_381] : memref<3x320x64xf32, #tpu.memory_space<vmem>> -> memref<1x320x64xf32, #tpu.memory_space<vmem>>
    %dma_start3A_383 = tpu.memref_squeeze %dma_start3A_382 : memref<1x320x64xf32, #tpu.memory_space<vmem>> -> memref<320x64xf32, #tpu.memory_space<vmem>>
    %dma_start3A_384 = arith.constant 32 : i32
    %dma_start3A_385 = arith.constant 0 : i32
    %dma_start3A_386 = tpu.memref_slice %dma_start3A_383[%dma_start3A_384, %dma_start3A_385] : memref<320x64xf32, #tpu.memory_space<vmem>> -> memref<16x64xf32, #tpu.memory_space<vmem>>
    %dma_start3A_387 = arith.constant 0 : i32
    %dma_start3A_388 = arith.constant 0 : i32
    %dma_start3A_389 = tpu.memref_slice %arg3[%dma_start3A_387, %dma_start3A_388] : memref<1000000x64xf32, #tpu.memory_space<hbm>> -> memref<1000000x64xf32, #tpu.memory_space<hbm>>
    %dma_start3A_390 = tpu.memref_slice %arg7[%dma_start3A_379] : memref<3x!tpu.dma_semaphore, #tpu.memory_space<semaphore_mem>> -> memref<1x!tpu.dma_semaphore, #tpu.memory_space<semaphore_mem>>
    %dma_start3A_391 = tpu.memref_squeeze %dma_start3A_390 : memref<1x!tpu.dma_semaphore, #tpu.memory_space<semaphore_mem>> -> memref<!tpu.dma_semaphore, #tpu.memory_space<semaphore_mem>>
    tpu.enqueue_indirect_dma source(%dma_start3A_389 : memref<1000000x64xf32, #tpu.memory_space<hbm>>) target(%dma_start3A_386 : memref<16x64xf32, #tpu.memory_space<vmem>>) offsets(%get3A_377 : vector<16xi32>) semaphore(%dma_start3A_391 : memref<!tpu.dma_semaphore, #tpu.memory_space<semaphore_mem>>)
    %get3A_392 = arith.constant 368 : index
    %get3A_393 = tpu.vector_load %arg5[%get3A_392] {strides = array<i32>} : memref<25600xi32, #tpu.memory_space<vmem>>, vector<16xi32>,
    %get3A_394 = vector.shape_cast %get3A_393 : vector<16xi32> to vector<16xi32>
    %dma_start3A_395 = arith.constant 1 : i32
    %dma_start3A_396 = arith.constant 1 : i32
    %dma_start3A_397 = arith.constant 0 : i32
    %dma_start3A_398 = arith.constant 0 : i32
    %dma_start3A_399 = tpu.memref_slice %arg6[%dma_start3A_395, %dma_start3A_397, %dma_start3A_398] : memref<3x320x64xf32, #tpu.memory_space<vmem>> -> memref<1x320x64xf32, #tpu.memory_space<vmem>>
    %dma_start3A_400 = tpu.memref_squeeze %dma_start3A_399 : memref<1x320x64xf32, #tpu.memory_space<vmem>> -> memref<320x64xf32, #tpu.memory_space<vmem>>
    %dma_start3A_401 = arith.constant 48 : i32
    %dma_start3A_402 = arith.constant 0 : i32
    %dma_start3A_403 = tpu.memref_slice %dma_start3A_400[%dma_start3A_401, %dma_start3A_402] : memref<320x64xf32, #tpu.memory_space<vmem>> -> memref<16x64xf32, #tpu.memory_space<vmem>>
    %dma_start3A_404 = arith.constant 0 : i32
    %dma_start3A_405 = arith.constant 0 : i32
    %dma_start3A_406 = tpu.memref_slice %arg3[%dma_start3A_404, %dma_start3A_405] : memref<1000000x64xf32, #tpu.memory_space<hbm>> -> memref<1000000x64xf32, #tpu.memory_space<hbm>>
    %dma_start3A_407 = tpu.memref_slice %arg7[%dma_start3A_396] : memref<3x!tpu.dma_semaphore, #tpu.memory_space<semaphore_mem>> -> memref<1x!tpu.dma_semaphore, #tpu.memory_space<semaphore_mem>>
    %dma_start3A_408 = tpu.memref_squeeze %dma_start3A_407 : memref<1x!tpu.dma_semaphore, #tpu.memory_space<semaphore_mem>> -> memref<!tpu.dma_semaphore, #tpu.memory_space<semaphore_mem>>
    tpu.enqueue_indirect_dma source(%dma_start3A_406 : memref<1000000x64xf32, #tpu.memory_space<hbm>>) target(%dma_start3A_403 : memref<16x64xf32, #tpu.memory_space<vmem>>) offsets(%get3A_394 : vector<16xi32>) semaphore(%dma_start3A_408 : memref<!tpu.dma_semaphore, #tpu.memory_space<semaphore_mem>>)
    %get3A_409 = arith.constant 384 : index
    %get3A_410 = tpu.vector_load %arg5[%get3A_409] {strides = array<i32>} : memref<25600xi32, #tpu.memory_space<vmem>>, vector<16xi32>,
    %get3A_411 = vector.shape_cast %get3A_410 : vector<16xi32> to vector<16xi32>
    %dma_start3A_412 = arith.constant 1 : i32
    %dma_start3A_413 = arith.constant 1 : i32
    %dma_start3A_414 = arith.constant 0 : i32
    %dma_start3A_415 = arith.constant 0 : i32
    %dma_start3A_416 = tpu.memref_slice %arg6[%dma_start3A_412, %dma_start3A_414, %dma_start3A_415] : memref<3x320x64xf32, #tpu.memory_space<vmem>> -> memref<1x320x64xf32, #tpu.memory_space<vmem>>
    %dma_start3A_417 = tpu.memref_squeeze %dma_start3A_416 : memref<1x320x64xf32, #tpu.memory_space<vmem>> -> memref<320x64xf32, #tpu.memory_space<vmem>>
    %dma_start3A_418 = arith.constant 64 : i32
    %dma_start3A_419 = arith.constant 0 : i32
    %dma_start3A_420 = tpu.memref_slice %dma_start3A_417[%dma_start3A_418, %dma_start3A_419] : memref<320x64xf32, #tpu.memory_space<vmem>> -> memref<16x64xf32, #tpu.memory_space<vmem>>
    %dma_start3A_421 = arith.constant 0 : i32
    %dma_start3A_422 = arith.constant 0 : i32
    %dma_start3A_423 = tpu.memref_slice %arg3[%dma_start3A_421, %dma_start3A_422] : memref<1000000x64xf32, #tpu.memory_space<hbm>> -> memref<1000000x64xf32, #tpu.memory_space<hbm>>
    %dma_start3A_424 = tpu.memref_slice %arg7[%dma_start3A_413] : memref<3x!tpu.dma_semaphore, #tpu.memory_space<semaphore_mem>> -> memref<1x!tpu.dma_semaphore, #tpu.memory_space<semaphore_mem>>
    %dma_start3A_425 = tpu.memref_squeeze %dma_start3A_424 : memref<1x!tpu.dma_semaphore, #tpu.memory_space<semaphore_mem>> -> memref<!tpu.dma_semaphore, #tpu.memory_space<semaphore_mem>>
    tpu.enqueue_indirect_dma source(%dma_start3A_423 : memref<1000000x64xf32, #tpu.memory_space<hbm>>) target(%dma_start3A_420 : memref<16x64xf32, #tpu.memory_space<vmem>>) offsets(%get3A_411 : vector<16xi32>) semaphore(%dma_start3A_425 : memref<!tpu.dma_semaphore, #tpu.memory_space<semaphore_mem>>)
    %get3A_426 = arith.constant 400 : index
    %get3A_427 = tpu.vector_load %arg5[%get3A_426] {strides = array<i32>} : memref<25600xi32, #tpu.memory_space<vmem>>, vector<16xi32>,
    %get3A_428 = vector.shape_cast %get3A_427 : vector<16xi32> to vector<16xi32>
    %dma_start3A_429 = arith.constant 1 : i32
    %dma_start3A_430 = arith.constant 1 : i32
    %dma_start3A_431 = arith.constant 0 : i32
    %dma_start3A_432 = arith.constant 0 : i32
    %dma_start3A_433 = tpu.memref_slice %arg6[%dma_start3A_429, %dma_start3A_431, %dma_start3A_432] : memref<3x320x64xf32, #tpu.memory_space<vmem>> -> memref<1x320x64xf32, #tpu.memory_space<vmem>>
    %dma_start3A_434 = tpu.memref_squeeze %dma_start3A_433 : memref<1x320x64xf32, #tpu.memory_space<vmem>> -> memref<320x64xf32, #tpu.memory_space<vmem>>
    %dma_start3A_435 = arith.constant 80 : i32
    %dma_start3A_436 = arith.constant 0 : i32
    %dma_start3A_437 = tpu.memref_slice %dma_start3A_434[%dma_start3A_435, %dma_start3A_436] : memref<320x64xf32, #tpu.memory_space<vmem>> -> memref<16x64xf32, #tpu.memory_space<vmem>>
    %dma_start3A_438 = arith.constant 0 : i32
    %dma_start3A_439 = arith.constant 0 : i32
    %dma_start3A_440 = tpu.memref_slice %arg3[%dma_start3A_438, %dma_start3A_439] : memref<1000000x64xf32, #tpu.memory_space<hbm>> -> memref<1000000x64xf32, #tpu.memory_space<hbm>>
    %dma_start3A_441 = tpu.memref_slice %arg7[%dma_start3A_430] : memref<3x!tpu.dma_semaphore, #tpu.memory_space<semaphore_mem>> -> memref<1x!tpu.dma_semaphore, #tpu.memory_space<semaphore_mem>>
    %dma_start3A_442 = tpu.memref_squeeze %dma_start3A_441 : memref<1x!tpu.dma_semaphore, #tpu.memory_space<semaphore_mem>> -> memref<!tpu.dma_semaphore, #tpu.memory_space<semaphore_mem>>
    tpu.enqueue_indirect_dma source(%dma_start3A_440 : memref<1000000x64xf32, #tpu.memory_space<hbm>>) target(%dma_start3A_437 : memref<16x64xf32, #tpu.memory_space<vmem>>) offsets(%get3A_428 : vector<16xi32>) semaphore(%dma_start3A_442 : memref<!tpu.dma_semaphore, #tpu.memory_space<semaphore_mem>>)
    %get3A_443 = arith.constant 416 : index
    %get3A_444 = tpu.vector_load %arg5[%get3A_443] {strides = array<i32>} : memref<25600xi32, #tpu.memory_space<vmem>>, vector<16xi32>,
    %get3A_445 = vector.shape_cast %get3A_444 : vector<16xi32> to vector<16xi32>
    %dma_start3A_446 = arith.constant 1 : i32
    %dma_start3A_447 = arith.constant 1 : i32
    %dma_start3A_448 = arith.constant 0 : i32
    %dma_start3A_449 = arith.constant 0 : i32
    %dma_start3A_450 = tpu.memref_slice %arg6[%dma_start3A_446, %dma_start3A_448, %dma_start3A_449] : memref<3x320x64xf32, #tpu.memory_space<vmem>> -> memref<1x320x64xf32, #tpu.memory_space<vmem>>
    %dma_start3A_451 = tpu.memref_squeeze %dma_start3A_450 : memref<1x320x64xf32, #tpu.memory_space<vmem>> -> memref<320x64xf32, #tpu.memory_space<vmem>>
    %dma_start3A_452 = arith.constant 96 : i32
    %dma_start3A_453 = arith.constant 0 : i32
    %dma_start3A_454 = tpu.memref_slice %dma_start3A_451[%dma_start3A_452, %dma_start3A_453] : memref<320x64xf32, #tpu.memory_space<vmem>> -> memref<16x64xf32, #tpu.memory_space<vmem>>
    %dma_start3A_455 = arith.constant 0 : i32
    %dma_start3A_456 = arith.constant 0 : i32
    %dma_start3A_457 = tpu.memref_slice %arg3[%dma_start3A_455, %dma_start3A_456] : memref<1000000x64xf32, #tpu.memory_space<hbm>> -> memref<1000000x64xf32, #tpu.memory_space<hbm>>
    %dma_start3A_458 = tpu.memref_slice %arg7[%dma_start3A_447] : memref<3x!tpu.dma_semaphore, #tpu.memory_space<semaphore_mem>> -> memref<1x!tpu.dma_semaphore, #tpu.memory_space<semaphore_mem>>
    %dma_start3A_459 = tpu.memref_squeeze %dma_start3A_458 : memref<1x!tpu.dma_semaphore, #tpu.memory_space<semaphore_mem>> -> memref<!tpu.dma_semaphore, #tpu.memory_space<semaphore_mem>>
    tpu.enqueue_indirect_dma source(%dma_start3A_457 : memref<1000000x64xf32, #tpu.memory_space<hbm>>) target(%dma_start3A_454 : memref<16x64xf32, #tpu.memory_space<vmem>>) offsets(%get3A_445 : vector<16xi32>) semaphore(%dma_start3A_459 : memref<!tpu.dma_semaphore, #tpu.memory_space<semaphore_mem>>)
    %get3A_460 = arith.constant 432 : index
    %get3A_461 = tpu.vector_load %arg5[%get3A_460] {strides = array<i32>} : memref<25600xi32, #tpu.memory_space<vmem>>, vector<16xi32>,
    %get3A_462 = vector.shape_cast %get3A_461 : vector<16xi32> to vector<16xi32>
    %dma_start3A_463 = arith.constant 1 : i32
    %dma_start3A_464 = arith.constant 1 : i32
    %dma_start3A_465 = arith.constant 0 : i32
    %dma_start3A_466 = arith.constant 0 : i32
    %dma_start3A_467 = tpu.memref_slice %arg6[%dma_start3A_463, %dma_start3A_465, %dma_start3A_466] : memref<3x320x64xf32, #tpu.memory_space<vmem>> -> memref<1x320x64xf32, #tpu.memory_space<vmem>>
    %dma_start3A_468 = tpu.memref_squeeze %dma_start3A_467 : memref<1x320x64xf32, #tpu.memory_space<vmem>> -> memref<320x64xf32, #tpu.memory_space<vmem>>
    %dma_start3A_469 = arith.constant 112 : i32
    %dma_start3A_470 = arith.constant 0 : i32
    %dma_start3A_471 = tpu.memref_slice %dma_start3A_468[%dma_start3A_469, %dma_start3A_470] : memref<320x64xf32, #tpu.memory_space<vmem>> -> memref<16x64xf32, #tpu.memory_space<vmem>>
    %dma_start3A_472 = arith.constant 0 : i32
    %dma_start3A_473 = arith.constant 0 : i32
    %dma_start3A_474 = tpu.memref_slice %arg3[%dma_start3A_472, %dma_start3A_473] : memref<1000000x64xf32, #tpu.memory_space<hbm>> -> memref<1000000x64xf32, #tpu.memory_space<hbm>>
    %dma_start3A_475 = tpu.memref_slice %arg7[%dma_start3A_464] : memref<3x!tpu.dma_semaphore, #tpu.memory_space<semaphore_mem>> -> memref<1x!tpu.dma_semaphore, #tpu.memory_space<semaphore_mem>>
    %dma_start3A_476 = tpu.memref_squeeze %dma_start3A_475 : memref<1x!tpu.dma_semaphore, #tpu.memory_space<semaphore_mem>> -> memref<!tpu.dma_semaphore, #tpu.memory_space<semaphore_mem>>
    tpu.enqueue_indirect_dma source(%dma_start3A_474 : memref<1000000x64xf32, #tpu.memory_space<hbm>>) target(%dma_start3A_471 : memref<16x64xf32, #tpu.memory_space<vmem>>) offsets(%get3A_462 : vector<16xi32>) semaphore(%dma_start3A_476 : memref<!tpu.dma_semaphore, #tpu.memory_space<semaphore_mem>>)
    %get3A_477 = arith.constant 448 : index
    %get3A_478 = tpu.vector_load %arg5[%get3A_477] {strides = array<i32>} : memref<25600xi32, #tpu.memory_space<vmem>>, vector<16xi32>,
    %get3A_479 = vector.shape_cast %get3A_478 : vector<16xi32> to vector<16xi32>
    %dma_start3A_480 = arith.constant 1 : i32
    %dma_start3A_481 = arith.constant 1 : i32
    %dma_start3A_482 = arith.constant 0 : i32
    %dma_start3A_483 = arith.constant 0 : i32
    %dma_start3A_484 = tpu.memref_slice %arg6[%dma_start3A_480, %dma_start3A_482, %dma_start3A_483] : memref<3x320x64xf32, #tpu.memory_space<vmem>> -> memref<1x320x64xf32, #tpu.memory_space<vmem>>
    %dma_start3A_485 = tpu.memref_squeeze %dma_start3A_484 : memref<1x320x64xf32, #tpu.memory_space<vmem>> -> memref<320x64xf32, #tpu.memory_space<vmem>>
    %dma_start3A_486 = arith.constant 128 : i32
    %dma_start3A_487 = arith.constant 0 : i32
    %dma_start3A_488 = tpu.memref_slice %dma_start3A_485[%dma_start3A_486, %dma_start3A_487] : memref<320x64xf32, #tpu.memory_space<vmem>> -> memref<16x64xf32, #tpu.memory_space<vmem>>
    %dma_start3A_489 = arith.constant 0 : i32
    %dma_start3A_490 = arith.constant 0 : i32
    %dma_start3A_491 = tpu.memref_slice %arg3[%dma_start3A_489, %dma_start3A_490] : memref<1000000x64xf32, #tpu.memory_space<hbm>> -> memref<1000000x64xf32, #tpu.memory_space<hbm>>
    %dma_start3A_492 = tpu.memref_slice %arg7[%dma_start3A_481] : memref<3x!tpu.dma_semaphore, #tpu.memory_space<semaphore_mem>> -> memref<1x!tpu.dma_semaphore, #tpu.memory_space<semaphore_mem>>
    %dma_start3A_493 = tpu.memref_squeeze %dma_start3A_492 : memref<1x!tpu.dma_semaphore, #tpu.memory_space<semaphore_mem>> -> memref<!tpu.dma_semaphore, #tpu.memory_space<semaphore_mem>>
    tpu.enqueue_indirect_dma source(%dma_start3A_491 : memref<1000000x64xf32, #tpu.memory_space<hbm>>) target(%dma_start3A_488 : memref<16x64xf32, #tpu.memory_space<vmem>>) offsets(%get3A_479 : vector<16xi32>) semaphore(%dma_start3A_493 : memref<!tpu.dma_semaphore, #tpu.memory_space<semaphore_mem>>)
    %get3A_494 = arith.constant 464 : index
    %get3A_495 = tpu.vector_load %arg5[%get3A_494] {strides = array<i32>} : memref<25600xi32, #tpu.memory_space<vmem>>, vector<16xi32>,
    %get3A_496 = vector.shape_cast %get3A_495 : vector<16xi32> to vector<16xi32>
    %dma_start3A_497 = arith.constant 1 : i32
    %dma_start3A_498 = arith.constant 1 : i32
    %dma_start3A_499 = arith.constant 0 : i32
    %dma_start3A_500 = arith.constant 0 : i32
    %dma_start3A_501 = tpu.memref_slice %arg6[%dma_start3A_497, %dma_start3A_499, %dma_start3A_500] : memref<3x320x64xf32, #tpu.memory_space<vmem>> -> memref<1x320x64xf32, #tpu.memory_space<vmem>>
    %dma_start3A_502 = tpu.memref_squeeze %dma_start3A_501 : memref<1x320x64xf32, #tpu.memory_space<vmem>> -> memref<320x64xf32, #tpu.memory_space<vmem>>
    %dma_start3A_503 = arith.constant 144 : i32
    %dma_start3A_504 = arith.constant 0 : i32
    %dma_start3A_505 = tpu.memref_slice %dma_start3A_502[%dma_start3A_503, %dma_start3A_504] : memref<320x64xf32, #tpu.memory_space<vmem>> -> memref<16x64xf32, #tpu.memory_space<vmem>>
    %dma_start3A_506 = arith.constant 0 : i32
    %dma_start3A_507 = arith.constant 0 : i32
    %dma_start3A_508 = tpu.memref_slice %arg3[%dma_start3A_506, %dma_start3A_507] : memref<1000000x64xf32, #tpu.memory_space<hbm>> -> memref<1000000x64xf32, #tpu.memory_space<hbm>>
    %dma_start3A_509 = tpu.memref_slice %arg7[%dma_start3A_498] : memref<3x!tpu.dma_semaphore, #tpu.memory_space<semaphore_mem>> -> memref<1x!tpu.dma_semaphore, #tpu.memory_space<semaphore_mem>>
    %dma_start3A_510 = tpu.memref_squeeze %dma_start3A_509 : memref<1x!tpu.dma_semaphore, #tpu.memory_space<semaphore_mem>> -> memref<!tpu.dma_semaphore, #tpu.memory_space<semaphore_mem>>
    tpu.enqueue_indirect_dma source(%dma_start3A_508 : memref<1000000x64xf32, #tpu.memory_space<hbm>>) target(%dma_start3A_505 : memref<16x64xf32, #tpu.memory_space<vmem>>) offsets(%get3A_496 : vector<16xi32>) semaphore(%dma_start3A_510 : memref<!tpu.dma_semaphore, #tpu.memory_space<semaphore_mem>>)
    %get3A_511 = arith.constant 480 : index
    %get3A_512 = tpu.vector_load %arg5[%get3A_511] {strides = array<i32>} : memref<25600xi32, #tpu.memory_space<vmem>>, vector<16xi32>,
    %get3A_513 = vector.shape_cast %get3A_512 : vector<16xi32> to vector<16xi32>
    %dma_start3A_514 = arith.constant 1 : i32
    %dma_start3A_515 = arith.constant 1 : i32
    %dma_start3A_516 = arith.constant 0 : i32
    %dma_start3A_517 = arith.constant 0 : i32
    %dma_start3A_518 = tpu.memref_slice %arg6[%dma_start3A_514, %dma_start3A_516, %dma_start3A_517] : memref<3x320x64xf32, #tpu.memory_space<vmem>> -> memref<1x320x64xf32, #tpu.memory_space<vmem>>
    %dma_start3A_519 = tpu.memref_squeeze %dma_start3A_518 : memref<1x320x64xf32, #tpu.memory_space<vmem>> -> memref<320x64xf32, #tpu.memory_space<vmem>>
    %dma_start3A_520 = arith.constant 160 : i32
    %dma_start3A_521 = arith.constant 0 : i32
    %dma_start3A_522 = tpu.memref_slice %dma_start3A_519[%dma_start3A_520, %dma_start3A_521] : memref<320x64xf32, #tpu.memory_space<vmem>> -> memref<16x64xf32, #tpu.memory_space<vmem>>
    %dma_start3A_523 = arith.constant 0 : i32
    %dma_start3A_524 = arith.constant 0 : i32
    %dma_start3A_525 = tpu.memref_slice %arg3[%dma_start3A_523, %dma_start3A_524] : memref<1000000x64xf32, #tpu.memory_space<hbm>> -> memref<1000000x64xf32, #tpu.memory_space<hbm>>
    %dma_start3A_526 = tpu.memref_slice %arg7[%dma_start3A_515] : memref<3x!tpu.dma_semaphore, #tpu.memory_space<semaphore_mem>> -> memref<1x!tpu.dma_semaphore, #tpu.memory_space<semaphore_mem>>
    %dma_start3A_527 = tpu.memref_squeeze %dma_start3A_526 : memref<1x!tpu.dma_semaphore, #tpu.memory_space<semaphore_mem>> -> memref<!tpu.dma_semaphore, #tpu.memory_space<semaphore_mem>>
    tpu.enqueue_indirect_dma source(%dma_start3A_525 : memref<1000000x64xf32, #tpu.memory_space<hbm>>) target(%dma_start3A_522 : memref<16x64xf32, #tpu.memory_space<vmem>>) offsets(%get3A_513 : vector<16xi32>) semaphore(%dma_start3A_527 : memref<!tpu.dma_semaphore, #tpu.memory_space<semaphore_mem>>)
    %get3A_528 = arith.constant 496 : index
    %get3A_529 = tpu.vector_load %arg5[%get3A_528] {strides = array<i32>} : memref<25600xi32, #tpu.memory_space<vmem>>, vector<16xi32>,
    %get3A_530 = vector.shape_cast %get3A_529 : vector<16xi32> to vector<16xi32>
    %dma_start3A_531 = arith.constant 1 : i32
    %dma_start3A_532 = arith.constant 1 : i32
    %dma_start3A_533 = arith.constant 0 : i32
    %dma_start3A_534 = arith.constant 0 : i32
    %dma_start3A_535 = tpu.memref_slice %arg6[%dma_start3A_531, %dma_start3A_533, %dma_start3A_534] : memref<3x320x64xf32, #tpu.memory_space<vmem>> -> memref<1x320x64xf32, #tpu.memory_space<vmem>>
    %dma_start3A_536 = tpu.memref_squeeze %dma_start3A_535 : memref<1x320x64xf32, #tpu.memory_space<vmem>> -> memref<320x64xf32, #tpu.memory_space<vmem>>
    %dma_start3A_537 = arith.constant 176 : i32
    %dma_start3A_538 = arith.constant 0 : i32
    %dma_start3A_539 = tpu.memref_slice %dma_start3A_536[%dma_start3A_537, %dma_start3A_538] : memref<320x64xf32, #tpu.memory_space<vmem>> -> memref<16x64xf32, #tpu.memory_space<vmem>>
    %dma_start3A_540 = arith.constant 0 : i32
    %dma_start3A_541 = arith.constant 0 : i32
    %dma_start3A_542 = tpu.memref_slice %arg3[%dma_start3A_540, %dma_start3A_541] : memref<1000000x64xf32, #tpu.memory_space<hbm>> -> memref<1000000x64xf32, #tpu.memory_space<hbm>>
    %dma_start3A_543 = tpu.memref_slice %arg7[%dma_start3A_532] : memref<3x!tpu.dma_semaphore, #tpu.memory_space<semaphore_mem>> -> memref<1x!tpu.dma_semaphore, #tpu.memory_space<semaphore_mem>>
    %dma_start3A_544 = tpu.memref_squeeze %dma_start3A_543 : memref<1x!tpu.dma_semaphore, #tpu.memory_space<semaphore_mem>> -> memref<!tpu.dma_semaphore, #tpu.memory_space<semaphore_mem>>
    tpu.enqueue_indirect_dma source(%dma_start3A_542 : memref<1000000x64xf32, #tpu.memory_space<hbm>>) target(%dma_start3A_539 : memref<16x64xf32, #tpu.memory_space<vmem>>) offsets(%get3A_530 : vector<16xi32>) semaphore(%dma_start3A_544 : memref<!tpu.dma_semaphore, #tpu.memory_space<semaphore_mem>>)
    %get3A_545 = arith.constant 512 : index
    %get3A_546 = tpu.vector_load %arg5[%get3A_545] {strides = array<i32>} : memref<25600xi32, #tpu.memory_space<vmem>>, vector<16xi32>,
    %get3A_547 = vector.shape_cast %get3A_546 : vector<16xi32> to vector<16xi32>
    %dma_start3A_548 = arith.constant 1 : i32
    %dma_start3A_549 = arith.constant 1 : i32
    %dma_start3A_550 = arith.constant 0 : i32
    %dma_start3A_551 = arith.constant 0 : i32
    %dma_start3A_552 = tpu.memref_slice %arg6[%dma_start3A_548, %dma_start3A_550, %dma_start3A_551] : memref<3x320x64xf32, #tpu.memory_space<vmem>> -> memref<1x320x64xf32, #tpu.memory_space<vmem>>
    %dma_start3A_553 = tpu.memref_squeeze %dma_start3A_552 : memref<1x320x64xf32, #tpu.memory_space<vmem>> -> memref<320x64xf32, #tpu.memory_space<vmem>>
    %dma_start3A_554 = arith.constant 192 : i32
    %dma_start3A_555 = arith.constant 0 : i32
    %dma_start3A_556 = tpu.memref_slice %dma_start3A_553[%dma_start3A_554, %dma_start3A_555] : memref<320x64xf32, #tpu.memory_space<vmem>> -> memref<16x64xf32, #tpu.memory_space<vmem>>
    %dma_start3A_557 = arith.constant 0 : i32
    %dma_start3A_558 = arith.constant 0 : i32
    %dma_start3A_559 = tpu.memref_slice %arg3[%dma_start3A_557, %dma_start3A_558] : memref<1000000x64xf32, #tpu.memory_space<hbm>> -> memref<1000000x64xf32, #tpu.memory_space<hbm>>
    %dma_start3A_560 = tpu.memref_slice %arg7[%dma_start3A_549] : memref<3x!tpu.dma_semaphore, #tpu.memory_space<semaphore_mem>> -> memref<1x!tpu.dma_semaphore, #tpu.memory_space<semaphore_mem>>
    %dma_start3A_561 = tpu.memref_squeeze %dma_start3A_560 : memref<1x!tpu.dma_semaphore, #tpu.memory_space<semaphore_mem>> -> memref<!tpu.dma_semaphore, #tpu.memory_space<semaphore_mem>>
    tpu.enqueue_indirect_dma source(%dma_start3A_559 : memref<1000000x64xf32, #tpu.memory_space<hbm>>) target(%dma_start3A_556 : memref<16x64xf32, #tpu.memory_space<vmem>>) offsets(%get3A_547 : vector<16xi32>) semaphore(%dma_start3A_561 : memref<!tpu.dma_semaphore, #tpu.memory_space<semaphore_mem>>)
    %get3A_562 = arith.constant 528 : index
    %get3A_563 = tpu.vector_load %arg5[%get3A_562] {strides = array<i32>} : memref<25600xi32, #tpu.memory_space<vmem>>, vector<16xi32>,
    %get3A_564 = vector.shape_cast %get3A_563 : vector<16xi32> to vector<16xi32>
    %dma_start3A_565 = arith.constant 1 : i32
    %dma_start3A_566 = arith.constant 1 : i32
    %dma_start3A_567 = arith.constant 0 : i32
    %dma_start3A_568 = arith.constant 0 : i32
    %dma_start3A_569 = tpu.memref_slice %arg6[%dma_start3A_565, %dma_start3A_567, %dma_start3A_568] : memref<3x320x64xf32, #tpu.memory_space<vmem>> -> memref<1x320x64xf32, #tpu.memory_space<vmem>>
    %dma_start3A_570 = tpu.memref_squeeze %dma_start3A_569 : memref<1x320x64xf32, #tpu.memory_space<vmem>> -> memref<320x64xf32, #tpu.memory_space<vmem>>
    %dma_start3A_571 = arith.constant 208 : i32
    %dma_start3A_572 = arith.constant 0 : i32
    %dma_start3A_573 = tpu.memref_slice %dma_start3A_570[%dma_start3A_571, %dma_start3A_572] : memref<320x64xf32, #tpu.memory_space<vmem>> -> memref<16x64xf32, #tpu.memory_space<vmem>>
    %dma_start3A_574 = arith.constant 0 : i32
    %dma_start3A_575 = arith.constant 0 : i32
    %dma_start3A_576 = tpu.memref_slice %arg3[%dma_start3A_574, %dma_start3A_575] : memref<1000000x64xf32, #tpu.memory_space<hbm>> -> memref<1000000x64xf32, #tpu.memory_space<hbm>>
    %dma_start3A_577 = tpu.memref_slice %arg7[%dma_start3A_566] : memref<3x!tpu.dma_semaphore, #tpu.memory_space<semaphore_mem>> -> memref<1x!tpu.dma_semaphore, #tpu.memory_space<semaphore_mem>>
    %dma_start3A_578 = tpu.memref_squeeze %dma_start3A_577 : memref<1x!tpu.dma_semaphore, #tpu.memory_space<semaphore_mem>> -> memref<!tpu.dma_semaphore, #tpu.memory_space<semaphore_mem>>
    tpu.enqueue_indirect_dma source(%dma_start3A_576 : memref<1000000x64xf32, #tpu.memory_space<hbm>>) target(%dma_start3A_573 : memref<16x64xf32, #tpu.memory_space<vmem>>) offsets(%get3A_564 : vector<16xi32>) semaphore(%dma_start3A_578 : memref<!tpu.dma_semaphore, #tpu.memory_space<semaphore_mem>>)
    %get3A_579 = arith.constant 544 : index
    %get3A_580 = tpu.vector_load %arg5[%get3A_579] {strides = array<i32>} : memref<25600xi32, #tpu.memory_space<vmem>>, vector<16xi32>,
    %get3A_581 = vector.shape_cast %get3A_580 : vector<16xi32> to vector<16xi32>
    %dma_start3A_582 = arith.constant 1 : i32
    %dma_start3A_583 = arith.constant 1 : i32
    %dma_start3A_584 = arith.constant 0 : i32
    %dma_start3A_585 = arith.constant 0 : i32
    %dma_start3A_586 = tpu.memref_slice %arg6[%dma_start3A_582, %dma_start3A_584, %dma_start3A_585] : memref<3x320x64xf32, #tpu.memory_space<vmem>> -> memref<1x320x64xf32, #tpu.memory_space<vmem>>
    %dma_start3A_587 = tpu.memref_squeeze %dma_start3A_586 : memref<1x320x64xf32, #tpu.memory_space<vmem>> -> memref<320x64xf32, #tpu.memory_space<vmem>>
    %dma_start3A_588 = arith.constant 224 : i32
    %dma_start3A_589 = arith.constant 0 : i32
    %dma_start3A_590 = tpu.memref_slice %dma_start3A_587[%dma_start3A_588, %dma_start3A_589] : memref<320x64xf32, #tpu.memory_space<vmem>> -> memref<16x64xf32, #tpu.memory_space<vmem>>
    %dma_start3A_591 = arith.constant 0 : i32
    %dma_start3A_592 = arith.constant 0 : i32
    %dma_start3A_593 = tpu.memref_slice %arg3[%dma_start3A_591, %dma_start3A_592] : memref<1000000x64xf32, #tpu.memory_space<hbm>> -> memref<1000000x64xf32, #tpu.memory_space<hbm>>
    %dma_start3A_594 = tpu.memref_slice %arg7[%dma_start3A_583] : memref<3x!tpu.dma_semaphore, #tpu.memory_space<semaphore_mem>> -> memref<1x!tpu.dma_semaphore, #tpu.memory_space<semaphore_mem>>
    %dma_start3A_595 = tpu.memref_squeeze %dma_start3A_594 : memref<1x!tpu.dma_semaphore, #tpu.memory_space<semaphore_mem>> -> memref<!tpu.dma_semaphore, #tpu.memory_space<semaphore_mem>>
    tpu.enqueue_indirect_dma source(%dma_start3A_593 : memref<1000000x64xf32, #tpu.memory_space<hbm>>) target(%dma_start3A_590 : memref<16x64xf32, #tpu.memory_space<vmem>>) offsets(%get3A_581 : vector<16xi32>) semaphore(%dma_start3A_595 : memref<!tpu.dma_semaphore, #tpu.memory_space<semaphore_mem>>)
    %get3A_596 = arith.constant 560 : index
    %get3A_597 = tpu.vector_load %arg5[%get3A_596] {strides = array<i32>} : memref<25600xi32, #tpu.memory_space<vmem>>, vector<16xi32>,
    %get3A_598 = vector.shape_cast %get3A_597 : vector<16xi32> to vector<16xi32>
    %dma_start3A_599 = arith.constant 1 : i32
    %dma_start3A_600 = arith.constant 1 : i32
    %dma_start3A_601 = arith.constant 0 : i32
    %dma_start3A_602 = arith.constant 0 : i32
    %dma_start3A_603 = tpu.memref_slice %arg6[%dma_start3A_599, %dma_start3A_601, %dma_start3A_602] : memref<3x320x64xf32, #tpu.memory_space<vmem>> -> memref<1x320x64xf32, #tpu.memory_space<vmem>>
    %dma_start3A_604 = tpu.memref_squeeze %dma_start3A_603 : memref<1x320x64xf32, #tpu.memory_space<vmem>> -> memref<320x64xf32, #tpu.memory_space<vmem>>
    %dma_start3A_605 = arith.constant 240 : i32
    %dma_start3A_606 = arith.constant 0 : i32
    %dma_start3A_607 = tpu.memref_slice %dma_start3A_604[%dma_start3A_605, %dma_start3A_606] : memref<320x64xf32, #tpu.memory_space<vmem>> -> memref<16x64xf32, #tpu.memory_space<vmem>>
    %dma_start3A_608 = arith.constant 0 : i32
    %dma_start3A_609 = arith.constant 0 : i32
    %dma_start3A_610 = tpu.memref_slice %arg3[%dma_start3A_608, %dma_start3A_609] : memref<1000000x64xf32, #tpu.memory_space<hbm>> -> memref<1000000x64xf32, #tpu.memory_space<hbm>>
    %dma_start3A_611 = tpu.memref_slice %arg7[%dma_start3A_600] : memref<3x!tpu.dma_semaphore, #tpu.memory_space<semaphore_mem>> -> memref<1x!tpu.dma_semaphore, #tpu.memory_space<semaphore_mem>>
    %dma_start3A_612 = tpu.memref_squeeze %dma_start3A_611 : memref<1x!tpu.dma_semaphore, #tpu.memory_space<semaphore_mem>> -> memref<!tpu.dma_semaphore, #tpu.memory_space<semaphore_mem>>
    tpu.enqueue_indirect_dma source(%dma_start3A_610 : memref<1000000x64xf32, #tpu.memory_space<hbm>>) target(%dma_start3A_607 : memref<16x64xf32, #tpu.memory_space<vmem>>) offsets(%get3A_598 : vector<16xi32>) semaphore(%dma_start3A_612 : memref<!tpu.dma_semaphore, #tpu.memory_space<semaphore_mem>>)
    %get3A_613 = arith.constant 576 : index
    %get3A_614 = tpu.vector_load %arg5[%get3A_613] {strides = array<i32>} : memref<25600xi32, #tpu.memory_space<vmem>>, vector<16xi32>,
    %get3A_615 = vector.shape_cast %get3A_614 : vector<16xi32> to vector<16xi32>
    %dma_start3A_616 = arith.constant 1 : i32
    %dma_start3A_617 = arith.constant 1 : i32
    %dma_start3A_618 = arith.constant 0 : i32
    %dma_start3A_619 = arith.constant 0 : i32
    %dma_start3A_620 = tpu.memref_slice %arg6[%dma_start3A_616, %dma_start3A_618, %dma_start3A_619] : memref<3x320x64xf32, #tpu.memory_space<vmem>> -> memref<1x320x64xf32, #tpu.memory_space<vmem>>
    %dma_start3A_621 = tpu.memref_squeeze %dma_start3A_620 : memref<1x320x64xf32, #tpu.memory_space<vmem>> -> memref<320x64xf32, #tpu.memory_space<vmem>>
    %dma_start3A_622 = arith.constant 256 : i32
    %dma_start3A_623 = arith.constant 0 : i32
    %dma_start3A_624 = tpu.memref_slice %dma_start3A_621[%dma_start3A_622, %dma_start3A_623] : memref<320x64xf32, #tpu.memory_space<vmem>> -> memref<16x64xf32, #tpu.memory_space<vmem>>
    %dma_start3A_625 = arith.constant 0 : i32
    %dma_start3A_626 = arith.constant 0 : i32
    %dma_start3A_627 = tpu.memref_slice %arg3[%dma_start3A_625, %dma_start3A_626] : memref<1000000x64xf32, #tpu.memory_space<hbm>> -> memref<1000000x64xf32, #tpu.memory_space<hbm>>
    %dma_start3A_628 = tpu.memref_slice %arg7[%dma_start3A_617] : memref<3x!tpu.dma_semaphore, #tpu.memory_space<semaphore_mem>> -> memref<1x!tpu.dma_semaphore, #tpu.memory_space<semaphore_mem>>
    %dma_start3A_629 = tpu.memref_squeeze %dma_start3A_628 : memref<1x!tpu.dma_semaphore, #tpu.memory_space<semaphore_mem>> -> memref<!tpu.dma_semaphore, #tpu.memory_space<semaphore_mem>>
    tpu.enqueue_indirect_dma source(%dma_start3A_627 : memref<1000000x64xf32, #tpu.memory_space<hbm>>) target(%dma_start3A_624 : memref<16x64xf32, #tpu.memory_space<vmem>>) offsets(%get3A_615 : vector<16xi32>) semaphore(%dma_start3A_629 : memref<!tpu.dma_semaphore, #tpu.memory_space<semaphore_mem>>)
    %get3A_630 = arith.constant 592 : index
    %get3A_631 = tpu.vector_load %arg5[%get3A_630] {strides = array<i32>} : memref<25600xi32, #tpu.memory_space<vmem>>, vector<16xi32>,
    %get3A_632 = vector.shape_cast %get3A_631 : vector<16xi32> to vector<16xi32>
    %dma_start3A_633 = arith.constant 1 : i32
    %dma_start3A_634 = arith.constant 1 : i32
    %dma_start3A_635 = arith.constant 0 : i32
    %dma_start3A_636 = arith.constant 0 : i32
    %dma_start3A_637 = tpu.memref_slice %arg6[%dma_start3A_633, %dma_start3A_635, %dma_start3A_636] : memref<3x320x64xf32, #tpu.memory_space<vmem>> -> memref<1x320x64xf32, #tpu.memory_space<vmem>>
    %dma_start3A_638 = tpu.memref_squeeze %dma_start3A_637 : memref<1x320x64xf32, #tpu.memory_space<vmem>> -> memref<320x64xf32, #tpu.memory_space<vmem>>
    %dma_start3A_639 = arith.constant 272 : i32
    %dma_start3A_640 = arith.constant 0 : i32
    %dma_start3A_641 = tpu.memref_slice %dma_start3A_638[%dma_start3A_639, %dma_start3A_640] : memref<320x64xf32, #tpu.memory_space<vmem>> -> memref<16x64xf32, #tpu.memory_space<vmem>>
    %dma_start3A_642 = arith.constant 0 : i32
    %dma_start3A_643 = arith.constant 0 : i32
    %dma_start3A_644 = tpu.memref_slice %arg3[%dma_start3A_642, %dma_start3A_643] : memref<1000000x64xf32, #tpu.memory_space<hbm>> -> memref<1000000x64xf32, #tpu.memory_space<hbm>>
    %dma_start3A_645 = tpu.memref_slice %arg7[%dma_start3A_634] : memref<3x!tpu.dma_semaphore, #tpu.memory_space<semaphore_mem>> -> memref<1x!tpu.dma_semaphore, #tpu.memory_space<semaphore_mem>>
    %dma_start3A_646 = tpu.memref_squeeze %dma_start3A_645 : memref<1x!tpu.dma_semaphore, #tpu.memory_space<semaphore_mem>> -> memref<!tpu.dma_semaphore, #tpu.memory_space<semaphore_mem>>
    tpu.enqueue_indirect_dma source(%dma_start3A_644 : memref<1000000x64xf32, #tpu.memory_space<hbm>>) target(%dma_start3A_641 : memref<16x64xf32, #tpu.memory_space<vmem>>) offsets(%get3A_632 : vector<16xi32>) semaphore(%dma_start3A_646 : memref<!tpu.dma_semaphore, #tpu.memory_space<semaphore_mem>>)
    %get3A_647 = arith.constant 608 : index
    %get3A_648 = tpu.vector_load %arg5[%get3A_647] {strides = array<i32>} : memref<25600xi32, #tpu.memory_space<vmem>>, vector<16xi32>,
    %get3A_649 = vector.shape_cast %get3A_648 : vector<16xi32> to vector<16xi32>
    %dma_start3A_650 = arith.constant 1 : i32
    %dma_start3A_651 = arith.constant 1 : i32
    %dma_start3A_652 = arith.constant 0 : i32
    %dma_start3A_653 = arith.constant 0 : i32
    %dma_start3A_654 = tpu.memref_slice %arg6[%dma_start3A_650, %dma_start3A_652, %dma_start3A_653] : memref<3x320x64xf32, #tpu.memory_space<vmem>> -> memref<1x320x64xf32, #tpu.memory_space<vmem>>
    %dma_start3A_655 = tpu.memref_squeeze %dma_start3A_654 : memref<1x320x64xf32, #tpu.memory_space<vmem>> -> memref<320x64xf32, #tpu.memory_space<vmem>>
    %dma_start3A_656 = arith.constant 288 : i32
    %dma_start3A_657 = arith.constant 0 : i32
    %dma_start3A_658 = tpu.memref_slice %dma_start3A_655[%dma_start3A_656, %dma_start3A_657] : memref<320x64xf32, #tpu.memory_space<vmem>> -> memref<16x64xf32, #tpu.memory_space<vmem>>
    %dma_start3A_659 = arith.constant 0 : i32
    %dma_start3A_660 = arith.constant 0 : i32
    %dma_start3A_661 = tpu.memref_slice %arg3[%dma_start3A_659, %dma_start3A_660] : memref<1000000x64xf32, #tpu.memory_space<hbm>> -> memref<1000000x64xf32, #tpu.memory_space<hbm>>
    %dma_start3A_662 = tpu.memref_slice %arg7[%dma_start3A_651] : memref<3x!tpu.dma_semaphore, #tpu.memory_space<semaphore_mem>> -> memref<1x!tpu.dma_semaphore, #tpu.memory_space<semaphore_mem>>
    %dma_start3A_663 = tpu.memref_squeeze %dma_start3A_662 : memref<1x!tpu.dma_semaphore, #tpu.memory_space<semaphore_mem>> -> memref<!tpu.dma_semaphore, #tpu.memory_space<semaphore_mem>>
    tpu.enqueue_indirect_dma source(%dma_start3A_661 : memref<1000000x64xf32, #tpu.memory_space<hbm>>) target(%dma_start3A_658 : memref<16x64xf32, #tpu.memory_space<vmem>>) offsets(%get3A_649 : vector<16xi32>) semaphore(%dma_start3A_663 : memref<!tpu.dma_semaphore, #tpu.memory_space<semaphore_mem>>)
    %get3A_664 = arith.constant 624 : index
    %get3A_665 = tpu.vector_load %arg5[%get3A_664] {strides = array<i32>} : memref<25600xi32, #tpu.memory_space<vmem>>, vector<16xi32>,
    %get3A_666 = vector.shape_cast %get3A_665 : vector<16xi32> to vector<16xi32>
    %dma_start3A_667 = arith.constant 1 : i32
    %dma_start3A_668 = arith.constant 1 : i32
    %dma_start3A_669 = arith.constant 0 : i32
    %dma_start3A_670 = arith.constant 0 : i32
    %dma_start3A_671 = tpu.memref_slice %arg6[%dma_start3A_667, %dma_start3A_669, %dma_start3A_670] : memref<3x320x64xf32, #tpu.memory_space<vmem>> -> memref<1x320x64xf32, #tpu.memory_space<vmem>>
    %dma_start3A_672 = tpu.memref_squeeze %dma_start3A_671 : memref<1x320x64xf32, #tpu.memory_space<vmem>> -> memref<320x64xf32, #tpu.memory_space<vmem>>
    %dma_start3A_673 = arith.constant 304 : i32
    %dma_start3A_674 = arith.constant 0 : i32
    %dma_start3A_675 = tpu.memref_slice %dma_start3A_672[%dma_start3A_673, %dma_start3A_674] : memref<320x64xf32, #tpu.memory_space<vmem>> -> memref<16x64xf32, #tpu.memory_space<vmem>>
    %dma_start3A_676 = arith.constant 0 : i32
    %dma_start3A_677 = arith.constant 0 : i32
    %dma_start3A_678 = tpu.memref_slice %arg3[%dma_start3A_676, %dma_start3A_677] : memref<1000000x64xf32, #tpu.memory_space<hbm>> -> memref<1000000x64xf32, #tpu.memory_space<hbm>>
    %dma_start3A_679 = tpu.memref_slice %arg7[%dma_start3A_668] : memref<3x!tpu.dma_semaphore, #tpu.memory_space<semaphore_mem>> -> memref<1x!tpu.dma_semaphore, #tpu.memory_space<semaphore_mem>>
    %dma_start3A_680 = tpu.memref_squeeze %dma_start3A_679 : memref<1x!tpu.dma_semaphore, #tpu.memory_space<semaphore_mem>> -> memref<!tpu.dma_semaphore, #tpu.memory_space<semaphore_mem>>
    tpu.enqueue_indirect_dma source(%dma_start3A_678 : memref<1000000x64xf32, #tpu.memory_space<hbm>>) target(%dma_start3A_675 : memref<16x64xf32, #tpu.memory_space<vmem>>) offsets(%get3A_666 : vector<16xi32>) semaphore(%dma_start3A_680 : memref<!tpu.dma_semaphore, #tpu.memory_space<semaphore_mem>>)
    %scan3A = arith.constant 0 : i32
    %scan3A_681 = arith.constant 26 : i32
    %scan3A_682 = arith.addi %scan3A, %scan3A_681 : i32
    %scan3A_683 = arith.constant 1 : i32
    scf.for %scan3A_810 = %scan3A to %scan3A_682 step %scan3A_683  : i32 {
      %mul3A_811 = arith.constant 1 : i32
      %mul3A_812 = arith.muli %scan3A_810, %mul3A_811 : i32
      %add3A_813 = arith.constant 0 : i32
      %add3A_814 = arith.addi %add3A_813, %mul3A_812 : i32
      %mul3A_815 = arith.constant 3 : i32
      %mul3A_816 = arith.muli %add3A_814, %mul3A_815 : i32
      %add3A_817 = arith.constant 0 : i32
      %add3A_818 = arith.addi %mul3A_816, %add3A_817 : i32
      %add3A_819 = arith.constant 2 : i32
      %add3A_820 = arith.addi %add3A_818, %add3A_819 : i32
      %dma_wait3A_821 = arith.constant 0 : i32
      %dma_wait3A_822 = arith.constant 0 : i32
      %dma_wait3A_823 = arith.constant 0 : i32
      %dma_wait3A_824 = arith.constant 0 : i32
      %dma_wait3A_825 = tpu.memref_slice %arg6[%dma_wait3A_821, %dma_wait3A_823, %dma_wait3A_824] : memref<3x320x64xf32, #tpu.memory_space<vmem>> -> memref<1x320x64xf32, #tpu.memory_space<vmem>>
      %dma_wait3A_826 = tpu.memref_squeeze %dma_wait3A_825 : memref<1x320x64xf32, #tpu.memory_space<vmem>> -> memref<320x64xf32, #tpu.memory_space<vmem>>
      %dma_wait3A_827 = arith.constant 0 : i32
      %dma_wait3A_828 = arith.constant 0 : i32
      %dma_wait3A_829 = tpu.memref_slice %arg3[%dma_wait3A_827, %dma_wait3A_828] : memref<1000000x64xf32, #tpu.memory_space<hbm>> -> memref<320x64xf32, #tpu.memory_space<hbm>>
      %dma_wait3A_830 = tpu.memref_slice %arg7[%dma_wait3A_822] : memref<3x!tpu.dma_semaphore, #tpu.memory_space<semaphore_mem>> -> memref<1x!tpu.dma_semaphore, #tpu.memory_space<semaphore_mem>>
      %dma_wait3A_831 = tpu.memref_squeeze %dma_wait3A_830 : memref<1x!tpu.dma_semaphore, #tpu.memory_space<semaphore_mem>> -> memref<!tpu.dma_semaphore, #tpu.memory_space<semaphore_mem>>
      %dma_wait3A_832 = arith.constant 0 : i32
      %dma_wait3A_833 = arith.constant 0 : i32
      %dma_wait3A_834 = tpu.memref_slice %arg6[%dma_wait3A_821, %dma_wait3A_832, %dma_wait3A_833] : memref<3x320x64xf32, #tpu.memory_space<vmem>> -> memref<1x320x64xf32, #tpu.memory_space<vmem>>
      %dma_wait3A_835 = tpu.memref_squeeze %dma_wait3A_834 : memref<1x320x64xf32, #tpu.memory_space<vmem>> -> memref<320x64xf32, #tpu.memory_space<vmem>>
      %dma_wait3A_836 = arith.constant 0 : i32
      %dma_wait3A_837 = arith.constant 0 : i32
      %dma_wait3A_838 = tpu.memref_slice %arg3[%dma_wait3A_836, %dma_wait3A_837] : memref<1000000x64xf32, #tpu.memory_space<hbm>> -> memref<320x64xf32, #tpu.memory_space<hbm>>
      tpu.wait_dma2 semaphore(%dma_wait3A_831 : memref<!tpu.dma_semaphore, #tpu.memory_space<semaphore_mem>>) src(%dma_wait3A_838 : memref<320x64xf32, #tpu.memory_space<hbm>>) dst(%dma_wait3A_835 : memref<320x64xf32, #tpu.memory_space<vmem>>)
      %mul3A_839 = arith.constant 320 : i32
      %mul3A_840 = arith.muli %add3A_818, %mul3A_839 : i32
      %add3A_841 = arith.addi %mul3A_2, %mul3A_840 : i32
      %dma_start3A_842 = arith.constant 0 : i32
      %dma_start3A_843 = arith.constant 0 : i32
      %dma_start3A_844 = arith.constant 0 : i32
      %dma_start3A_845 = arith.constant 0 : i32
      %dma_start3A_846 = tpu.memref_slice %arg6[%dma_start3A_842, %dma_start3A_844, %dma_start3A_845] : memref<3x320x64xf32, #tpu.memory_space<vmem>> -> memref<1x320x64xf32, #tpu.memory_space<vmem>>
      %dma_start3A_847 = tpu.memref_squeeze %dma_start3A_846 : memref<1x320x64xf32, #tpu.memory_space<vmem>> -> memref<320x64xf32, #tpu.memory_space<vmem>>
      %dma_start3A_848 = arith.constant 0 : i32
      %dma_start3A_849 = tpu.memref_slice %arg4[%add3A_841, %dma_start3A_848] : memref<819200x64xf32, #tpu.memory_space<hbm>> -> memref<320x64xf32, #tpu.memory_space<hbm>>
      %dma_start3A_850 = tpu.memref_slice %arg8[%dma_start3A_843] : memref<3x!tpu.dma_semaphore, #tpu.memory_space<semaphore_mem>> -> memref<1x!tpu.dma_semaphore, #tpu.memory_space<semaphore_mem>>
      %dma_start3A_851 = tpu.memref_squeeze %dma_start3A_850 : memref<1x!tpu.dma_semaphore, #tpu.memory_space<semaphore_mem>> -> memref<!tpu.dma_semaphore, #tpu.memory_space<semaphore_mem>>
      %dma_start3A_852 = arith.constant 0 : i32
      %dma_start3A_853 = tpu.memref_slice %arg4[%add3A_841, %dma_start3A_852] : memref<819200x64xf32, #tpu.memory_space<hbm>> -> memref<320x64xf32, #tpu.memory_space<hbm>>
      %dma_start3A_854 = arith.constant 0 : i32
      %dma_start3A_855 = arith.constant 0 : i32
      %dma_start3A_856 = tpu.memref_slice %arg6[%dma_start3A_842, %dma_start3A_854, %dma_start3A_855] : memref<3x320x64xf32, #tpu.memory_space<vmem>> -> memref<1x320x64xf32, #tpu.memory_space<vmem>>
      %dma_start3A_857 = tpu.memref_squeeze %dma_start3A_856 : memref<1x320x64xf32, #tpu.memory_space<vmem>> -> memref<320x64xf32, #tpu.memory_space<vmem>>
      tpu.enqueue_dma source(%dma_start3A_857 : memref<320x64xf32, #tpu.memory_space<vmem>>) target(%dma_start3A_853 : memref<320x64xf32, #tpu.memory_space<hbm>>) target_semaphore(%dma_start3A_851 : memref<!tpu.dma_semaphore, #tpu.memory_space<semaphore_mem>>)
      %ge3A = arith.constant 3 : i32
      %ge3A_858 = arith.cmpi sge, %add3A_820, %ge3A : i32
      %convert_element_type3A = arith.extui %ge3A_858 : i1 to i32
      %cond3A = arith.constant 0 : i32
      %cond3A_859 = arith.cmpi ne, %convert_element_type3A, %cond3A : i32
      scf.if %cond3A_859 {
        %sub3A = arith.constant 3 : i32
        %sub3A_2216 = arith.subi %add3A_820, %sub3A : i32
        %mul3A_2217 = arith.constant 320 : i32
        %mul3A_2218 = arith.muli %sub3A_2216, %mul3A_2217 : i32
        %add3A_2219 = arith.addi %mul3A_2, %mul3A_2218 : i32
        %dma_wait3A_2220 = arith.constant 2 : i32
        %dma_wait3A_2221 = arith.constant 2 : i32
        %dma_wait3A_2222 = arith.constant 0 : i32
        %dma_wait3A_2223 = arith.constant 0 : i32
        %dma_wait3A_2224 = tpu.memref_slice %arg6[%dma_wait3A_2220, %dma_wait3A_2222, %dma_wait3A_2223] : memref<3x320x64xf32, #tpu.memory_space<vmem>> -> memref<1x320x64xf32, #tpu.memory_space<vmem>>
        %dma_wait3A_2225 = tpu.memref_squeeze %dma_wait3A_2224 : memref<1x320x64xf32, #tpu.memory_space<vmem>> -> memref<320x64xf32, #tpu.memory_space<vmem>>
        %dma_wait3A_2226 = arith.constant 0 : i32
        %dma_wait3A_2227 = tpu.memref_slice %arg4[%add3A_2219, %dma_wait3A_2226] : memref<819200x64xf32, #tpu.memory_space<hbm>> -> memref<320x64xf32, #tpu.memory_space<hbm>>
        %dma_wait3A_2228 = tpu.memref_slice %arg8[%dma_wait3A_2221] : memref<3x!tpu.dma_semaphore, #tpu.memory_space<semaphore_mem>> -> memref<1x!tpu.dma_semaphore, #tpu.memory_space<semaphore_mem>>
        %dma_wait3A_2229 = tpu.memref_squeeze %dma_wait3A_2228 : memref<1x!tpu.dma_semaphore, #tpu.memory_space<semaphore_mem>> -> memref<!tpu.dma_semaphore, #tpu.memory_space<semaphore_mem>>
        %dma_wait3A_2230 = arith.constant 0 : i32
        %dma_wait3A_2231 = tpu.memref_slice %arg4[%add3A_2219, %dma_wait3A_2230] : memref<819200x64xf32, #tpu.memory_space<hbm>> -> memref<320x64xf32, #tpu.memory_space<hbm>>
        %dma_wait3A_2232 = arith.constant 0 : i32
        %dma_wait3A_2233 = arith.constant 0 : i32
        %dma_wait3A_2234 = tpu.memref_slice %arg6[%dma_wait3A_2220, %dma_wait3A_2232, %dma_wait3A_2233] : memref<3x320x64xf32, #tpu.memory_space<vmem>> -> memref<1x320x64xf32, #tpu.memory_space<vmem>>
        %dma_wait3A_2235 = tpu.memref_squeeze %dma_wait3A_2234 : memref<1x320x64xf32, #tpu.memory_space<vmem>> -> memref<320x64xf32, #tpu.memory_space<vmem>>
        tpu.wait_dma2 semaphore(%dma_wait3A_2229 : memref<!tpu.dma_semaphore, #tpu.memory_space<semaphore_mem>>) src(%dma_wait3A_2235 : memref<320x64xf32, #tpu.memory_space<vmem>>) dst(%dma_wait3A_2231 : memref<320x64xf32, #tpu.memory_space<hbm>>)
      } else {
      }
      %mul3A_860 = arith.constant 320 : i32
      %mul3A_861 = arith.muli %add3A_820, %mul3A_860 : i32
      %add3A_862 = arith.constant 0 : i32
      %add3A_863 = arith.addi %mul3A_861, %add3A_862 : i32
      %get3A_864 = arith.index_cast %add3A_863 : i32 to index
      %get3A_865 = tpu.vector_load %arg5[%get3A_864] {strides = array<i32>} : memref<25600xi32, #tpu.memory_space<vmem>>, vector<16xi32>,
      %get3A_866 = vector.shape_cast %get3A_865 : vector<16xi32> to vector<16xi32>
      %dma_start3A_867 = arith.constant 2 : i32
      %dma_start3A_868 = arith.constant 2 : i32
      %dma_start3A_869 = arith.constant 0 : i32
      %dma_start3A_870 = arith.constant 0 : i32
      %dma_start3A_871 = tpu.memref_slice %arg6[%dma_start3A_867, %dma_start3A_869, %dma_start3A_870] : memref<3x320x64xf32, #tpu.memory_space<vmem>> -> memref<1x320x64xf32, #tpu.memory_space<vmem>>
      %dma_start3A_872 = tpu.memref_squeeze %dma_start3A_871 : memref<1x320x64xf32, #tpu.memory_space<vmem>> -> memref<320x64xf32, #tpu.memory_space<vmem>>
      %dma_start3A_873 = arith.constant 0 : i32
      %dma_start3A_874 = arith.constant 0 : i32
      %dma_start3A_875 = tpu.memref_slice %dma_start3A_872[%dma_start3A_873, %dma_start3A_874] : memref<320x64xf32, #tpu.memory_space<vmem>> -> memref<16x64xf32, #tpu.memory_space<vmem>>
      %dma_start3A_876 = arith.constant 0 : i32
      %dma_start3A_877 = arith.constant 0 : i32
      %dma_start3A_878 = tpu.memref_slice %arg3[%dma_start3A_876, %dma_start3A_877] : memref<1000000x64xf32, #tpu.memory_space<hbm>> -> memref<1000000x64xf32, #tpu.memory_space<hbm>>
      %dma_start3A_879 = tpu.memref_slice %arg7[%dma_start3A_868] : memref<3x!tpu.dma_semaphore, #tpu.memory_space<semaphore_mem>> -> memref<1x!tpu.dma_semaphore, #tpu.memory_space<semaphore_mem>>
      %dma_start3A_880 = tpu.memref_squeeze %dma_start3A_879 : memref<1x!tpu.dma_semaphore, #tpu.memory_space<semaphore_mem>> -> memref<!tpu.dma_semaphore, #tpu.memory_space<semaphore_mem>>
      tpu.enqueue_indirect_dma source(%dma_start3A_878 : memref<1000000x64xf32, #tpu.memory_space<hbm>>) target(%dma_start3A_875 : memref<16x64xf32, #tpu.memory_space<vmem>>) offsets(%get3A_866 : vector<16xi32>) semaphore(%dma_start3A_880 : memref<!tpu.dma_semaphore, #tpu.memory_space<semaphore_mem>>)
      %mul3A_881 = arith.constant 320 : i32
      %mul3A_882 = arith.muli %add3A_820, %mul3A_881 : i32
      %add3A_883 = arith.constant 16 : i32
      %add3A_884 = arith.addi %mul3A_882, %add3A_883 : i32
      %get3A_885 = arith.index_cast %add3A_884 : i32 to index
      %get3A_886 = tpu.vector_load %arg5[%get3A_885] {strides = array<i32>} : memref<25600xi32, #tpu.memory_space<vmem>>, vector<16xi32>,
      %get3A_887 = vector.shape_cast %get3A_886 : vector<16xi32> to vector<16xi32>
      %dma_start3A_888 = arith.constant 2 : i32
      %dma_start3A_889 = arith.constant 2 : i32
      %dma_start3A_890 = arith.constant 0 : i32
      %dma_start3A_891 = arith.constant 0 : i32
      %dma_start3A_892 = tpu.memref_slice %arg6[%dma_start3A_888, %dma_start3A_890, %dma_start3A_891] : memref<3x320x64xf32, #tpu.memory_space<vmem>> -> memref<1x320x64xf32, #tpu.memory_space<vmem>>
      %dma_start3A_893 = tpu.memref_squeeze %dma_start3A_892 : memref<1x320x64xf32, #tpu.memory_space<vmem>> -> memref<320x64xf32, #tpu.memory_space<vmem>>
      %dma_start3A_894 = arith.constant 16 : i32
      %dma_start3A_895 = arith.constant 0 : i32
      %dma_start3A_896 = tpu.memref_slice %dma_start3A_893[%dma_start3A_894, %dma_start3A_895] : memref<320x64xf32, #tpu.memory_space<vmem>> -> memref<16x64xf32, #tpu.memory_space<vmem>>
      %dma_start3A_897 = arith.constant 0 : i32
      %dma_start3A_898 = arith.constant 0 : i32
      %dma_start3A_899 = tpu.memref_slice %arg3[%dma_start3A_897, %dma_start3A_898] : memref<1000000x64xf32, #tpu.memory_space<hbm>> -> memref<1000000x64xf32, #tpu.memory_space<hbm>>
      %dma_start3A_900 = tpu.memref_slice %arg7[%dma_start3A_889] : memref<3x!tpu.dma_semaphore, #tpu.memory_space<semaphore_mem>> -> memref<1x!tpu.dma_semaphore, #tpu.memory_space<semaphore_mem>>
      %dma_start3A_901 = tpu.memref_squeeze %dma_start3A_900 : memref<1x!tpu.dma_semaphore, #tpu.memory_space<semaphore_mem>> -> memref<!tpu.dma_semaphore, #tpu.memory_space<semaphore_mem>>
      tpu.enqueue_indirect_dma source(%dma_start3A_899 : memref<1000000x64xf32, #tpu.memory_space<hbm>>) target(%dma_start3A_896 : memref<16x64xf32, #tpu.memory_space<vmem>>) offsets(%get3A_887 : vector<16xi32>) semaphore(%dma_start3A_901 : memref<!tpu.dma_semaphore, #tpu.memory_space<semaphore_mem>>)
      %mul3A_902 = arith.constant 320 : i32
      %mul3A_903 = arith.muli %add3A_820, %mul3A_902 : i32
      %add3A_904 = arith.constant 32 : i32
      %add3A_905 = arith.addi %mul3A_903, %add3A_904 : i32
      %get3A_906 = arith.index_cast %add3A_905 : i32 to index
      %get3A_907 = tpu.vector_load %arg5[%get3A_906] {strides = array<i32>} : memref<25600xi32, #tpu.memory_space<vmem>>, vector<16xi32>,
      %get3A_908 = vector.shape_cast %get3A_907 : vector<16xi32> to vector<16xi32>
      %dma_start3A_909 = arith.constant 2 : i32
      %dma_start3A_910 = arith.constant 2 : i32
      %dma_start3A_911 = arith.constant 0 : i32
      %dma_start3A_912 = arith.constant 0 : i32
      %dma_start3A_913 = tpu.memref_slice %arg6[%dma_start3A_909, %dma_start3A_911, %dma_start3A_912] : memref<3x320x64xf32, #tpu.memory_space<vmem>> -> memref<1x320x64xf32, #tpu.memory_space<vmem>>
      %dma_start3A_914 = tpu.memref_squeeze %dma_start3A_913 : memref<1x320x64xf32, #tpu.memory_space<vmem>> -> memref<320x64xf32, #tpu.memory_space<vmem>>
      %dma_start3A_915 = arith.constant 32 : i32
      %dma_start3A_916 = arith.constant 0 : i32
      %dma_start3A_917 = tpu.memref_slice %dma_start3A_914[%dma_start3A_915, %dma_start3A_916] : memref<320x64xf32, #tpu.memory_space<vmem>> -> memref<16x64xf32, #tpu.memory_space<vmem>>
      %dma_start3A_918 = arith.constant 0 : i32
      %dma_start3A_919 = arith.constant 0 : i32
      %dma_start3A_920 = tpu.memref_slice %arg3[%dma_start3A_918, %dma_start3A_919] : memref<1000000x64xf32, #tpu.memory_space<hbm>> -> memref<1000000x64xf32, #tpu.memory_space<hbm>>
      %dma_start3A_921 = tpu.memref_slice %arg7[%dma_start3A_910] : memref<3x!tpu.dma_semaphore, #tpu.memory_space<semaphore_mem>> -> memref<1x!tpu.dma_semaphore, #tpu.memory_space<semaphore_mem>>
      %dma_start3A_922 = tpu.memref_squeeze %dma_start3A_921 : memref<1x!tpu.dma_semaphore, #tpu.memory_space<semaphore_mem>> -> memref<!tpu.dma_semaphore, #tpu.memory_space<semaphore_mem>>
      tpu.enqueue_indirect_dma source(%dma_start3A_920 : memref<1000000x64xf32, #tpu.memory_space<hbm>>) target(%dma_start3A_917 : memref<16x64xf32, #tpu.memory_space<vmem>>) offsets(%get3A_908 : vector<16xi32>) semaphore(%dma_start3A_922 : memref<!tpu.dma_semaphore, #tpu.memory_space<semaphore_mem>>)
      %mul3A_923 = arith.constant 320 : i32
      %mul3A_924 = arith.muli %add3A_820, %mul3A_923 : i32
      %add3A_925 = arith.constant 48 : i32
      %add3A_926 = arith.addi %mul3A_924, %add3A_925 : i32
      %get3A_927 = arith.index_cast %add3A_926 : i32 to index
      %get3A_928 = tpu.vector_load %arg5[%get3A_927] {strides = array<i32>} : memref<25600xi32, #tpu.memory_space<vmem>>, vector<16xi32>,
      %get3A_929 = vector.shape_cast %get3A_928 : vector<16xi32> to vector<16xi32>
      %dma_start3A_930 = arith.constant 2 : i32
      %dma_start3A_931 = arith.constant 2 : i32
      %dma_start3A_932 = arith.constant 0 : i32
      %dma_start3A_933 = arith.constant 0 : i32
      %dma_start3A_934 = tpu.memref_slice %arg6[%dma_start3A_930, %dma_start3A_932, %dma_start3A_933] : memref<3x320x64xf32, #tpu.memory_space<vmem>> -> memref<1x320x64xf32, #tpu.memory_space<vmem>>
      %dma_start3A_935 = tpu.memref_squeeze %dma_start3A_934 : memref<1x320x64xf32, #tpu.memory_space<vmem>> -> memref<320x64xf32, #tpu.memory_space<vmem>>
      %dma_start3A_936 = arith.constant 48 : i32
      %dma_start3A_937 = arith.constant 0 : i32
      %dma_start3A_938 = tpu.memref_slice %dma_start3A_935[%dma_start3A_936, %dma_start3A_937] : memref<320x64xf32, #tpu.memory_space<vmem>> -> memref<16x64xf32, #tpu.memory_space<vmem>>
      %dma_start3A_939 = arith.constant 0 : i32
      %dma_start3A_940 = arith.constant 0 : i32
      %dma_start3A_941 = tpu.memref_slice %arg3[%dma_start3A_939, %dma_start3A_940] : memref<1000000x64xf32, #tpu.memory_space<hbm>> -> memref<1000000x64xf32, #tpu.memory_space<hbm>>
      %dma_start3A_942 = tpu.memref_slice %arg7[%dma_start3A_931] : memref<3x!tpu.dma_semaphore, #tpu.memory_space<semaphore_mem>> -> memref<1x!tpu.dma_semaphore, #tpu.memory_space<semaphore_mem>>
      %dma_start3A_943 = tpu.memref_squeeze %dma_start3A_942 : memref<1x!tpu.dma_semaphore, #tpu.memory_space<semaphore_mem>> -> memref<!tpu.dma_semaphore, #tpu.memory_space<semaphore_mem>>
      tpu.enqueue_indirect_dma source(%dma_start3A_941 : memref<1000000x64xf32, #tpu.memory_space<hbm>>) target(%dma_start3A_938 : memref<16x64xf32, #tpu.memory_space<vmem>>) offsets(%get3A_929 : vector<16xi32>) semaphore(%dma_start3A_943 : memref<!tpu.dma_semaphore, #tpu.memory_space<semaphore_mem>>)
      %mul3A_944 = arith.constant 320 : i32
      %mul3A_945 = arith.muli %add3A_820, %mul3A_944 : i32
      %add3A_946 = arith.constant 64 : i32
      %add3A_947 = arith.addi %mul3A_945, %add3A_946 : i32
      %get3A_948 = arith.index_cast %add3A_947 : i32 to index
      %get3A_949 = tpu.vector_load %arg5[%get3A_948] {strides = array<i32>} : memref<25600xi32, #tpu.memory_space<vmem>>, vector<16xi32>,
      %get3A_950 = vector.shape_cast %get3A_949 : vector<16xi32> to vector<16xi32>
      %dma_start3A_951 = arith.constant 2 : i32
      %dma_start3A_952 = arith.constant 2 : i32
      %dma_start3A_953 = arith.constant 0 : i32
      %dma_start3A_954 = arith.constant 0 : i32
      %dma_start3A_955 = tpu.memref_slice %arg6[%dma_start3A_951, %dma_start3A_953, %dma_start3A_954] : memref<3x320x64xf32, #tpu.memory_space<vmem>> -> memref<1x320x64xf32, #tpu.memory_space<vmem>>
      %dma_start3A_956 = tpu.memref_squeeze %dma_start3A_955 : memref<1x320x64xf32, #tpu.memory_space<vmem>> -> memref<320x64xf32, #tpu.memory_space<vmem>>
      %dma_start3A_957 = arith.constant 64 : i32
      %dma_start3A_958 = arith.constant 0 : i32
      %dma_start3A_959 = tpu.memref_slice %dma_start3A_956[%dma_start3A_957, %dma_start3A_958] : memref<320x64xf32, #tpu.memory_space<vmem>> -> memref<16x64xf32, #tpu.memory_space<vmem>>
      %dma_start3A_960 = arith.constant 0 : i32
      %dma_start3A_961 = arith.constant 0 : i32
      %dma_start3A_962 = tpu.memref_slice %arg3[%dma_start3A_960, %dma_start3A_961] : memref<1000000x64xf32, #tpu.memory_space<hbm>> -> memref<1000000x64xf32, #tpu.memory_space<hbm>>
      %dma_start3A_963 = tpu.memref_slice %arg7[%dma_start3A_952] : memref<3x!tpu.dma_semaphore, #tpu.memory_space<semaphore_mem>> -> memref<1x!tpu.dma_semaphore, #tpu.memory_space<semaphore_mem>>
      %dma_start3A_964 = tpu.memref_squeeze %dma_start3A_963 : memref<1x!tpu.dma_semaphore, #tpu.memory_space<semaphore_mem>> -> memref<!tpu.dma_semaphore, #tpu.memory_space<semaphore_mem>>
      tpu.enqueue_indirect_dma source(%dma_start3A_962 : memref<1000000x64xf32, #tpu.memory_space<hbm>>) target(%dma_start3A_959 : memref<16x64xf32, #tpu.memory_space<vmem>>) offsets(%get3A_950 : vector<16xi32>) semaphore(%dma_start3A_964 : memref<!tpu.dma_semaphore, #tpu.memory_space<semaphore_mem>>)
      %mul3A_965 = arith.constant 320 : i32
      %mul3A_966 = arith.muli %add3A_820, %mul3A_965 : i32
      %add3A_967 = arith.constant 80 : i32
      %add3A_968 = arith.addi %mul3A_966, %add3A_967 : i32
      %get3A_969 = arith.index_cast %add3A_968 : i32 to index
      %get3A_970 = tpu.vector_load %arg5[%get3A_969] {strides = array<i32>} : memref<25600xi32, #tpu.memory_space<vmem>>, vector<16xi32>,
      %get3A_971 = vector.shape_cast %get3A_970 : vector<16xi32> to vector<16xi32>
      %dma_start3A_972 = arith.constant 2 : i32
      %dma_start3A_973 = arith.constant 2 : i32
      %dma_start3A_974 = arith.constant 0 : i32
      %dma_start3A_975 = arith.constant 0 : i32
      %dma_start3A_976 = tpu.memref_slice %arg6[%dma_start3A_972, %dma_start3A_974, %dma_start3A_975] : memref<3x320x64xf32, #tpu.memory_space<vmem>> -> memref<1x320x64xf32, #tpu.memory_space<vmem>>
      %dma_start3A_977 = tpu.memref_squeeze %dma_start3A_976 : memref<1x320x64xf32, #tpu.memory_space<vmem>> -> memref<320x64xf32, #tpu.memory_space<vmem>>
      %dma_start3A_978 = arith.constant 80 : i32
      %dma_start3A_979 = arith.constant 0 : i32
      %dma_start3A_980 = tpu.memref_slice %dma_start3A_977[%dma_start3A_978, %dma_start3A_979] : memref<320x64xf32, #tpu.memory_space<vmem>> -> memref<16x64xf32, #tpu.memory_space<vmem>>
      %dma_start3A_981 = arith.constant 0 : i32
      %dma_start3A_982 = arith.constant 0 : i32
      %dma_start3A_983 = tpu.memref_slice %arg3[%dma_start3A_981, %dma_start3A_982] : memref<1000000x64xf32, #tpu.memory_space<hbm>> -> memref<1000000x64xf32, #tpu.memory_space<hbm>>
      %dma_start3A_984 = tpu.memref_slice %arg7[%dma_start3A_973] : memref<3x!tpu.dma_semaphore, #tpu.memory_space<semaphore_mem>> -> memref<1x!tpu.dma_semaphore, #tpu.memory_space<semaphore_mem>>
      %dma_start3A_985 = tpu.memref_squeeze %dma_start3A_984 : memref<1x!tpu.dma_semaphore, #tpu.memory_space<semaphore_mem>> -> memref<!tpu.dma_semaphore, #tpu.memory_space<semaphore_mem>>
      tpu.enqueue_indirect_dma source(%dma_start3A_983 : memref<1000000x64xf32, #tpu.memory_space<hbm>>) target(%dma_start3A_980 : memref<16x64xf32, #tpu.memory_space<vmem>>) offsets(%get3A_971 : vector<16xi32>) semaphore(%dma_start3A_985 : memref<!tpu.dma_semaphore, #tpu.memory_space<semaphore_mem>>)
      %mul3A_986 = arith.constant 320 : i32
      %mul3A_987 = arith.muli %add3A_820, %mul3A_986 : i32
      %add3A_988 = arith.constant 96 : i32
      %add3A_989 = arith.addi %mul3A_987, %add3A_988 : i32
      %get3A_990 = arith.index_cast %add3A_989 : i32 to index
      %get3A_991 = tpu.vector_load %arg5[%get3A_990] {strides = array<i32>} : memref<25600xi32, #tpu.memory_space<vmem>>, vector<16xi32>,
      %get3A_992 = vector.shape_cast %get3A_991 : vector<16xi32> to vector<16xi32>
      %dma_start3A_993 = arith.constant 2 : i32
      %dma_start3A_994 = arith.constant 2 : i32
      %dma_start3A_995 = arith.constant 0 : i32
      %dma_start3A_996 = arith.constant 0 : i32
      %dma_start3A_997 = tpu.memref_slice %arg6[%dma_start3A_993, %dma_start3A_995, %dma_start3A_996] : memref<3x320x64xf32, #tpu.memory_space<vmem>> -> memref<1x320x64xf32, #tpu.memory_space<vmem>>
      %dma_start3A_998 = tpu.memref_squeeze %dma_start3A_997 : memref<1x320x64xf32, #tpu.memory_space<vmem>> -> memref<320x64xf32, #tpu.memory_space<vmem>>
      %dma_start3A_999 = arith.constant 96 : i32
      %dma_start3A_1000 = arith.constant 0 : i32
      %dma_start3A_1001 = tpu.memref_slice %dma_start3A_998[%dma_start3A_999, %dma_start3A_1000] : memref<320x64xf32, #tpu.memory_space<vmem>> -> memref<16x64xf32, #tpu.memory_space<vmem>>
      %dma_start3A_1002 = arith.constant 0 : i32
      %dma_start3A_1003 = arith.constant 0 : i32
      %dma_start3A_1004 = tpu.memref_slice %arg3[%dma_start3A_1002, %dma_start3A_1003] : memref<1000000x64xf32, #tpu.memory_space<hbm>> -> memref<1000000x64xf32, #tpu.memory_space<hbm>>
      %dma_start3A_1005 = tpu.memref_slice %arg7[%dma_start3A_994] : memref<3x!tpu.dma_semaphore, #tpu.memory_space<semaphore_mem>> -> memref<1x!tpu.dma_semaphore, #tpu.memory_space<semaphore_mem>>
      %dma_start3A_1006 = tpu.memref_squeeze %dma_start3A_1005 : memref<1x!tpu.dma_semaphore, #tpu.memory_space<semaphore_mem>> -> memref<!tpu.dma_semaphore, #tpu.memory_space<semaphore_mem>>
      tpu.enqueue_indirect_dma source(%dma_start3A_1004 : memref<1000000x64xf32, #tpu.memory_space<hbm>>) target(%dma_start3A_1001 : memref<16x64xf32, #tpu.memory_space<vmem>>) offsets(%get3A_992 : vector<16xi32>) semaphore(%dma_start3A_1006 : memref<!tpu.dma_semaphore, #tpu.memory_space<semaphore_mem>>)
      %mul3A_1007 = arith.constant 320 : i32
      %mul3A_1008 = arith.muli %add3A_820, %mul3A_1007 : i32
      %add3A_1009 = arith.constant 112 : i32
      %add3A_1010 = arith.addi %mul3A_1008, %add3A_1009 : i32
      %get3A_1011 = arith.index_cast %add3A_1010 : i32 to index
      %get3A_1012 = tpu.vector_load %arg5[%get3A_1011] {strides = array<i32>} : memref<25600xi32, #tpu.memory_space<vmem>>, vector<16xi32>,
      %get3A_1013 = vector.shape_cast %get3A_1012 : vector<16xi32> to vector<16xi32>
      %dma_start3A_1014 = arith.constant 2 : i32
      %dma_start3A_1015 = arith.constant 2 : i32
      %dma_start3A_1016 = arith.constant 0 : i32
      %dma_start3A_1017 = arith.constant 0 : i32
      %dma_start3A_1018 = tpu.memref_slice %arg6[%dma_start3A_1014, %dma_start3A_1016, %dma_start3A_1017] : memref<3x320x64xf32, #tpu.memory_space<vmem>> -> memref<1x320x64xf32, #tpu.memory_space<vmem>>
      %dma_start3A_1019 = tpu.memref_squeeze %dma_start3A_1018 : memref<1x320x64xf32, #tpu.memory_space<vmem>> -> memref<320x64xf32, #tpu.memory_space<vmem>>
      %dma_start3A_1020 = arith.constant 112 : i32
      %dma_start3A_1021 = arith.constant 0 : i32
      %dma_start3A_1022 = tpu.memref_slice %dma_start3A_1019[%dma_start3A_1020, %dma_start3A_1021] : memref<320x64xf32, #tpu.memory_space<vmem>> -> memref<16x64xf32, #tpu.memory_space<vmem>>
      %dma_start3A_1023 = arith.constant 0 : i32
      %dma_start3A_1024 = arith.constant 0 : i32
      %dma_start3A_1025 = tpu.memref_slice %arg3[%dma_start3A_1023, %dma_start3A_1024] : memref<1000000x64xf32, #tpu.memory_space<hbm>> -> memref<1000000x64xf32, #tpu.memory_space<hbm>>
      %dma_start3A_1026 = tpu.memref_slice %arg7[%dma_start3A_1015] : memref<3x!tpu.dma_semaphore, #tpu.memory_space<semaphore_mem>> -> memref<1x!tpu.dma_semaphore, #tpu.memory_space<semaphore_mem>>
      %dma_start3A_1027 = tpu.memref_squeeze %dma_start3A_1026 : memref<1x!tpu.dma_semaphore, #tpu.memory_space<semaphore_mem>> -> memref<!tpu.dma_semaphore, #tpu.memory_space<semaphore_mem>>
      tpu.enqueue_indirect_dma source(%dma_start3A_1025 : memref<1000000x64xf32, #tpu.memory_space<hbm>>) target(%dma_start3A_1022 : memref<16x64xf32, #tpu.memory_space<vmem>>) offsets(%get3A_1013 : vector<16xi32>) semaphore(%dma_start3A_1027 : memref<!tpu.dma_semaphore, #tpu.memory_space<semaphore_mem>>)
      %mul3A_1028 = arith.constant 320 : i32
      %mul3A_1029 = arith.muli %add3A_820, %mul3A_1028 : i32
      %add3A_1030 = arith.constant 128 : i32
      %add3A_1031 = arith.addi %mul3A_1029, %add3A_1030 : i32
      %get3A_1032 = arith.index_cast %add3A_1031 : i32 to index
      %get3A_1033 = tpu.vector_load %arg5[%get3A_1032] {strides = array<i32>} : memref<25600xi32, #tpu.memory_space<vmem>>, vector<16xi32>,
      %get3A_1034 = vector.shape_cast %get3A_1033 : vector<16xi32> to vector<16xi32>
      %dma_start3A_1035 = arith.constant 2 : i32
      %dma_start3A_1036 = arith.constant 2 : i32
      %dma_start3A_1037 = arith.constant 0 : i32
      %dma_start3A_1038 = arith.constant 0 : i32
      %dma_start3A_1039 = tpu.memref_slice %arg6[%dma_start3A_1035, %dma_start3A_1037, %dma_start3A_1038] : memref<3x320x64xf32, #tpu.memory_space<vmem>> -> memref<1x320x64xf32, #tpu.memory_space<vmem>>
      %dma_start3A_1040 = tpu.memref_squeeze %dma_start3A_1039 : memref<1x320x64xf32, #tpu.memory_space<vmem>> -> memref<320x64xf32, #tpu.memory_space<vmem>>
      %dma_start3A_1041 = arith.constant 128 : i32
      %dma_start3A_1042 = arith.constant 0 : i32
      %dma_start3A_1043 = tpu.memref_slice %dma_start3A_1040[%dma_start3A_1041, %dma_start3A_1042] : memref<320x64xf32, #tpu.memory_space<vmem>> -> memref<16x64xf32, #tpu.memory_space<vmem>>
      %dma_start3A_1044 = arith.constant 0 : i32
      %dma_start3A_1045 = arith.constant 0 : i32
      %dma_start3A_1046 = tpu.memref_slice %arg3[%dma_start3A_1044, %dma_start3A_1045] : memref<1000000x64xf32, #tpu.memory_space<hbm>> -> memref<1000000x64xf32, #tpu.memory_space<hbm>>
      %dma_start3A_1047 = tpu.memref_slice %arg7[%dma_start3A_1036] : memref<3x!tpu.dma_semaphore, #tpu.memory_space<semaphore_mem>> -> memref<1x!tpu.dma_semaphore, #tpu.memory_space<semaphore_mem>>
      %dma_start3A_1048 = tpu.memref_squeeze %dma_start3A_1047 : memref<1x!tpu.dma_semaphore, #tpu.memory_space<semaphore_mem>> -> memref<!tpu.dma_semaphore, #tpu.memory_space<semaphore_mem>>
      tpu.enqueue_indirect_dma source(%dma_start3A_1046 : memref<1000000x64xf32, #tpu.memory_space<hbm>>) target(%dma_start3A_1043 : memref<16x64xf32, #tpu.memory_space<vmem>>) offsets(%get3A_1034 : vector<16xi32>) semaphore(%dma_start3A_1048 : memref<!tpu.dma_semaphore, #tpu.memory_space<semaphore_mem>>)
      %mul3A_1049 = arith.constant 320 : i32
      %mul3A_1050 = arith.muli %add3A_820, %mul3A_1049 : i32
      %add3A_1051 = arith.constant 144 : i32
      %add3A_1052 = arith.addi %mul3A_1050, %add3A_1051 : i32
      %get3A_1053 = arith.index_cast %add3A_1052 : i32 to index
      %get3A_1054 = tpu.vector_load %arg5[%get3A_1053] {strides = array<i32>} : memref<25600xi32, #tpu.memory_space<vmem>>, vector<16xi32>,
      %get3A_1055 = vector.shape_cast %get3A_1054 : vector<16xi32> to vector<16xi32>
      %dma_start3A_1056 = arith.constant 2 : i32
      %dma_start3A_1057 = arith.constant 2 : i32
      %dma_start3A_1058 = arith.constant 0 : i32
      %dma_start3A_1059 = arith.constant 0 : i32
      %dma_start3A_1060 = tpu.memref_slice %arg6[%dma_start3A_1056, %dma_start3A_1058, %dma_start3A_1059] : memref<3x320x64xf32, #tpu.memory_space<vmem>> -> memref<1x320x64xf32, #tpu.memory_space<vmem>>
      %dma_start3A_1061 = tpu.memref_squeeze %dma_start3A_1060 : memref<1x320x64xf32, #tpu.memory_space<vmem>> -> memref<320x64xf32, #tpu.memory_space<vmem>>
      %dma_start3A_1062 = arith.constant 144 : i32
      %dma_start3A_1063 = arith.constant 0 : i32
      %dma_start3A_1064 = tpu.memref_slice %dma_start3A_1061[%dma_start3A_1062, %dma_start3A_1063] : memref<320x64xf32, #tpu.memory_space<vmem>> -> memref<16x64xf32, #tpu.memory_space<vmem>>
      %dma_start3A_1065 = arith.constant 0 : i32
      %dma_start3A_1066 = arith.constant 0 : i32
      %dma_start3A_1067 = tpu.memref_slice %arg3[%dma_start3A_1065, %dma_start3A_1066] : memref<1000000x64xf32, #tpu.memory_space<hbm>> -> memref<1000000x64xf32, #tpu.memory_space<hbm>>
      %dma_start3A_1068 = tpu.memref_slice %arg7[%dma_start3A_1057] : memref<3x!tpu.dma_semaphore, #tpu.memory_space<semaphore_mem>> -> memref<1x!tpu.dma_semaphore, #tpu.memory_space<semaphore_mem>>
      %dma_start3A_1069 = tpu.memref_squeeze %dma_start3A_1068 : memref<1x!tpu.dma_semaphore, #tpu.memory_space<semaphore_mem>> -> memref<!tpu.dma_semaphore, #tpu.memory_space<semaphore_mem>>
      tpu.enqueue_indirect_dma source(%dma_start3A_1067 : memref<1000000x64xf32, #tpu.memory_space<hbm>>) target(%dma_start3A_1064 : memref<16x64xf32, #tpu.memory_space<vmem>>) offsets(%get3A_1055 : vector<16xi32>) semaphore(%dma_start3A_1069 : memref<!tpu.dma_semaphore, #tpu.memory_space<semaphore_mem>>)
      %mul3A_1070 = arith.constant 320 : i32
      %mul3A_1071 = arith.muli %add3A_820, %mul3A_1070 : i32
      %add3A_1072 = arith.constant 160 : i32
      %add3A_1073 = arith.addi %mul3A_1071, %add3A_1072 : i32
      %get3A_1074 = arith.index_cast %add3A_1073 : i32 to index
      %get3A_1075 = tpu.vector_load %arg5[%get3A_1074] {strides = array<i32>} : memref<25600xi32, #tpu.memory_space<vmem>>, vector<16xi32>,
      %get3A_1076 = vector.shape_cast %get3A_1075 : vector<16xi32> to vector<16xi32>
      %dma_start3A_1077 = arith.constant 2 : i32
      %dma_start3A_1078 = arith.constant 2 : i32
      %dma_start3A_1079 = arith.constant 0 : i32
      %dma_start3A_1080 = arith.constant 0 : i32
      %dma_start3A_1081 = tpu.memref_slice %arg6[%dma_start3A_1077, %dma_start3A_1079, %dma_start3A_1080] : memref<3x320x64xf32, #tpu.memory_space<vmem>> -> memref<1x320x64xf32, #tpu.memory_space<vmem>>
      %dma_start3A_1082 = tpu.memref_squeeze %dma_start3A_1081 : memref<1x320x64xf32, #tpu.memory_space<vmem>> -> memref<320x64xf32, #tpu.memory_space<vmem>>
      %dma_start3A_1083 = arith.constant 160 : i32
      %dma_start3A_1084 = arith.constant 0 : i32
      %dma_start3A_1085 = tpu.memref_slice %dma_start3A_1082[%dma_start3A_1083, %dma_start3A_1084] : memref<320x64xf32, #tpu.memory_space<vmem>> -> memref<16x64xf32, #tpu.memory_space<vmem>>
      %dma_start3A_1086 = arith.constant 0 : i32
      %dma_start3A_1087 = arith.constant 0 : i32
      %dma_start3A_1088 = tpu.memref_slice %arg3[%dma_start3A_1086, %dma_start3A_1087] : memref<1000000x64xf32, #tpu.memory_space<hbm>> -> memref<1000000x64xf32, #tpu.memory_space<hbm>>
      %dma_start3A_1089 = tpu.memref_slice %arg7[%dma_start3A_1078] : memref<3x!tpu.dma_semaphore, #tpu.memory_space<semaphore_mem>> -> memref<1x!tpu.dma_semaphore, #tpu.memory_space<semaphore_mem>>
      %dma_start3A_1090 = tpu.memref_squeeze %dma_start3A_1089 : memref<1x!tpu.dma_semaphore, #tpu.memory_space<semaphore_mem>> -> memref<!tpu.dma_semaphore, #tpu.memory_space<semaphore_mem>>
      tpu.enqueue_indirect_dma source(%dma_start3A_1088 : memref<1000000x64xf32, #tpu.memory_space<hbm>>) target(%dma_start3A_1085 : memref<16x64xf32, #tpu.memory_space<vmem>>) offsets(%get3A_1076 : vector<16xi32>) semaphore(%dma_start3A_1090 : memref<!tpu.dma_semaphore, #tpu.memory_space<semaphore_mem>>)
      %mul3A_1091 = arith.constant 320 : i32
      %mul3A_1092 = arith.muli %add3A_820, %mul3A_1091 : i32
      %add3A_1093 = arith.constant 176 : i32
      %add3A_1094 = arith.addi %mul3A_1092, %add3A_1093 : i32
      %get3A_1095 = arith.index_cast %add3A_1094 : i32 to index
      %get3A_1096 = tpu.vector_load %arg5[%get3A_1095] {strides = array<i32>} : memref<25600xi32, #tpu.memory_space<vmem>>, vector<16xi32>,
      %get3A_1097 = vector.shape_cast %get3A_1096 : vector<16xi32> to vector<16xi32>
      %dma_start3A_1098 = arith.constant 2 : i32
      %dma_start3A_1099 = arith.constant 2 : i32
      %dma_start3A_1100 = arith.constant 0 : i32
      %dma_start3A_1101 = arith.constant 0 : i32
      %dma_start3A_1102 = tpu.memref_slice %arg6[%dma_start3A_1098, %dma_start3A_1100, %dma_start3A_1101] : memref<3x320x64xf32, #tpu.memory_space<vmem>> -> memref<1x320x64xf32, #tpu.memory_space<vmem>>
      %dma_start3A_1103 = tpu.memref_squeeze %dma_start3A_1102 : memref<1x320x64xf32, #tpu.memory_space<vmem>> -> memref<320x64xf32, #tpu.memory_space<vmem>>
      %dma_start3A_1104 = arith.constant 176 : i32
      %dma_start3A_1105 = arith.constant 0 : i32
      %dma_start3A_1106 = tpu.memref_slice %dma_start3A_1103[%dma_start3A_1104, %dma_start3A_1105] : memref<320x64xf32, #tpu.memory_space<vmem>> -> memref<16x64xf32, #tpu.memory_space<vmem>>
      %dma_start3A_1107 = arith.constant 0 : i32
      %dma_start3A_1108 = arith.constant 0 : i32
      %dma_start3A_1109 = tpu.memref_slice %arg3[%dma_start3A_1107, %dma_start3A_1108] : memref<1000000x64xf32, #tpu.memory_space<hbm>> -> memref<1000000x64xf32, #tpu.memory_space<hbm>>
      %dma_start3A_1110 = tpu.memref_slice %arg7[%dma_start3A_1099] : memref<3x!tpu.dma_semaphore, #tpu.memory_space<semaphore_mem>> -> memref<1x!tpu.dma_semaphore, #tpu.memory_space<semaphore_mem>>
      %dma_start3A_1111 = tpu.memref_squeeze %dma_start3A_1110 : memref<1x!tpu.dma_semaphore, #tpu.memory_space<semaphore_mem>> -> memref<!tpu.dma_semaphore, #tpu.memory_space<semaphore_mem>>
      tpu.enqueue_indirect_dma source(%dma_start3A_1109 : memref<1000000x64xf32, #tpu.memory_space<hbm>>) target(%dma_start3A_1106 : memref<16x64xf32, #tpu.memory_space<vmem>>) offsets(%get3A_1097 : vector<16xi32>) semaphore(%dma_start3A_1111 : memref<!tpu.dma_semaphore, #tpu.memory_space<semaphore_mem>>)
      %mul3A_1112 = arith.constant 320 : i32
      %mul3A_1113 = arith.muli %add3A_820, %mul3A_1112 : i32
      %add3A_1114 = arith.constant 192 : i32
      %add3A_1115 = arith.addi %mul3A_1113, %add3A_1114 : i32
      %get3A_1116 = arith.index_cast %add3A_1115 : i32 to index
      %get3A_1117 = tpu.vector_load %arg5[%get3A_1116] {strides = array<i32>} : memref<25600xi32, #tpu.memory_space<vmem>>, vector<16xi32>,
      %get3A_1118 = vector.shape_cast %get3A_1117 : vector<16xi32> to vector<16xi32>
      %dma_start3A_1119 = arith.constant 2 : i32
      %dma_start3A_1120 = arith.constant 2 : i32
      %dma_start3A_1121 = arith.constant 0 : i32
      %dma_start3A_1122 = arith.constant 0 : i32
      %dma_start3A_1123 = tpu.memref_slice %arg6[%dma_start3A_1119, %dma_start3A_1121, %dma_start3A_1122] : memref<3x320x64xf32, #tpu.memory_space<vmem>> -> memref<1x320x64xf32, #tpu.memory_space<vmem>>
      %dma_start3A_1124 = tpu.memref_squeeze %dma_start3A_1123 : memref<1x320x64xf32, #tpu.memory_space<vmem>> -> memref<320x64xf32, #tpu.memory_space<vmem>>
      %dma_start3A_1125 = arith.constant 192 : i32
      %dma_start3A_1126 = arith.constant 0 : i32
      %dma_start3A_1127 = tpu.memref_slice %dma_start3A_1124[%dma_start3A_1125, %dma_start3A_1126] : memref<320x64xf32, #tpu.memory_space<vmem>> -> memref<16x64xf32, #tpu.memory_space<vmem>>
      %dma_start3A_1128 = arith.constant 0 : i32
      %dma_start3A_1129 = arith.constant 0 : i32
      %dma_start3A_1130 = tpu.memref_slice %arg3[%dma_start3A_1128, %dma_start3A_1129] : memref<1000000x64xf32, #tpu.memory_space<hbm>> -> memref<1000000x64xf32, #tpu.memory_space<hbm>>
      %dma_start3A_1131 = tpu.memref_slice %arg7[%dma_start3A_1120] : memref<3x!tpu.dma_semaphore, #tpu.memory_space<semaphore_mem>> -> memref<1x!tpu.dma_semaphore, #tpu.memory_space<semaphore_mem>>
      %dma_start3A_1132 = tpu.memref_squeeze %dma_start3A_1131 : memref<1x!tpu.dma_semaphore, #tpu.memory_space<semaphore_mem>> -> memref<!tpu.dma_semaphore, #tpu.memory_space<semaphore_mem>>
      tpu.enqueue_indirect_dma source(%dma_start3A_1130 : memref<1000000x64xf32, #tpu.memory_space<hbm>>) target(%dma_start3A_1127 : memref<16x64xf32, #tpu.memory_space<vmem>>) offsets(%get3A_1118 : vector<16xi32>) semaphore(%dma_start3A_1132 : memref<!tpu.dma_semaphore, #tpu.memory_space<semaphore_mem>>)
      %mul3A_1133 = arith.constant 320 : i32
      %mul3A_1134 = arith.muli %add3A_820, %mul3A_1133 : i32
      %add3A_1135 = arith.constant 208 : i32
      %add3A_1136 = arith.addi %mul3A_1134, %add3A_1135 : i32
      %get3A_1137 = arith.index_cast %add3A_1136 : i32 to index
      %get3A_1138 = tpu.vector_load %arg5[%get3A_1137] {strides = array<i32>} : memref<25600xi32, #tpu.memory_space<vmem>>, vector<16xi32>,
      %get3A_1139 = vector.shape_cast %get3A_1138 : vector<16xi32> to vector<16xi32>
      %dma_start3A_1140 = arith.constant 2 : i32
      %dma_start3A_1141 = arith.constant 2 : i32
      %dma_start3A_1142 = arith.constant 0 : i32
      %dma_start3A_1143 = arith.constant 0 : i32
      %dma_start3A_1144 = tpu.memref_slice %arg6[%dma_start3A_1140, %dma_start3A_1142, %dma_start3A_1143] : memref<3x320x64xf32, #tpu.memory_space<vmem>> -> memref<1x320x64xf32, #tpu.memory_space<vmem>>
      %dma_start3A_1145 = tpu.memref_squeeze %dma_start3A_1144 : memref<1x320x64xf32, #tpu.memory_space<vmem>> -> memref<320x64xf32, #tpu.memory_space<vmem>>
      %dma_start3A_1146 = arith.constant 208 : i32
      %dma_start3A_1147 = arith.constant 0 : i32
      %dma_start3A_1148 = tpu.memref_slice %dma_start3A_1145[%dma_start3A_1146, %dma_start3A_1147] : memref<320x64xf32, #tpu.memory_space<vmem>> -> memref<16x64xf32, #tpu.memory_space<vmem>>
      %dma_start3A_1149 = arith.constant 0 : i32
      %dma_start3A_1150 = arith.constant 0 : i32
      %dma_start3A_1151 = tpu.memref_slice %arg3[%dma_start3A_1149, %dma_start3A_1150] : memref<1000000x64xf32, #tpu.memory_space<hbm>> -> memref<1000000x64xf32, #tpu.memory_space<hbm>>
      %dma_start3A_1152 = tpu.memref_slice %arg7[%dma_start3A_1141] : memref<3x!tpu.dma_semaphore, #tpu.memory_space<semaphore_mem>> -> memref<1x!tpu.dma_semaphore, #tpu.memory_space<semaphore_mem>>
      %dma_start3A_1153 = tpu.memref_squeeze %dma_start3A_1152 : memref<1x!tpu.dma_semaphore, #tpu.memory_space<semaphore_mem>> -> memref<!tpu.dma_semaphore, #tpu.memory_space<semaphore_mem>>
      tpu.enqueue_indirect_dma source(%dma_start3A_1151 : memref<1000000x64xf32, #tpu.memory_space<hbm>>) target(%dma_start3A_1148 : memref<16x64xf32, #tpu.memory_space<vmem>>) offsets(%get3A_1139 : vector<16xi32>) semaphore(%dma_start3A_1153 : memref<!tpu.dma_semaphore, #tpu.memory_space<semaphore_mem>>)
      %mul3A_1154 = arith.constant 320 : i32
      %mul3A_1155 = arith.muli %add3A_820, %mul3A_1154 : i32
      %add3A_1156 = arith.constant 224 : i32
      %add3A_1157 = arith.addi %mul3A_1155, %add3A_1156 : i32
      %get3A_1158 = arith.index_cast %add3A_1157 : i32 to index
      %get3A_1159 = tpu.vector_load %arg5[%get3A_1158] {strides = array<i32>} : memref<25600xi32, #tpu.memory_space<vmem>>, vector<16xi32>,
      %get3A_1160 = vector.shape_cast %get3A_1159 : vector<16xi32> to vector<16xi32>
      %dma_start3A_1161 = arith.constant 2 : i32
      %dma_start3A_1162 = arith.constant 2 : i32
      %dma_start3A_1163 = arith.constant 0 : i32
      %dma_start3A_1164 = arith.constant 0 : i32
      %dma_start3A_1165 = tpu.memref_slice %arg6[%dma_start3A_1161, %dma_start3A_1163, %dma_start3A_1164] : memref<3x320x64xf32, #tpu.memory_space<vmem>> -> memref<1x320x64xf32, #tpu.memory_space<vmem>>
      %dma_start3A_1166 = tpu.memref_squeeze %dma_start3A_1165 : memref<1x320x64xf32, #tpu.memory_space<vmem>> -> memref<320x64xf32, #tpu.memory_space<vmem>>
      %dma_start3A_1167 = arith.constant 224 : i32
      %dma_start3A_1168 = arith.constant 0 : i32
      %dma_start3A_1169 = tpu.memref_slice %dma_start3A_1166[%dma_start3A_1167, %dma_start3A_1168] : memref<320x64xf32, #tpu.memory_space<vmem>> -> memref<16x64xf32, #tpu.memory_space<vmem>>
      %dma_start3A_1170 = arith.constant 0 : i32
      %dma_start3A_1171 = arith.constant 0 : i32
      %dma_start3A_1172 = tpu.memref_slice %arg3[%dma_start3A_1170, %dma_start3A_1171] : memref<1000000x64xf32, #tpu.memory_space<hbm>> -> memref<1000000x64xf32, #tpu.memory_space<hbm>>
      %dma_start3A_1173 = tpu.memref_slice %arg7[%dma_start3A_1162] : memref<3x!tpu.dma_semaphore, #tpu.memory_space<semaphore_mem>> -> memref<1x!tpu.dma_semaphore, #tpu.memory_space<semaphore_mem>>
      %dma_start3A_1174 = tpu.memref_squeeze %dma_start3A_1173 : memref<1x!tpu.dma_semaphore, #tpu.memory_space<semaphore_mem>> -> memref<!tpu.dma_semaphore, #tpu.memory_space<semaphore_mem>>
      tpu.enqueue_indirect_dma source(%dma_start3A_1172 : memref<1000000x64xf32, #tpu.memory_space<hbm>>) target(%dma_start3A_1169 : memref<16x64xf32, #tpu.memory_space<vmem>>) offsets(%get3A_1160 : vector<16xi32>) semaphore(%dma_start3A_1174 : memref<!tpu.dma_semaphore, #tpu.memory_space<semaphore_mem>>)
      %mul3A_1175 = arith.constant 320 : i32
      %mul3A_1176 = arith.muli %add3A_820, %mul3A_1175 : i32
      %add3A_1177 = arith.constant 240 : i32
      %add3A_1178 = arith.addi %mul3A_1176, %add3A_1177 : i32
      %get3A_1179 = arith.index_cast %add3A_1178 : i32 to index
      %get3A_1180 = tpu.vector_load %arg5[%get3A_1179] {strides = array<i32>} : memref<25600xi32, #tpu.memory_space<vmem>>, vector<16xi32>,
      %get3A_1181 = vector.shape_cast %get3A_1180 : vector<16xi32> to vector<16xi32>
      %dma_start3A_1182 = arith.constant 2 : i32
      %dma_start3A_1183 = arith.constant 2 : i32
      %dma_start3A_1184 = arith.constant 0 : i32
      %dma_start3A_1185 = arith.constant 0 : i32
      %dma_start3A_1186 = tpu.memref_slice %arg6[%dma_start3A_1182, %dma_start3A_1184, %dma_start3A_1185] : memref<3x320x64xf32, #tpu.memory_space<vmem>> -> memref<1x320x64xf32, #tpu.memory_space<vmem>>
      %dma_start3A_1187 = tpu.memref_squeeze %dma_start3A_1186 : memref<1x320x64xf32, #tpu.memory_space<vmem>> -> memref<320x64xf32, #tpu.memory_space<vmem>>
      %dma_start3A_1188 = arith.constant 240 : i32
      %dma_start3A_1189 = arith.constant 0 : i32
      %dma_start3A_1190 = tpu.memref_slice %dma_start3A_1187[%dma_start3A_1188, %dma_start3A_1189] : memref<320x64xf32, #tpu.memory_space<vmem>> -> memref<16x64xf32, #tpu.memory_space<vmem>>
      %dma_start3A_1191 = arith.constant 0 : i32
      %dma_start3A_1192 = arith.constant 0 : i32
      %dma_start3A_1193 = tpu.memref_slice %arg3[%dma_start3A_1191, %dma_start3A_1192] : memref<1000000x64xf32, #tpu.memory_space<hbm>> -> memref<1000000x64xf32, #tpu.memory_space<hbm>>
      %dma_start3A_1194 = tpu.memref_slice %arg7[%dma_start3A_1183] : memref<3x!tpu.dma_semaphore, #tpu.memory_space<semaphore_mem>> -> memref<1x!tpu.dma_semaphore, #tpu.memory_space<semaphore_mem>>
      %dma_start3A_1195 = tpu.memref_squeeze %dma_start3A_1194 : memref<1x!tpu.dma_semaphore, #tpu.memory_space<semaphore_mem>> -> memref<!tpu.dma_semaphore, #tpu.memory_space<semaphore_mem>>
      tpu.enqueue_indirect_dma source(%dma_start3A_1193 : memref<1000000x64xf32, #tpu.memory_space<hbm>>) target(%dma_start3A_1190 : memref<16x64xf32, #tpu.memory_space<vmem>>) offsets(%get3A_1181 : vector<16xi32>) semaphore(%dma_start3A_1195 : memref<!tpu.dma_semaphore, #tpu.memory_space<semaphore_mem>>)
      %mul3A_1196 = arith.constant 320 : i32
      %mul3A_1197 = arith.muli %add3A_820, %mul3A_1196 : i32
      %add3A_1198 = arith.constant 256 : i32
      %add3A_1199 = arith.addi %mul3A_1197, %add3A_1198 : i32
      %get3A_1200 = arith.index_cast %add3A_1199 : i32 to index
      %get3A_1201 = tpu.vector_load %arg5[%get3A_1200] {strides = array<i32>} : memref<25600xi32, #tpu.memory_space<vmem>>, vector<16xi32>,
      %get3A_1202 = vector.shape_cast %get3A_1201 : vector<16xi32> to vector<16xi32>
      %dma_start3A_1203 = arith.constant 2 : i32
      %dma_start3A_1204 = arith.constant 2 : i32
      %dma_start3A_1205 = arith.constant 0 : i32
      %dma_start3A_1206 = arith.constant 0 : i32
      %dma_start3A_1207 = tpu.memref_slice %arg6[%dma_start3A_1203, %dma_start3A_1205, %dma_start3A_1206] : memref<3x320x64xf32, #tpu.memory_space<vmem>> -> memref<1x320x64xf32, #tpu.memory_space<vmem>>
      %dma_start3A_1208 = tpu.memref_squeeze %dma_start3A_1207 : memref<1x320x64xf32, #tpu.memory_space<vmem>> -> memref<320x64xf32, #tpu.memory_space<vmem>>
      %dma_start3A_1209 = arith.constant 256 : i32
      %dma_start3A_1210 = arith.constant 0 : i32
      %dma_start3A_1211 = tpu.memref_slice %dma_start3A_1208[%dma_start3A_1209, %dma_start3A_1210] : memref<320x64xf32, #tpu.memory_space<vmem>> -> memref<16x64xf32, #tpu.memory_space<vmem>>
      %dma_start3A_1212 = arith.constant 0 : i32
      %dma_start3A_1213 = arith.constant 0 : i32
      %dma_start3A_1214 = tpu.memref_slice %arg3[%dma_start3A_1212, %dma_start3A_1213] : memref<1000000x64xf32, #tpu.memory_space<hbm>> -> memref<1000000x64xf32, #tpu.memory_space<hbm>>
      %dma_start3A_1215 = tpu.memref_slice %arg7[%dma_start3A_1204] : memref<3x!tpu.dma_semaphore, #tpu.memory_space<semaphore_mem>> -> memref<1x!tpu.dma_semaphore, #tpu.memory_space<semaphore_mem>>
      %dma_start3A_1216 = tpu.memref_squeeze %dma_start3A_1215 : memref<1x!tpu.dma_semaphore, #tpu.memory_space<semaphore_mem>> -> memref<!tpu.dma_semaphore, #tpu.memory_space<semaphore_mem>>
      tpu.enqueue_indirect_dma source(%dma_start3A_1214 : memref<1000000x64xf32, #tpu.memory_space<hbm>>) target(%dma_start3A_1211 : memref<16x64xf32, #tpu.memory_space<vmem>>) offsets(%get3A_1202 : vector<16xi32>) semaphore(%dma_start3A_1216 : memref<!tpu.dma_semaphore, #tpu.memory_space<semaphore_mem>>)
      %mul3A_1217 = arith.constant 320 : i32
      %mul3A_1218 = arith.muli %add3A_820, %mul3A_1217 : i32
      %add3A_1219 = arith.constant 272 : i32
      %add3A_1220 = arith.addi %mul3A_1218, %add3A_1219 : i32
      %get3A_1221 = arith.index_cast %add3A_1220 : i32 to index
      %get3A_1222 = tpu.vector_load %arg5[%get3A_1221] {strides = array<i32>} : memref<25600xi32, #tpu.memory_space<vmem>>, vector<16xi32>,
      %get3A_1223 = vector.shape_cast %get3A_1222 : vector<16xi32> to vector<16xi32>
      %dma_start3A_1224 = arith.constant 2 : i32
      %dma_start3A_1225 = arith.constant 2 : i32
      %dma_start3A_1226 = arith.constant 0 : i32
      %dma_start3A_1227 = arith.constant 0 : i32
      %dma_start3A_1228 = tpu.memref_slice %arg6[%dma_start3A_1224, %dma_start3A_1226, %dma_start3A_1227] : memref<3x320x64xf32, #tpu.memory_space<vmem>> -> memref<1x320x64xf32, #tpu.memory_space<vmem>>
      %dma_start3A_1229 = tpu.memref_squeeze %dma_start3A_1228 : memref<1x320x64xf32, #tpu.memory_space<vmem>> -> memref<320x64xf32, #tpu.memory_space<vmem>>
      %dma_start3A_1230 = arith.constant 272 : i32
      %dma_start3A_1231 = arith.constant 0 : i32
      %dma_start3A_1232 = tpu.memref_slice %dma_start3A_1229[%dma_start3A_1230, %dma_start3A_1231] : memref<320x64xf32, #tpu.memory_space<vmem>> -> memref<16x64xf32, #tpu.memory_space<vmem>>
      %dma_start3A_1233 = arith.constant 0 : i32
      %dma_start3A_1234 = arith.constant 0 : i32
      %dma_start3A_1235 = tpu.memref_slice %arg3[%dma_start3A_1233, %dma_start3A_1234] : memref<1000000x64xf32, #tpu.memory_space<hbm>> -> memref<1000000x64xf32, #tpu.memory_space<hbm>>
      %dma_start3A_1236 = tpu.memref_slice %arg7[%dma_start3A_1225] : memref<3x!tpu.dma_semaphore, #tpu.memory_space<semaphore_mem>> -> memref<1x!tpu.dma_semaphore, #tpu.memory_space<semaphore_mem>>
      %dma_start3A_1237 = tpu.memref_squeeze %dma_start3A_1236 : memref<1x!tpu.dma_semaphore, #tpu.memory_space<semaphore_mem>> -> memref<!tpu.dma_semaphore, #tpu.memory_space<semaphore_mem>>
      tpu.enqueue_indirect_dma source(%dma_start3A_1235 : memref<1000000x64xf32, #tpu.memory_space<hbm>>) target(%dma_start3A_1232 : memref<16x64xf32, #tpu.memory_space<vmem>>) offsets(%get3A_1223 : vector<16xi32>) semaphore(%dma_start3A_1237 : memref<!tpu.dma_semaphore, #tpu.memory_space<semaphore_mem>>)
      %mul3A_1238 = arith.constant 320 : i32
      %mul3A_1239 = arith.muli %add3A_820, %mul3A_1238 : i32
      %add3A_1240 = arith.constant 288 : i32
      %add3A_1241 = arith.addi %mul3A_1239, %add3A_1240 : i32
      %get3A_1242 = arith.index_cast %add3A_1241 : i32 to index
      %get3A_1243 = tpu.vector_load %arg5[%get3A_1242] {strides = array<i32>} : memref<25600xi32, #tpu.memory_space<vmem>>, vector<16xi32>,
      %get3A_1244 = vector.shape_cast %get3A_1243 : vector<16xi32> to vector<16xi32>
      %dma_start3A_1245 = arith.constant 2 : i32
      %dma_start3A_1246 = arith.constant 2 : i32
      %dma_start3A_1247 = arith.constant 0 : i32
      %dma_start3A_1248 = arith.constant 0 : i32
      %dma_start3A_1249 = tpu.memref_slice %arg6[%dma_start3A_1245, %dma_start3A_1247, %dma_start3A_1248] : memref<3x320x64xf32, #tpu.memory_space<vmem>> -> memref<1x320x64xf32, #tpu.memory_space<vmem>>
      %dma_start3A_1250 = tpu.memref_squeeze %dma_start3A_1249 : memref<1x320x64xf32, #tpu.memory_space<vmem>> -> memref<320x64xf32, #tpu.memory_space<vmem>>
      %dma_start3A_1251 = arith.constant 288 : i32
      %dma_start3A_1252 = arith.constant 0 : i32
      %dma_start3A_1253 = tpu.memref_slice %dma_start3A_1250[%dma_start3A_1251, %dma_start3A_1252] : memref<320x64xf32, #tpu.memory_space<vmem>> -> memref<16x64xf32, #tpu.memory_space<vmem>>
      %dma_start3A_1254 = arith.constant 0 : i32
      %dma_start3A_1255 = arith.constant 0 : i32
      %dma_start3A_1256 = tpu.memref_slice %arg3[%dma_start3A_1254, %dma_start3A_1255] : memref<1000000x64xf32, #tpu.memory_space<hbm>> -> memref<1000000x64xf32, #tpu.memory_space<hbm>>
      %dma_start3A_1257 = tpu.memref_slice %arg7[%dma_start3A_1246] : memref<3x!tpu.dma_semaphore, #tpu.memory_space<semaphore_mem>> -> memref<1x!tpu.dma_semaphore, #tpu.memory_space<semaphore_mem>>
      %dma_start3A_1258 = tpu.memref_squeeze %dma_start3A_1257 : memref<1x!tpu.dma_semaphore, #tpu.memory_space<semaphore_mem>> -> memref<!tpu.dma_semaphore, #tpu.memory_space<semaphore_mem>>
      tpu.enqueue_indirect_dma source(%dma_start3A_1256 : memref<1000000x64xf32, #tpu.memory_space<hbm>>) target(%dma_start3A_1253 : memref<16x64xf32, #tpu.memory_space<vmem>>) offsets(%get3A_1244 : vector<16xi32>) semaphore(%dma_start3A_1258 : memref<!tpu.dma_semaphore, #tpu.memory_space<semaphore_mem>>)
      %mul3A_1259 = arith.constant 320 : i32
      %mul3A_1260 = arith.muli %add3A_820, %mul3A_1259 : i32
      %add3A_1261 = arith.constant 304 : i32
      %add3A_1262 = arith.addi %mul3A_1260, %add3A_1261 : i32
      %get3A_1263 = arith.index_cast %add3A_1262 : i32 to index
      %get3A_1264 = tpu.vector_load %arg5[%get3A_1263] {strides = array<i32>} : memref<25600xi32, #tpu.memory_space<vmem>>, vector<16xi32>,
      %get3A_1265 = vector.shape_cast %get3A_1264 : vector<16xi32> to vector<16xi32>
      %dma_start3A_1266 = arith.constant 2 : i32
      %dma_start3A_1267 = arith.constant 2 : i32
      %dma_start3A_1268 = arith.constant 0 : i32
      %dma_start3A_1269 = arith.constant 0 : i32
      %dma_start3A_1270 = tpu.memref_slice %arg6[%dma_start3A_1266, %dma_start3A_1268, %dma_start3A_1269] : memref<3x320x64xf32, #tpu.memory_space<vmem>> -> memref<1x320x64xf32, #tpu.memory_space<vmem>>
      %dma_start3A_1271 = tpu.memref_squeeze %dma_start3A_1270 : memref<1x320x64xf32, #tpu.memory_space<vmem>> -> memref<320x64xf32, #tpu.memory_space<vmem>>
      %dma_start3A_1272 = arith.constant 304 : i32
      %dma_start3A_1273 = arith.constant 0 : i32
      %dma_start3A_1274 = tpu.memref_slice %dma_start3A_1271[%dma_start3A_1272, %dma_start3A_1273] : memref<320x64xf32, #tpu.memory_space<vmem>> -> memref<16x64xf32, #tpu.memory_space<vmem>>
      %dma_start3A_1275 = arith.constant 0 : i32
      %dma_start3A_1276 = arith.constant 0 : i32
      %dma_start3A_1277 = tpu.memref_slice %arg3[%dma_start3A_1275, %dma_start3A_1276] : memref<1000000x64xf32, #tpu.memory_space<hbm>> -> memref<1000000x64xf32, #tpu.memory_space<hbm>>
      %dma_start3A_1278 = tpu.memref_slice %arg7[%dma_start3A_1267] : memref<3x!tpu.dma_semaphore, #tpu.memory_space<semaphore_mem>> -> memref<1x!tpu.dma_semaphore, #tpu.memory_space<semaphore_mem>>
      %dma_start3A_1279 = tpu.memref_squeeze %dma_start3A_1278 : memref<1x!tpu.dma_semaphore, #tpu.memory_space<semaphore_mem>> -> memref<!tpu.dma_semaphore, #tpu.memory_space<semaphore_mem>>
      tpu.enqueue_indirect_dma source(%dma_start3A_1277 : memref<1000000x64xf32, #tpu.memory_space<hbm>>) target(%dma_start3A_1274 : memref<16x64xf32, #tpu.memory_space<vmem>>) offsets(%get3A_1265 : vector<16xi32>) semaphore(%dma_start3A_1279 : memref<!tpu.dma_semaphore, #tpu.memory_space<semaphore_mem>>)
      %mul3A_1280 = arith.constant 3 : i32
      %mul3A_1281 = arith.muli %add3A_814, %mul3A_1280 : i32
      %add3A_1282 = arith.constant 1 : i32
      %add3A_1283 = arith.addi %mul3A_1281, %add3A_1282 : i32
      %add3A_1284 = arith.constant 2 : i32
      %add3A_1285 = arith.addi %add3A_1283, %add3A_1284 : i32
      %dma_wait3A_1286 = arith.constant 1 : i32
      %dma_wait3A_1287 = arith.constant 1 : i32
      %dma_wait3A_1288 = arith.constant 0 : i32
      %dma_wait3A_1289 = arith.constant 0 : i32
      %dma_wait3A_1290 = tpu.memref_slice %arg6[%dma_wait3A_1286, %dma_wait3A_1288, %dma_wait3A_1289] : memref<3x320x64xf32, #tpu.memory_space<vmem>> -> memref<1x320x64xf32, #tpu.memory_space<vmem>>
      %dma_wait3A_1291 = tpu.memref_squeeze %dma_wait3A_1290 : memref<1x320x64xf32, #tpu.memory_space<vmem>> -> memref<320x64xf32, #tpu.memory_space<vmem>>
      %dma_wait3A_1292 = arith.constant 0 : i32
      %dma_wait3A_1293 = arith.constant 0 : i32
      %dma_wait3A_1294 = tpu.memref_slice %arg3[%dma_wait3A_1292, %dma_wait3A_1293] : memref<1000000x64xf32, #tpu.memory_space<hbm>> -> memref<320x64xf32, #tpu.memory_space<hbm>>
      %dma_wait3A_1295 = tpu.memref_slice %arg7[%dma_wait3A_1287] : memref<3x!tpu.dma_semaphore, #tpu.memory_space<semaphore_mem>> -> memref<1x!tpu.dma_semaphore, #tpu.memory_space<semaphore_mem>>
      %dma_wait3A_1296 = tpu.memref_squeeze %dma_wait3A_1295 : memref<1x!tpu.dma_semaphore, #tpu.memory_space<semaphore_mem>> -> memref<!tpu.dma_semaphore, #tpu.memory_space<semaphore_mem>>
      %dma_wait3A_1297 = arith.constant 0 : i32
      %dma_wait3A_1298 = arith.constant 0 : i32
      %dma_wait3A_1299 = tpu.memref_slice %arg6[%dma_wait3A_1286, %dma_wait3A_1297, %dma_wait3A_1298] : memref<3x320x64xf32, #tpu.memory_space<vmem>> -> memref<1x320x64xf32, #tpu.memory_space<vmem>>
      %dma_wait3A_1300 = tpu.memref_squeeze %dma_wait3A_1299 : memref<1x320x64xf32, #tpu.memory_space<vmem>> -> memref<320x64xf32, #tpu.memory_space<vmem>>
      %dma_wait3A_1301 = arith.constant 0 : i32
      %dma_wait3A_1302 = arith.constant 0 : i32
      %dma_wait3A_1303 = tpu.memref_slice %arg3[%dma_wait3A_1301, %dma_wait3A_1302] : memref<1000000x64xf32, #tpu.memory_space<hbm>> -> memref<320x64xf32, #tpu.memory_space<hbm>>
      tpu.wait_dma2 semaphore(%dma_wait3A_1296 : memref<!tpu.dma_semaphore, #tpu.memory_space<semaphore_mem>>) src(%dma_wait3A_1303 : memref<320x64xf32, #tpu.memory_space<hbm>>) dst(%dma_wait3A_1300 : memref<320x64xf32, #tpu.memory_space<vmem>>)
      %mul3A_1304 = arith.constant 320 : i32
      %mul3A_1305 = arith.muli %add3A_1283, %mul3A_1304 : i32
      %add3A_1306 = arith.addi %mul3A_2, %mul3A_1305 : i32
      %dma_start3A_1307 = arith.constant 1 : i32
      %dma_start3A_1308 = arith.constant 1 : i32
      %dma_start3A_1309 = arith.constant 0 : i32
      %dma_start3A_1310 = arith.constant 0 : i32
      %dma_start3A_1311 = tpu.memref_slice %arg6[%dma_start3A_1307, %dma_start3A_1309, %dma_start3A_1310] : memref<3x320x64xf32, #tpu.memory_space<vmem>> -> memref<1x320x64xf32, #tpu.memory_space<vmem>>
      %dma_start3A_1312 = tpu.memref_squeeze %dma_start3A_1311 : memref<1x320x64xf32, #tpu.memory_space<vmem>> -> memref<320x64xf32, #tpu.memory_space<vmem>>
      %dma_start3A_1313 = arith.constant 0 : i32
      %dma_start3A_1314 = tpu.memref_slice %arg4[%add3A_1306, %dma_start3A_1313] : memref<819200x64xf32, #tpu.memory_space<hbm>> -> memref<320x64xf32, #tpu.memory_space<hbm>>
      %dma_start3A_1315 = tpu.memref_slice %arg8[%dma_start3A_1308] : memref<3x!tpu.dma_semaphore, #tpu.memory_space<semaphore_mem>> -> memref<1x!tpu.dma_semaphore, #tpu.memory_space<semaphore_mem>>
      %dma_start3A_1316 = tpu.memref_squeeze %dma_start3A_1315 : memref<1x!tpu.dma_semaphore, #tpu.memory_space<semaphore_mem>> -> memref<!tpu.dma_semaphore, #tpu.memory_space<semaphore_mem>>
      %dma_start3A_1317 = arith.constant 0 : i32
      %dma_start3A_1318 = tpu.memref_slice %arg4[%add3A_1306, %dma_start3A_1317] : memref<819200x64xf32, #tpu.memory_space<hbm>> -> memref<320x64xf32, #tpu.memory_space<hbm>>
      %dma_start3A_1319 = arith.constant 0 : i32
      %dma_start3A_1320 = arith.constant 0 : i32
      %dma_start3A_1321 = tpu.memref_slice %arg6[%dma_start3A_1307, %dma_start3A_1319, %dma_start3A_1320] : memref<3x320x64xf32, #tpu.memory_space<vmem>> -> memref<1x320x64xf32, #tpu.memory_space<vmem>>
      %dma_start3A_1322 = tpu.memref_squeeze %dma_start3A_1321 : memref<1x320x64xf32, #tpu.memory_space<vmem>> -> memref<320x64xf32, #tpu.memory_space<vmem>>
      tpu.enqueue_dma source(%dma_start3A_1322 : memref<320x64xf32, #tpu.memory_space<vmem>>) target(%dma_start3A_1318 : memref<320x64xf32, #tpu.memory_space<hbm>>) target_semaphore(%dma_start3A_1316 : memref<!tpu.dma_semaphore, #tpu.memory_space<semaphore_mem>>)
      %ge3A_1323 = arith.constant 3 : i32
      %ge3A_1324 = arith.cmpi sge, %add3A_1285, %ge3A_1323 : i32
      %convert_element_type3A_1325 = arith.extui %ge3A_1324 : i1 to i32
      %cond3A_1326 = arith.constant 0 : i32
      %cond3A_1327 = arith.cmpi ne, %convert_element_type3A_1325, %cond3A_1326 : i32
      scf.if %cond3A_1327 {
        %sub3A = arith.constant 3 : i32
        %sub3A_2216 = arith.subi %add3A_1285, %sub3A : i32
        %mul3A_2217 = arith.constant 320 : i32
        %mul3A_2218 = arith.muli %sub3A_2216, %mul3A_2217 : i32
        %add3A_2219 = arith.addi %mul3A_2, %mul3A_2218 : i32
        %dma_wait3A_2220 = arith.constant 0 : i32
        %dma_wait3A_2221 = arith.constant 0 : i32
        %dma_wait3A_2222 = arith.constant 0 : i32
        %dma_wait3A_2223 = arith.constant 0 : i32
        %dma_wait3A_2224 = tpu.memref_slice %arg6[%dma_wait3A_2220, %dma_wait3A_2222, %dma_wait3A_2223] : memref<3x320x64xf32, #tpu.memory_space<vmem>> -> memref<1x320x64xf32, #tpu.memory_space<vmem>>
        %dma_wait3A_2225 = tpu.memref_squeeze %dma_wait3A_2224 : memref<1x320x64xf32, #tpu.memory_space<vmem>> -> memref<320x64xf32, #tpu.memory_space<vmem>>
        %dma_wait3A_2226 = arith.constant 0 : i32
        %dma_wait3A_2227 = tpu.memref_slice %arg4[%add3A_2219, %dma_wait3A_2226] : memref<819200x64xf32, #tpu.memory_space<hbm>> -> memref<320x64xf32, #tpu.memory_space<hbm>>
        %dma_wait3A_2228 = tpu.memref_slice %arg8[%dma_wait3A_2221] : memref<3x!tpu.dma_semaphore, #tpu.memory_space<semaphore_mem>> -> memref<1x!tpu.dma_semaphore, #tpu.memory_space<semaphore_mem>>
        %dma_wait3A_2229 = tpu.memref_squeeze %dma_wait3A_2228 : memref<1x!tpu.dma_semaphore, #tpu.memory_space<semaphore_mem>> -> memref<!tpu.dma_semaphore, #tpu.memory_space<semaphore_mem>>
        %dma_wait3A_2230 = arith.constant 0 : i32
        %dma_wait3A_2231 = tpu.memref_slice %arg4[%add3A_2219, %dma_wait3A_2230] : memref<819200x64xf32, #tpu.memory_space<hbm>> -> memref<320x64xf32, #tpu.memory_space<hbm>>
        %dma_wait3A_2232 = arith.constant 0 : i32
        %dma_wait3A_2233 = arith.constant 0 : i32
        %dma_wait3A_2234 = tpu.memref_slice %arg6[%dma_wait3A_2220, %dma_wait3A_2232, %dma_wait3A_2233] : memref<3x320x64xf32, #tpu.memory_space<vmem>> -> memref<1x320x64xf32, #tpu.memory_space<vmem>>
        %dma_wait3A_2235 = tpu.memref_squeeze %dma_wait3A_2234 : memref<1x320x64xf32, #tpu.memory_space<vmem>> -> memref<320x64xf32, #tpu.memory_space<vmem>>
        tpu.wait_dma2 semaphore(%dma_wait3A_2229 : memref<!tpu.dma_semaphore, #tpu.memory_space<semaphore_mem>>) src(%dma_wait3A_2235 : memref<320x64xf32, #tpu.memory_space<vmem>>) dst(%dma_wait3A_2231 : memref<320x64xf32, #tpu.memory_space<hbm>>)
      } else {
      }
      %mul3A_1328 = arith.constant 320 : i32
      %mul3A_1329 = arith.muli %add3A_1285, %mul3A_1328 : i32
      %add3A_1330 = arith.constant 0 : i32
      %add3A_1331 = arith.addi %mul3A_1329, %add3A_1330 : i32
      %get3A_1332 = arith.index_cast %add3A_1331 : i32 to index
      %get3A_1333 = tpu.vector_load %arg5[%get3A_1332] {strides = array<i32>} : memref<25600xi32, #tpu.memory_space<vmem>>, vector<16xi32>,
      %get3A_1334 = vector.shape_cast %get3A_1333 : vector<16xi32> to vector<16xi32>
      %dma_start3A_1335 = arith.constant 0 : i32
      %dma_start3A_1336 = arith.constant 0 : i32
      %dma_start3A_1337 = arith.constant 0 : i32
      %dma_start3A_1338 = arith.constant 0 : i32
      %dma_start3A_1339 = tpu.memref_slice %arg6[%dma_start3A_1335, %dma_start3A_1337, %dma_start3A_1338] : memref<3x320x64xf32, #tpu.memory_space<vmem>> -> memref<1x320x64xf32, #tpu.memory_space<vmem>>
      %dma_start3A_1340 = tpu.memref_squeeze %dma_start3A_1339 : memref<1x320x64xf32, #tpu.memory_space<vmem>> -> memref<320x64xf32, #tpu.memory_space<vmem>>
      %dma_start3A_1341 = arith.constant 0 : i32
      %dma_start3A_1342 = arith.constant 0 : i32
      %dma_start3A_1343 = tpu.memref_slice %dma_start3A_1340[%dma_start3A_1341, %dma_start3A_1342] : memref<320x64xf32, #tpu.memory_space<vmem>> -> memref<16x64xf32, #tpu.memory_space<vmem>>
      %dma_start3A_1344 = arith.constant 0 : i32
      %dma_start3A_1345 = arith.constant 0 : i32
      %dma_start3A_1346 = tpu.memref_slice %arg3[%dma_start3A_1344, %dma_start3A_1345] : memref<1000000x64xf32, #tpu.memory_space<hbm>> -> memref<1000000x64xf32, #tpu.memory_space<hbm>>
      %dma_start3A_1347 = tpu.memref_slice %arg7[%dma_start3A_1336] : memref<3x!tpu.dma_semaphore, #tpu.memory_space<semaphore_mem>> -> memref<1x!tpu.dma_semaphore, #tpu.memory_space<semaphore_mem>>
      %dma_start3A_1348 = tpu.memref_squeeze %dma_start3A_1347 : memref<1x!tpu.dma_semaphore, #tpu.memory_space<semaphore_mem>> -> memref<!tpu.dma_semaphore, #tpu.memory_space<semaphore_mem>>
      tpu.enqueue_indirect_dma source(%dma_start3A_1346 : memref<1000000x64xf32, #tpu.memory_space<hbm>>) target(%dma_start3A_1343 : memref<16x64xf32, #tpu.memory_space<vmem>>) offsets(%get3A_1334 : vector<16xi32>) semaphore(%dma_start3A_1348 : memref<!tpu.dma_semaphore, #tpu.memory_space<semaphore_mem>>)
      %mul3A_1349 = arith.constant 320 : i32
      %mul3A_1350 = arith.muli %add3A_1285, %mul3A_1349 : i32
      %add3A_1351 = arith.constant 16 : i32
      %add3A_1352 = arith.addi %mul3A_1350, %add3A_1351 : i32
      %get3A_1353 = arith.index_cast %add3A_1352 : i32 to index
      %get3A_1354 = tpu.vector_load %arg5[%get3A_1353] {strides = array<i32>} : memref<25600xi32, #tpu.memory_space<vmem>>, vector<16xi32>,
      %get3A_1355 = vector.shape_cast %get3A_1354 : vector<16xi32> to vector<16xi32>
      %dma_start3A_1356 = arith.constant 0 : i32
      %dma_start3A_1357 = arith.constant 0 : i32
      %dma_start3A_1358 = arith.constant 0 : i32
      %dma_start3A_1359 = arith.constant 0 : i32
      %dma_start3A_1360 = tpu.memref_slice %arg6[%dma_start3A_1356, %dma_start3A_1358, %dma_start3A_1359] : memref<3x320x64xf32, #tpu.memory_space<vmem>> -> memref<1x320x64xf32, #tpu.memory_space<vmem>>
      %dma_start3A_1361 = tpu.memref_squeeze %dma_start3A_1360 : memref<1x320x64xf32, #tpu.memory_space<vmem>> -> memref<320x64xf32, #tpu.memory_space<vmem>>
      %dma_start3A_1362 = arith.constant 16 : i32
      %dma_start3A_1363 = arith.constant 0 : i32
      %dma_start3A_1364 = tpu.memref_slice %dma_start3A_1361[%dma_start3A_1362, %dma_start3A_1363] : memref<320x64xf32, #tpu.memory_space<vmem>> -> memref<16x64xf32, #tpu.memory_space<vmem>>
      %dma_start3A_1365 = arith.constant 0 : i32
      %dma_start3A_1366 = arith.constant 0 : i32
      %dma_start3A_1367 = tpu.memref_slice %arg3[%dma_start3A_1365, %dma_start3A_1366] : memref<1000000x64xf32, #tpu.memory_space<hbm>> -> memref<1000000x64xf32, #tpu.memory_space<hbm>>
      %dma_start3A_1368 = tpu.memref_slice %arg7[%dma_start3A_1357] : memref<3x!tpu.dma_semaphore, #tpu.memory_space<semaphore_mem>> -> memref<1x!tpu.dma_semaphore, #tpu.memory_space<semaphore_mem>>
      %dma_start3A_1369 = tpu.memref_squeeze %dma_start3A_1368 : memref<1x!tpu.dma_semaphore, #tpu.memory_space<semaphore_mem>> -> memref<!tpu.dma_semaphore, #tpu.memory_space<semaphore_mem>>
      tpu.enqueue_indirect_dma source(%dma_start3A_1367 : memref<1000000x64xf32, #tpu.memory_space<hbm>>) target(%dma_start3A_1364 : memref<16x64xf32, #tpu.memory_space<vmem>>) offsets(%get3A_1355 : vector<16xi32>) semaphore(%dma_start3A_1369 : memref<!tpu.dma_semaphore, #tpu.memory_space<semaphore_mem>>)
      %mul3A_1370 = arith.constant 320 : i32
      %mul3A_1371 = arith.muli %add3A_1285, %mul3A_1370 : i32
      %add3A_1372 = arith.constant 32 : i32
      %add3A_1373 = arith.addi %mul3A_1371, %add3A_1372 : i32
      %get3A_1374 = arith.index_cast %add3A_1373 : i32 to index
      %get3A_1375 = tpu.vector_load %arg5[%get3A_1374] {strides = array<i32>} : memref<25600xi32, #tpu.memory_space<vmem>>, vector<16xi32>,
      %get3A_1376 = vector.shape_cast %get3A_1375 : vector<16xi32> to vector<16xi32>
      %dma_start3A_1377 = arith.constant 0 : i32
      %dma_start3A_1378 = arith.constant 0 : i32
      %dma_start3A_1379 = arith.constant 0 : i32
      %dma_start3A_1380 = arith.constant 0 : i32
      %dma_start3A_1381 = tpu.memref_slice %arg6[%dma_start3A_1377, %dma_start3A_1379, %dma_start3A_1380] : memref<3x320x64xf32, #tpu.memory_space<vmem>> -> memref<1x320x64xf32, #tpu.memory_space<vmem>>
      %dma_start3A_1382 = tpu.memref_squeeze %dma_start3A_1381 : memref<1x320x64xf32, #tpu.memory_space<vmem>> -> memref<320x64xf32, #tpu.memory_space<vmem>>
      %dma_start3A_1383 = arith.constant 32 : i32
      %dma_start3A_1384 = arith.constant 0 : i32
      %dma_start3A_1385 = tpu.memref_slice %dma_start3A_1382[%dma_start3A_1383, %dma_start3A_1384] : memref<320x64xf32, #tpu.memory_space<vmem>> -> memref<16x64xf32, #tpu.memory_space<vmem>>
      %dma_start3A_1386 = arith.constant 0 : i32
      %dma_start3A_1387 = arith.constant 0 : i32
      %dma_start3A_1388 = tpu.memref_slice %arg3[%dma_start3A_1386, %dma_start3A_1387] : memref<1000000x64xf32, #tpu.memory_space<hbm>> -> memref<1000000x64xf32, #tpu.memory_space<hbm>>
      %dma_start3A_1389 = tpu.memref_slice %arg7[%dma_start3A_1378] : memref<3x!tpu.dma_semaphore, #tpu.memory_space<semaphore_mem>> -> memref<1x!tpu.dma_semaphore, #tpu.memory_space<semaphore_mem>>
      %dma_start3A_1390 = tpu.memref_squeeze %dma_start3A_1389 : memref<1x!tpu.dma_semaphore, #tpu.memory_space<semaphore_mem>> -> memref<!tpu.dma_semaphore, #tpu.memory_space<semaphore_mem>>
      tpu.enqueue_indirect_dma source(%dma_start3A_1388 : memref<1000000x64xf32, #tpu.memory_space<hbm>>) target(%dma_start3A_1385 : memref<16x64xf32, #tpu.memory_space<vmem>>) offsets(%get3A_1376 : vector<16xi32>) semaphore(%dma_start3A_1390 : memref<!tpu.dma_semaphore, #tpu.memory_space<semaphore_mem>>)
      %mul3A_1391 = arith.constant 320 : i32
      %mul3A_1392 = arith.muli %add3A_1285, %mul3A_1391 : i32
      %add3A_1393 = arith.constant 48 : i32
      %add3A_1394 = arith.addi %mul3A_1392, %add3A_1393 : i32
      %get3A_1395 = arith.index_cast %add3A_1394 : i32 to index
      %get3A_1396 = tpu.vector_load %arg5[%get3A_1395] {strides = array<i32>} : memref<25600xi32, #tpu.memory_space<vmem>>, vector<16xi32>,
      %get3A_1397 = vector.shape_cast %get3A_1396 : vector<16xi32> to vector<16xi32>
      %dma_start3A_1398 = arith.constant 0 : i32
      %dma_start3A_1399 = arith.constant 0 : i32
      %dma_start3A_1400 = arith.constant 0 : i32
      %dma_start3A_1401 = arith.constant 0 : i32
      %dma_start3A_1402 = tpu.memref_slice %arg6[%dma_start3A_1398, %dma_start3A_1400, %dma_start3A_1401] : memref<3x320x64xf32, #tpu.memory_space<vmem>> -> memref<1x320x64xf32, #tpu.memory_space<vmem>>
      %dma_start3A_1403 = tpu.memref_squeeze %dma_start3A_1402 : memref<1x320x64xf32, #tpu.memory_space<vmem>> -> memref<320x64xf32, #tpu.memory_space<vmem>>
      %dma_start3A_1404 = arith.constant 48 : i32
      %dma_start3A_1405 = arith.constant 0 : i32
      %dma_start3A_1406 = tpu.memref_slice %dma_start3A_1403[%dma_start3A_1404, %dma_start3A_1405] : memref<320x64xf32, #tpu.memory_space<vmem>> -> memref<16x64xf32, #tpu.memory_space<vmem>>
      %dma_start3A_1407 = arith.constant 0 : i32
      %dma_start3A_1408 = arith.constant 0 : i32
      %dma_start3A_1409 = tpu.memref_slice %arg3[%dma_start3A_1407, %dma_start3A_1408] : memref<1000000x64xf32, #tpu.memory_space<hbm>> -> memref<1000000x64xf32, #tpu.memory_space<hbm>>
      %dma_start3A_1410 = tpu.memref_slice %arg7[%dma_start3A_1399] : memref<3x!tpu.dma_semaphore, #tpu.memory_space<semaphore_mem>> -> memref<1x!tpu.dma_semaphore, #tpu.memory_space<semaphore_mem>>
      %dma_start3A_1411 = tpu.memref_squeeze %dma_start3A_1410 : memref<1x!tpu.dma_semaphore, #tpu.memory_space<semaphore_mem>> -> memref<!tpu.dma_semaphore, #tpu.memory_space<semaphore_mem>>
      tpu.enqueue_indirect_dma source(%dma_start3A_1409 : memref<1000000x64xf32, #tpu.memory_space<hbm>>) target(%dma_start3A_1406 : memref<16x64xf32, #tpu.memory_space<vmem>>) offsets(%get3A_1397 : vector<16xi32>) semaphore(%dma_start3A_1411 : memref<!tpu.dma_semaphore, #tpu.memory_space<semaphore_mem>>)
      %mul3A_1412 = arith.constant 320 : i32
      %mul3A_1413 = arith.muli %add3A_1285, %mul3A_1412 : i32
      %add3A_1414 = arith.constant 64 : i32
      %add3A_1415 = arith.addi %mul3A_1413, %add3A_1414 : i32
      %get3A_1416 = arith.index_cast %add3A_1415 : i32 to index
      %get3A_1417 = tpu.vector_load %arg5[%get3A_1416] {strides = array<i32>} : memref<25600xi32, #tpu.memory_space<vmem>>, vector<16xi32>,
      %get3A_1418 = vector.shape_cast %get3A_1417 : vector<16xi32> to vector<16xi32>
      %dma_start3A_1419 = arith.constant 0 : i32
      %dma_start3A_1420 = arith.constant 0 : i32
      %dma_start3A_1421 = arith.constant 0 : i32
      %dma_start3A_1422 = arith.constant 0 : i32
      %dma_start3A_1423 = tpu.memref_slice %arg6[%dma_start3A_1419, %dma_start3A_1421, %dma_start3A_1422] : memref<3x320x64xf32, #tpu.memory_space<vmem>> -> memref<1x320x64xf32, #tpu.memory_space<vmem>>
      %dma_start3A_1424 = tpu.memref_squeeze %dma_start3A_1423 : memref<1x320x64xf32, #tpu.memory_space<vmem>> -> memref<320x64xf32, #tpu.memory_space<vmem>>
      %dma_start3A_1425 = arith.constant 64 : i32
      %dma_start3A_1426 = arith.constant 0 : i32
      %dma_start3A_1427 = tpu.memref_slice %dma_start3A_1424[%dma_start3A_1425, %dma_start3A_1426] : memref<320x64xf32, #tpu.memory_space<vmem>> -> memref<16x64xf32, #tpu.memory_space<vmem>>
      %dma_start3A_1428 = arith.constant 0 : i32
      %dma_start3A_1429 = arith.constant 0 : i32
      %dma_start3A_1430 = tpu.memref_slice %arg3[%dma_start3A_1428, %dma_start3A_1429] : memref<1000000x64xf32, #tpu.memory_space<hbm>> -> memref<1000000x64xf32, #tpu.memory_space<hbm>>
      %dma_start3A_1431 = tpu.memref_slice %arg7[%dma_start3A_1420] : memref<3x!tpu.dma_semaphore, #tpu.memory_space<semaphore_mem>> -> memref<1x!tpu.dma_semaphore, #tpu.memory_space<semaphore_mem>>
      %dma_start3A_1432 = tpu.memref_squeeze %dma_start3A_1431 : memref<1x!tpu.dma_semaphore, #tpu.memory_space<semaphore_mem>> -> memref<!tpu.dma_semaphore, #tpu.memory_space<semaphore_mem>>
      tpu.enqueue_indirect_dma source(%dma_start3A_1430 : memref<1000000x64xf32, #tpu.memory_space<hbm>>) target(%dma_start3A_1427 : memref<16x64xf32, #tpu.memory_space<vmem>>) offsets(%get3A_1418 : vector<16xi32>) semaphore(%dma_start3A_1432 : memref<!tpu.dma_semaphore, #tpu.memory_space<semaphore_mem>>)
      %mul3A_1433 = arith.constant 320 : i32
      %mul3A_1434 = arith.muli %add3A_1285, %mul3A_1433 : i32
      %add3A_1435 = arith.constant 80 : i32
      %add3A_1436 = arith.addi %mul3A_1434, %add3A_1435 : i32
      %get3A_1437 = arith.index_cast %add3A_1436 : i32 to index
      %get3A_1438 = tpu.vector_load %arg5[%get3A_1437] {strides = array<i32>} : memref<25600xi32, #tpu.memory_space<vmem>>, vector<16xi32>,
      %get3A_1439 = vector.shape_cast %get3A_1438 : vector<16xi32> to vector<16xi32>
      %dma_start3A_1440 = arith.constant 0 : i32
      %dma_start3A_1441 = arith.constant 0 : i32
      %dma_start3A_1442 = arith.constant 0 : i32
      %dma_start3A_1443 = arith.constant 0 : i32
      %dma_start3A_1444 = tpu.memref_slice %arg6[%dma_start3A_1440, %dma_start3A_1442, %dma_start3A_1443] : memref<3x320x64xf32, #tpu.memory_space<vmem>> -> memref<1x320x64xf32, #tpu.memory_space<vmem>>
      %dma_start3A_1445 = tpu.memref_squeeze %dma_start3A_1444 : memref<1x320x64xf32, #tpu.memory_space<vmem>> -> memref<320x64xf32, #tpu.memory_space<vmem>>
      %dma_start3A_1446 = arith.constant 80 : i32
      %dma_start3A_1447 = arith.constant 0 : i32
      %dma_start3A_1448 = tpu.memref_slice %dma_start3A_1445[%dma_start3A_1446, %dma_start3A_1447] : memref<320x64xf32, #tpu.memory_space<vmem>> -> memref<16x64xf32, #tpu.memory_space<vmem>>
      %dma_start3A_1449 = arith.constant 0 : i32
      %dma_start3A_1450 = arith.constant 0 : i32
      %dma_start3A_1451 = tpu.memref_slice %arg3[%dma_start3A_1449, %dma_start3A_1450] : memref<1000000x64xf32, #tpu.memory_space<hbm>> -> memref<1000000x64xf32, #tpu.memory_space<hbm>>
      %dma_start3A_1452 = tpu.memref_slice %arg7[%dma_start3A_1441] : memref<3x!tpu.dma_semaphore, #tpu.memory_space<semaphore_mem>> -> memref<1x!tpu.dma_semaphore, #tpu.memory_space<semaphore_mem>>
      %dma_start3A_1453 = tpu.memref_squeeze %dma_start3A_1452 : memref<1x!tpu.dma_semaphore, #tpu.memory_space<semaphore_mem>> -> memref<!tpu.dma_semaphore, #tpu.memory_space<semaphore_mem>>
      tpu.enqueue_indirect_dma source(%dma_start3A_1451 : memref<1000000x64xf32, #tpu.memory_space<hbm>>) target(%dma_start3A_1448 : memref<16x64xf32, #tpu.memory_space<vmem>>) offsets(%get3A_1439 : vector<16xi32>) semaphore(%dma_start3A_1453 : memref<!tpu.dma_semaphore, #tpu.memory_space<semaphore_mem>>)
      %mul3A_1454 = arith.constant 320 : i32
      %mul3A_1455 = arith.muli %add3A_1285, %mul3A_1454 : i32
      %add3A_1456 = arith.constant 96 : i32
      %add3A_1457 = arith.addi %mul3A_1455, %add3A_1456 : i32
      %get3A_1458 = arith.index_cast %add3A_1457 : i32 to index
      %get3A_1459 = tpu.vector_load %arg5[%get3A_1458] {strides = array<i32>} : memref<25600xi32, #tpu.memory_space<vmem>>, vector<16xi32>,
      %get3A_1460 = vector.shape_cast %get3A_1459 : vector<16xi32> to vector<16xi32>
      %dma_start3A_1461 = arith.constant 0 : i32
      %dma_start3A_1462 = arith.constant 0 : i32
      %dma_start3A_1463 = arith.constant 0 : i32
      %dma_start3A_1464 = arith.constant 0 : i32
      %dma_start3A_1465 = tpu.memref_slice %arg6[%dma_start3A_1461, %dma_start3A_1463, %dma_start3A_1464] : memref<3x320x64xf32, #tpu.memory_space<vmem>> -> memref<1x320x64xf32, #tpu.memory_space<vmem>>
      %dma_start3A_1466 = tpu.memref_squeeze %dma_start3A_1465 : memref<1x320x64xf32, #tpu.memory_space<vmem>> -> memref<320x64xf32, #tpu.memory_space<vmem>>
      %dma_start3A_1467 = arith.constant 96 : i32
      %dma_start3A_1468 = arith.constant 0 : i32
      %dma_start3A_1469 = tpu.memref_slice %dma_start3A_1466[%dma_start3A_1467, %dma_start3A_1468] : memref<320x64xf32, #tpu.memory_space<vmem>> -> memref<16x64xf32, #tpu.memory_space<vmem>>
      %dma_start3A_1470 = arith.constant 0 : i32
      %dma_start3A_1471 = arith.constant 0 : i32
      %dma_start3A_1472 = tpu.memref_slice %arg3[%dma_start3A_1470, %dma_start3A_1471] : memref<1000000x64xf32, #tpu.memory_space<hbm>> -> memref<1000000x64xf32, #tpu.memory_space<hbm>>
      %dma_start3A_1473 = tpu.memref_slice %arg7[%dma_start3A_1462] : memref<3x!tpu.dma_semaphore, #tpu.memory_space<semaphore_mem>> -> memref<1x!tpu.dma_semaphore, #tpu.memory_space<semaphore_mem>>
      %dma_start3A_1474 = tpu.memref_squeeze %dma_start3A_1473 : memref<1x!tpu.dma_semaphore, #tpu.memory_space<semaphore_mem>> -> memref<!tpu.dma_semaphore, #tpu.memory_space<semaphore_mem>>
      tpu.enqueue_indirect_dma source(%dma_start3A_1472 : memref<1000000x64xf32, #tpu.memory_space<hbm>>) target(%dma_start3A_1469 : memref<16x64xf32, #tpu.memory_space<vmem>>) offsets(%get3A_1460 : vector<16xi32>) semaphore(%dma_start3A_1474 : memref<!tpu.dma_semaphore, #tpu.memory_space<semaphore_mem>>)
      %mul3A_1475 = arith.constant 320 : i32
      %mul3A_1476 = arith.muli %add3A_1285, %mul3A_1475 : i32
      %add3A_1477 = arith.constant 112 : i32
      %add3A_1478 = arith.addi %mul3A_1476, %add3A_1477 : i32
      %get3A_1479 = arith.index_cast %add3A_1478 : i32 to index
      %get3A_1480 = tpu.vector_load %arg5[%get3A_1479] {strides = array<i32>} : memref<25600xi32, #tpu.memory_space<vmem>>, vector<16xi32>,
      %get3A_1481 = vector.shape_cast %get3A_1480 : vector<16xi32> to vector<16xi32>
      %dma_start3A_1482 = arith.constant 0 : i32
      %dma_start3A_1483 = arith.constant 0 : i32
      %dma_start3A_1484 = arith.constant 0 : i32
      %dma_start3A_1485 = arith.constant 0 : i32
      %dma_start3A_1486 = tpu.memref_slice %arg6[%dma_start3A_1482, %dma_start3A_1484, %dma_start3A_1485] : memref<3x320x64xf32, #tpu.memory_space<vmem>> -> memref<1x320x64xf32, #tpu.memory_space<vmem>>
      %dma_start3A_1487 = tpu.memref_squeeze %dma_start3A_1486 : memref<1x320x64xf32, #tpu.memory_space<vmem>> -> memref<320x64xf32, #tpu.memory_space<vmem>>
      %dma_start3A_1488 = arith.constant 112 : i32
      %dma_start3A_1489 = arith.constant 0 : i32
      %dma_start3A_1490 = tpu.memref_slice %dma_start3A_1487[%dma_start3A_1488, %dma_start3A_1489] : memref<320x64xf32, #tpu.memory_space<vmem>> -> memref<16x64xf32, #tpu.memory_space<vmem>>
      %dma_start3A_1491 = arith.constant 0 : i32
      %dma_start3A_1492 = arith.constant 0 : i32
      %dma_start3A_1493 = tpu.memref_slice %arg3[%dma_start3A_1491, %dma_start3A_1492] : memref<1000000x64xf32, #tpu.memory_space<hbm>> -> memref<1000000x64xf32, #tpu.memory_space<hbm>>
      %dma_start3A_1494 = tpu.memref_slice %arg7[%dma_start3A_1483] : memref<3x!tpu.dma_semaphore, #tpu.memory_space<semaphore_mem>> -> memref<1x!tpu.dma_semaphore, #tpu.memory_space<semaphore_mem>>
      %dma_start3A_1495 = tpu.memref_squeeze %dma_start3A_1494 : memref<1x!tpu.dma_semaphore, #tpu.memory_space<semaphore_mem>> -> memref<!tpu.dma_semaphore, #tpu.memory_space<semaphore_mem>>
      tpu.enqueue_indirect_dma source(%dma_start3A_1493 : memref<1000000x64xf32, #tpu.memory_space<hbm>>) target(%dma_start3A_1490 : memref<16x64xf32, #tpu.memory_space<vmem>>) offsets(%get3A_1481 : vector<16xi32>) semaphore(%dma_start3A_1495 : memref<!tpu.dma_semaphore, #tpu.memory_space<semaphore_mem>>)
      %mul3A_1496 = arith.constant 320 : i32
      %mul3A_1497 = arith.muli %add3A_1285, %mul3A_1496 : i32
      %add3A_1498 = arith.constant 128 : i32
      %add3A_1499 = arith.addi %mul3A_1497, %add3A_1498 : i32
      %get3A_1500 = arith.index_cast %add3A_1499 : i32 to index
      %get3A_1501 = tpu.vector_load %arg5[%get3A_1500] {strides = array<i32>} : memref<25600xi32, #tpu.memory_space<vmem>>, vector<16xi32>,
      %get3A_1502 = vector.shape_cast %get3A_1501 : vector<16xi32> to vector<16xi32>
      %dma_start3A_1503 = arith.constant 0 : i32
      %dma_start3A_1504 = arith.constant 0 : i32
      %dma_start3A_1505 = arith.constant 0 : i32
      %dma_start3A_1506 = arith.constant 0 : i32
      %dma_start3A_1507 = tpu.memref_slice %arg6[%dma_start3A_1503, %dma_start3A_1505, %dma_start3A_1506] : memref<3x320x64xf32, #tpu.memory_space<vmem>> -> memref<1x320x64xf32, #tpu.memory_space<vmem>>
      %dma_start3A_1508 = tpu.memref_squeeze %dma_start3A_1507 : memref<1x320x64xf32, #tpu.memory_space<vmem>> -> memref<320x64xf32, #tpu.memory_space<vmem>>
      %dma_start3A_1509 = arith.constant 128 : i32
      %dma_start3A_1510 = arith.constant 0 : i32
      %dma_start3A_1511 = tpu.memref_slice %dma_start3A_1508[%dma_start3A_1509, %dma_start3A_1510] : memref<320x64xf32, #tpu.memory_space<vmem>> -> memref<16x64xf32, #tpu.memory_space<vmem>>
      %dma_start3A_1512 = arith.constant 0 : i32
      %dma_start3A_1513 = arith.constant 0 : i32
      %dma_start3A_1514 = tpu.memref_slice %arg3[%dma_start3A_1512, %dma_start3A_1513] : memref<1000000x64xf32, #tpu.memory_space<hbm>> -> memref<1000000x64xf32, #tpu.memory_space<hbm>>
      %dma_start3A_1515 = tpu.memref_slice %arg7[%dma_start3A_1504] : memref<3x!tpu.dma_semaphore, #tpu.memory_space<semaphore_mem>> -> memref<1x!tpu.dma_semaphore, #tpu.memory_space<semaphore_mem>>
      %dma_start3A_1516 = tpu.memref_squeeze %dma_start3A_1515 : memref<1x!tpu.dma_semaphore, #tpu.memory_space<semaphore_mem>> -> memref<!tpu.dma_semaphore, #tpu.memory_space<semaphore_mem>>
      tpu.enqueue_indirect_dma source(%dma_start3A_1514 : memref<1000000x64xf32, #tpu.memory_space<hbm>>) target(%dma_start3A_1511 : memref<16x64xf32, #tpu.memory_space<vmem>>) offsets(%get3A_1502 : vector<16xi32>) semaphore(%dma_start3A_1516 : memref<!tpu.dma_semaphore, #tpu.memory_space<semaphore_mem>>)
      %mul3A_1517 = arith.constant 320 : i32
      %mul3A_1518 = arith.muli %add3A_1285, %mul3A_1517 : i32
      %add3A_1519 = arith.constant 144 : i32
      %add3A_1520 = arith.addi %mul3A_1518, %add3A_1519 : i32
      %get3A_1521 = arith.index_cast %add3A_1520 : i32 to index
      %get3A_1522 = tpu.vector_load %arg5[%get3A_1521] {strides = array<i32>} : memref<25600xi32, #tpu.memory_space<vmem>>, vector<16xi32>,
      %get3A_1523 = vector.shape_cast %get3A_1522 : vector<16xi32> to vector<16xi32>
      %dma_start3A_1524 = arith.constant 0 : i32
      %dma_start3A_1525 = arith.constant 0 : i32
      %dma_start3A_1526 = arith.constant 0 : i32
      %dma_start3A_1527 = arith.constant 0 : i32
      %dma_start3A_1528 = tpu.memref_slice %arg6[%dma_start3A_1524, %dma_start3A_1526, %dma_start3A_1527] : memref<3x320x64xf32, #tpu.memory_space<vmem>> -> memref<1x320x64xf32, #tpu.memory_space<vmem>>
      %dma_start3A_1529 = tpu.memref_squeeze %dma_start3A_1528 : memref<1x320x64xf32, #tpu.memory_space<vmem>> -> memref<320x64xf32, #tpu.memory_space<vmem>>
      %dma_start3A_1530 = arith.constant 144 : i32
      %dma_start3A_1531 = arith.constant 0 : i32
      %dma_start3A_1532 = tpu.memref_slice %dma_start3A_1529[%dma_start3A_1530, %dma_start3A_1531] : memref<320x64xf32, #tpu.memory_space<vmem>> -> memref<16x64xf32, #tpu.memory_space<vmem>>
      %dma_start3A_1533 = arith.constant 0 : i32
      %dma_start3A_1534 = arith.constant 0 : i32
      %dma_start3A_1535 = tpu.memref_slice %arg3[%dma_start3A_1533, %dma_start3A_1534] : memref<1000000x64xf32, #tpu.memory_space<hbm>> -> memref<1000000x64xf32, #tpu.memory_space<hbm>>
      %dma_start3A_1536 = tpu.memref_slice %arg7[%dma_start3A_1525] : memref<3x!tpu.dma_semaphore, #tpu.memory_space<semaphore_mem>> -> memref<1x!tpu.dma_semaphore, #tpu.memory_space<semaphore_mem>>
      %dma_start3A_1537 = tpu.memref_squeeze %dma_start3A_1536 : memref<1x!tpu.dma_semaphore, #tpu.memory_space<semaphore_mem>> -> memref<!tpu.dma_semaphore, #tpu.memory_space<semaphore_mem>>
      tpu.enqueue_indirect_dma source(%dma_start3A_1535 : memref<1000000x64xf32, #tpu.memory_space<hbm>>) target(%dma_start3A_1532 : memref<16x64xf32, #tpu.memory_space<vmem>>) offsets(%get3A_1523 : vector<16xi32>) semaphore(%dma_start3A_1537 : memref<!tpu.dma_semaphore, #tpu.memory_space<semaphore_mem>>)
      %mul3A_1538 = arith.constant 320 : i32
      %mul3A_1539 = arith.muli %add3A_1285, %mul3A_1538 : i32
      %add3A_1540 = arith.constant 160 : i32
      %add3A_1541 = arith.addi %mul3A_1539, %add3A_1540 : i32
      %get3A_1542 = arith.index_cast %add3A_1541 : i32 to index
      %get3A_1543 = tpu.vector_load %arg5[%get3A_1542] {strides = array<i32>} : memref<25600xi32, #tpu.memory_space<vmem>>, vector<16xi32>,
      %get3A_1544 = vector.shape_cast %get3A_1543 : vector<16xi32> to vector<16xi32>
      %dma_start3A_1545 = arith.constant 0 : i32
      %dma_start3A_1546 = arith.constant 0 : i32
      %dma_start3A_1547 = arith.constant 0 : i32
      %dma_start3A_1548 = arith.constant 0 : i32
      %dma_start3A_1549 = tpu.memref_slice %arg6[%dma_start3A_1545, %dma_start3A_1547, %dma_start3A_1548] : memref<3x320x64xf32, #tpu.memory_space<vmem>> -> memref<1x320x64xf32, #tpu.memory_space<vmem>>
      %dma_start3A_1550 = tpu.memref_squeeze %dma_start3A_1549 : memref<1x320x64xf32, #tpu.memory_space<vmem>> -> memref<320x64xf32, #tpu.memory_space<vmem>>
      %dma_start3A_1551 = arith.constant 160 : i32
      %dma_start3A_1552 = arith.constant 0 : i32
      %dma_start3A_1553 = tpu.memref_slice %dma_start3A_1550[%dma_start3A_1551, %dma_start3A_1552] : memref<320x64xf32, #tpu.memory_space<vmem>> -> memref<16x64xf32, #tpu.memory_space<vmem>>
      %dma_start3A_1554 = arith.constant 0 : i32
      %dma_start3A_1555 = arith.constant 0 : i32
      %dma_start3A_1556 = tpu.memref_slice %arg3[%dma_start3A_1554, %dma_start3A_1555] : memref<1000000x64xf32, #tpu.memory_space<hbm>> -> memref<1000000x64xf32, #tpu.memory_space<hbm>>
      %dma_start3A_1557 = tpu.memref_slice %arg7[%dma_start3A_1546] : memref<3x!tpu.dma_semaphore, #tpu.memory_space<semaphore_mem>> -> memref<1x!tpu.dma_semaphore, #tpu.memory_space<semaphore_mem>>
      %dma_start3A_1558 = tpu.memref_squeeze %dma_start3A_1557 : memref<1x!tpu.dma_semaphore, #tpu.memory_space<semaphore_mem>> -> memref<!tpu.dma_semaphore, #tpu.memory_space<semaphore_mem>>
      tpu.enqueue_indirect_dma source(%dma_start3A_1556 : memref<1000000x64xf32, #tpu.memory_space<hbm>>) target(%dma_start3A_1553 : memref<16x64xf32, #tpu.memory_space<vmem>>) offsets(%get3A_1544 : vector<16xi32>) semaphore(%dma_start3A_1558 : memref<!tpu.dma_semaphore, #tpu.memory_space<semaphore_mem>>)
      %mul3A_1559 = arith.constant 320 : i32
      %mul3A_1560 = arith.muli %add3A_1285, %mul3A_1559 : i32
      %add3A_1561 = arith.constant 176 : i32
      %add3A_1562 = arith.addi %mul3A_1560, %add3A_1561 : i32
      %get3A_1563 = arith.index_cast %add3A_1562 : i32 to index
      %get3A_1564 = tpu.vector_load %arg5[%get3A_1563] {strides = array<i32>} : memref<25600xi32, #tpu.memory_space<vmem>>, vector<16xi32>,
      %get3A_1565 = vector.shape_cast %get3A_1564 : vector<16xi32> to vector<16xi32>
      %dma_start3A_1566 = arith.constant 0 : i32
      %dma_start3A_1567 = arith.constant 0 : i32
      %dma_start3A_1568 = arith.constant 0 : i32
      %dma_start3A_1569 = arith.constant 0 : i32
      %dma_start3A_1570 = tpu.memref_slice %arg6[%dma_start3A_1566, %dma_start3A_1568, %dma_start3A_1569] : memref<3x320x64xf32, #tpu.memory_space<vmem>> -> memref<1x320x64xf32, #tpu.memory_space<vmem>>
      %dma_start3A_1571 = tpu.memref_squeeze %dma_start3A_1570 : memref<1x320x64xf32, #tpu.memory_space<vmem>> -> memref<320x64xf32, #tpu.memory_space<vmem>>
      %dma_start3A_1572 = arith.constant 176 : i32
      %dma_start3A_1573 = arith.constant 0 : i32
      %dma_start3A_1574 = tpu.memref_slice %dma_start3A_1571[%dma_start3A_1572, %dma_start3A_1573] : memref<320x64xf32, #tpu.memory_space<vmem>> -> memref<16x64xf32, #tpu.memory_space<vmem>>
      %dma_start3A_1575 = arith.constant 0 : i32
      %dma_start3A_1576 = arith.constant 0 : i32
      %dma_start3A_1577 = tpu.memref_slice %arg3[%dma_start3A_1575, %dma_start3A_1576] : memref<1000000x64xf32, #tpu.memory_space<hbm>> -> memref<1000000x64xf32, #tpu.memory_space<hbm>>
      %dma_start3A_1578 = tpu.memref_slice %arg7[%dma_start3A_1567] : memref<3x!tpu.dma_semaphore, #tpu.memory_space<semaphore_mem>> -> memref<1x!tpu.dma_semaphore, #tpu.memory_space<semaphore_mem>>
      %dma_start3A_1579 = tpu.memref_squeeze %dma_start3A_1578 : memref<1x!tpu.dma_semaphore, #tpu.memory_space<semaphore_mem>> -> memref<!tpu.dma_semaphore, #tpu.memory_space<semaphore_mem>>
      tpu.enqueue_indirect_dma source(%dma_start3A_1577 : memref<1000000x64xf32, #tpu.memory_space<hbm>>) target(%dma_start3A_1574 : memref<16x64xf32, #tpu.memory_space<vmem>>) offsets(%get3A_1565 : vector<16xi32>) semaphore(%dma_start3A_1579 : memref<!tpu.dma_semaphore, #tpu.memory_space<semaphore_mem>>)
      %mul3A_1580 = arith.constant 320 : i32
      %mul3A_1581 = arith.muli %add3A_1285, %mul3A_1580 : i32
      %add3A_1582 = arith.constant 192 : i32
      %add3A_1583 = arith.addi %mul3A_1581, %add3A_1582 : i32
      %get3A_1584 = arith.index_cast %add3A_1583 : i32 to index
      %get3A_1585 = tpu.vector_load %arg5[%get3A_1584] {strides = array<i32>} : memref<25600xi32, #tpu.memory_space<vmem>>, vector<16xi32>,
      %get3A_1586 = vector.shape_cast %get3A_1585 : vector<16xi32> to vector<16xi32>
      %dma_start3A_1587 = arith.constant 0 : i32
      %dma_start3A_1588 = arith.constant 0 : i32
      %dma_start3A_1589 = arith.constant 0 : i32
      %dma_start3A_1590 = arith.constant 0 : i32
      %dma_start3A_1591 = tpu.memref_slice %arg6[%dma_start3A_1587, %dma_start3A_1589, %dma_start3A_1590] : memref<3x320x64xf32, #tpu.memory_space<vmem>> -> memref<1x320x64xf32, #tpu.memory_space<vmem>>
      %dma_start3A_1592 = tpu.memref_squeeze %dma_start3A_1591 : memref<1x320x64xf32, #tpu.memory_space<vmem>> -> memref<320x64xf32, #tpu.memory_space<vmem>>
      %dma_start3A_1593 = arith.constant 192 : i32
      %dma_start3A_1594 = arith.constant 0 : i32
      %dma_start3A_1595 = tpu.memref_slice %dma_start3A_1592[%dma_start3A_1593, %dma_start3A_1594] : memref<320x64xf32, #tpu.memory_space<vmem>> -> memref<16x64xf32, #tpu.memory_space<vmem>>
      %dma_start3A_1596 = arith.constant 0 : i32
      %dma_start3A_1597 = arith.constant 0 : i32
      %dma_start3A_1598 = tpu.memref_slice %arg3[%dma_start3A_1596, %dma_start3A_1597] : memref<1000000x64xf32, #tpu.memory_space<hbm>> -> memref<1000000x64xf32, #tpu.memory_space<hbm>>
      %dma_start3A_1599 = tpu.memref_slice %arg7[%dma_start3A_1588] : memref<3x!tpu.dma_semaphore, #tpu.memory_space<semaphore_mem>> -> memref<1x!tpu.dma_semaphore, #tpu.memory_space<semaphore_mem>>
      %dma_start3A_1600 = tpu.memref_squeeze %dma_start3A_1599 : memref<1x!tpu.dma_semaphore, #tpu.memory_space<semaphore_mem>> -> memref<!tpu.dma_semaphore, #tpu.memory_space<semaphore_mem>>
      tpu.enqueue_indirect_dma source(%dma_start3A_1598 : memref<1000000x64xf32, #tpu.memory_space<hbm>>) target(%dma_start3A_1595 : memref<16x64xf32, #tpu.memory_space<vmem>>) offsets(%get3A_1586 : vector<16xi32>) semaphore(%dma_start3A_1600 : memref<!tpu.dma_semaphore, #tpu.memory_space<semaphore_mem>>)
      %mul3A_1601 = arith.constant 320 : i32
      %mul3A_1602 = arith.muli %add3A_1285, %mul3A_1601 : i32
      %add3A_1603 = arith.constant 208 : i32
      %add3A_1604 = arith.addi %mul3A_1602, %add3A_1603 : i32
      %get3A_1605 = arith.index_cast %add3A_1604 : i32 to index
      %get3A_1606 = tpu.vector_load %arg5[%get3A_1605] {strides = array<i32>} : memref<25600xi32, #tpu.memory_space<vmem>>, vector<16xi32>,
      %get3A_1607 = vector.shape_cast %get3A_1606 : vector<16xi32> to vector<16xi32>
      %dma_start3A_1608 = arith.constant 0 : i32
      %dma_start3A_1609 = arith.constant 0 : i32
      %dma_start3A_1610 = arith.constant 0 : i32
      %dma_start3A_1611 = arith.constant 0 : i32
      %dma_start3A_1612 = tpu.memref_slice %arg6[%dma_start3A_1608, %dma_start3A_1610, %dma_start3A_1611] : memref<3x320x64xf32, #tpu.memory_space<vmem>> -> memref<1x320x64xf32, #tpu.memory_space<vmem>>
      %dma_start3A_1613 = tpu.memref_squeeze %dma_start3A_1612 : memref<1x320x64xf32, #tpu.memory_space<vmem>> -> memref<320x64xf32, #tpu.memory_space<vmem>>
      %dma_start3A_1614 = arith.constant 208 : i32
      %dma_start3A_1615 = arith.constant 0 : i32
      %dma_start3A_1616 = tpu.memref_slice %dma_start3A_1613[%dma_start3A_1614, %dma_start3A_1615] : memref<320x64xf32, #tpu.memory_space<vmem>> -> memref<16x64xf32, #tpu.memory_space<vmem>>
      %dma_start3A_1617 = arith.constant 0 : i32
      %dma_start3A_1618 = arith.constant 0 : i32
      %dma_start3A_1619 = tpu.memref_slice %arg3[%dma_start3A_1617, %dma_start3A_1618] : memref<1000000x64xf32, #tpu.memory_space<hbm>> -> memref<1000000x64xf32, #tpu.memory_space<hbm>>
      %dma_start3A_1620 = tpu.memref_slice %arg7[%dma_start3A_1609] : memref<3x!tpu.dma_semaphore, #tpu.memory_space<semaphore_mem>> -> memref<1x!tpu.dma_semaphore, #tpu.memory_space<semaphore_mem>>
      %dma_start3A_1621 = tpu.memref_squeeze %dma_start3A_1620 : memref<1x!tpu.dma_semaphore, #tpu.memory_space<semaphore_mem>> -> memref<!tpu.dma_semaphore, #tpu.memory_space<semaphore_mem>>
      tpu.enqueue_indirect_dma source(%dma_start3A_1619 : memref<1000000x64xf32, #tpu.memory_space<hbm>>) target(%dma_start3A_1616 : memref<16x64xf32, #tpu.memory_space<vmem>>) offsets(%get3A_1607 : vector<16xi32>) semaphore(%dma_start3A_1621 : memref<!tpu.dma_semaphore, #tpu.memory_space<semaphore_mem>>)
      %mul3A_1622 = arith.constant 320 : i32
      %mul3A_1623 = arith.muli %add3A_1285, %mul3A_1622 : i32
      %add3A_1624 = arith.constant 224 : i32
      %add3A_1625 = arith.addi %mul3A_1623, %add3A_1624 : i32
      %get3A_1626 = arith.index_cast %add3A_1625 : i32 to index
      %get3A_1627 = tpu.vector_load %arg5[%get3A_1626] {strides = array<i32>} : memref<25600xi32, #tpu.memory_space<vmem>>, vector<16xi32>,
      %get3A_1628 = vector.shape_cast %get3A_1627 : vector<16xi32> to vector<16xi32>
      %dma_start3A_1629 = arith.constant 0 : i32
      %dma_start3A_1630 = arith.constant 0 : i32
      %dma_start3A_1631 = arith.constant 0 : i32
      %dma_start3A_1632 = arith.constant 0 : i32
      %dma_start3A_1633 = tpu.memref_slice %arg6[%dma_start3A_1629, %dma_start3A_1631, %dma_start3A_1632] : memref<3x320x64xf32, #tpu.memory_space<vmem>> -> memref<1x320x64xf32, #tpu.memory_space<vmem>>
      %dma_start3A_1634 = tpu.memref_squeeze %dma_start3A_1633 : memref<1x320x64xf32, #tpu.memory_space<vmem>> -> memref<320x64xf32, #tpu.memory_space<vmem>>
      %dma_start3A_1635 = arith.constant 224 : i32
      %dma_start3A_1636 = arith.constant 0 : i32
      %dma_start3A_1637 = tpu.memref_slice %dma_start3A_1634[%dma_start3A_1635, %dma_start3A_1636] : memref<320x64xf32, #tpu.memory_space<vmem>> -> memref<16x64xf32, #tpu.memory_space<vmem>>
      %dma_start3A_1638 = arith.constant 0 : i32
      %dma_start3A_1639 = arith.constant 0 : i32
      %dma_start3A_1640 = tpu.memref_slice %arg3[%dma_start3A_1638, %dma_start3A_1639] : memref<1000000x64xf32, #tpu.memory_space<hbm>> -> memref<1000000x64xf32, #tpu.memory_space<hbm>>
      %dma_start3A_1641 = tpu.memref_slice %arg7[%dma_start3A_1630] : memref<3x!tpu.dma_semaphore, #tpu.memory_space<semaphore_mem>> -> memref<1x!tpu.dma_semaphore, #tpu.memory_space<semaphore_mem>>
      %dma_start3A_1642 = tpu.memref_squeeze %dma_start3A_1641 : memref<1x!tpu.dma_semaphore, #tpu.memory_space<semaphore_mem>> -> memref<!tpu.dma_semaphore, #tpu.memory_space<semaphore_mem>>
      tpu.enqueue_indirect_dma source(%dma_start3A_1640 : memref<1000000x64xf32, #tpu.memory_space<hbm>>) target(%dma_start3A_1637 : memref<16x64xf32, #tpu.memory_space<vmem>>) offsets(%get3A_1628 : vector<16xi32>) semaphore(%dma_start3A_1642 : memref<!tpu.dma_semaphore, #tpu.memory_space<semaphore_mem>>)
      %mul3A_1643 = arith.constant 320 : i32
      %mul3A_1644 = arith.muli %add3A_1285, %mul3A_1643 : i32
      %add3A_1645 = arith.constant 240 : i32
      %add3A_1646 = arith.addi %mul3A_1644, %add3A_1645 : i32
      %get3A_1647 = arith.index_cast %add3A_1646 : i32 to index
      %get3A_1648 = tpu.vector_load %arg5[%get3A_1647] {strides = array<i32>} : memref<25600xi32, #tpu.memory_space<vmem>>, vector<16xi32>,
      %get3A_1649 = vector.shape_cast %get3A_1648 : vector<16xi32> to vector<16xi32>
      %dma_start3A_1650 = arith.constant 0 : i32
      %dma_start3A_1651 = arith.constant 0 : i32
      %dma_start3A_1652 = arith.constant 0 : i32
      %dma_start3A_1653 = arith.constant 0 : i32
      %dma_start3A_1654 = tpu.memref_slice %arg6[%dma_start3A_1650, %dma_start3A_1652, %dma_start3A_1653] : memref<3x320x64xf32, #tpu.memory_space<vmem>> -> memref<1x320x64xf32, #tpu.memory_space<vmem>>
      %dma_start3A_1655 = tpu.memref_squeeze %dma_start3A_1654 : memref<1x320x64xf32, #tpu.memory_space<vmem>> -> memref<320x64xf32, #tpu.memory_space<vmem>>
      %dma_start3A_1656 = arith.constant 240 : i32
      %dma_start3A_1657 = arith.constant 0 : i32
      %dma_start3A_1658 = tpu.memref_slice %dma_start3A_1655[%dma_start3A_1656, %dma_start3A_1657] : memref<320x64xf32, #tpu.memory_space<vmem>> -> memref<16x64xf32, #tpu.memory_space<vmem>>
      %dma_start3A_1659 = arith.constant 0 : i32
      %dma_start3A_1660 = arith.constant 0 : i32
      %dma_start3A_1661 = tpu.memref_slice %arg3[%dma_start3A_1659, %dma_start3A_1660] : memref<1000000x64xf32, #tpu.memory_space<hbm>> -> memref<1000000x64xf32, #tpu.memory_space<hbm>>
      %dma_start3A_1662 = tpu.memref_slice %arg7[%dma_start3A_1651] : memref<3x!tpu.dma_semaphore, #tpu.memory_space<semaphore_mem>> -> memref<1x!tpu.dma_semaphore, #tpu.memory_space<semaphore_mem>>
      %dma_start3A_1663 = tpu.memref_squeeze %dma_start3A_1662 : memref<1x!tpu.dma_semaphore, #tpu.memory_space<semaphore_mem>> -> memref<!tpu.dma_semaphore, #tpu.memory_space<semaphore_mem>>
      tpu.enqueue_indirect_dma source(%dma_start3A_1661 : memref<1000000x64xf32, #tpu.memory_space<hbm>>) target(%dma_start3A_1658 : memref<16x64xf32, #tpu.memory_space<vmem>>) offsets(%get3A_1649 : vector<16xi32>) semaphore(%dma_start3A_1663 : memref<!tpu.dma_semaphore, #tpu.memory_space<semaphore_mem>>)
      %mul3A_1664 = arith.constant 320 : i32
      %mul3A_1665 = arith.muli %add3A_1285, %mul3A_1664 : i32
      %add3A_1666 = arith.constant 256 : i32
      %add3A_1667 = arith.addi %mul3A_1665, %add3A_1666 : i32
      %get3A_1668 = arith.index_cast %add3A_1667 : i32 to index
      %get3A_1669 = tpu.vector_load %arg5[%get3A_1668] {strides = array<i32>} : memref<25600xi32, #tpu.memory_space<vmem>>, vector<16xi32>,
      %get3A_1670 = vector.shape_cast %get3A_1669 : vector<16xi32> to vector<16xi32>
      %dma_start3A_1671 = arith.constant 0 : i32
      %dma_start3A_1672 = arith.constant 0 : i32
      %dma_start3A_1673 = arith.constant 0 : i32
      %dma_start3A_1674 = arith.constant 0 : i32
      %dma_start3A_1675 = tpu.memref_slice %arg6[%dma_start3A_1671, %dma_start3A_1673, %dma_start3A_1674] : memref<3x320x64xf32, #tpu.memory_space<vmem>> -> memref<1x320x64xf32, #tpu.memory_space<vmem>>
      %dma_start3A_1676 = tpu.memref_squeeze %dma_start3A_1675 : memref<1x320x64xf32, #tpu.memory_space<vmem>> -> memref<320x64xf32, #tpu.memory_space<vmem>>
      %dma_start3A_1677 = arith.constant 256 : i32
      %dma_start3A_1678 = arith.constant 0 : i32
      %dma_start3A_1679 = tpu.memref_slice %dma_start3A_1676[%dma_start3A_1677, %dma_start3A_1678] : memref<320x64xf32, #tpu.memory_space<vmem>> -> memref<16x64xf32, #tpu.memory_space<vmem>>
      %dma_start3A_1680 = arith.constant 0 : i32
      %dma_start3A_1681 = arith.constant 0 : i32
      %dma_start3A_1682 = tpu.memref_slice %arg3[%dma_start3A_1680, %dma_start3A_1681] : memref<1000000x64xf32, #tpu.memory_space<hbm>> -> memref<1000000x64xf32, #tpu.memory_space<hbm>>
      %dma_start3A_1683 = tpu.memref_slice %arg7[%dma_start3A_1672] : memref<3x!tpu.dma_semaphore, #tpu.memory_space<semaphore_mem>> -> memref<1x!tpu.dma_semaphore, #tpu.memory_space<semaphore_mem>>
      %dma_start3A_1684 = tpu.memref_squeeze %dma_start3A_1683 : memref<1x!tpu.dma_semaphore, #tpu.memory_space<semaphore_mem>> -> memref<!tpu.dma_semaphore, #tpu.memory_space<semaphore_mem>>
      tpu.enqueue_indirect_dma source(%dma_start3A_1682 : memref<1000000x64xf32, #tpu.memory_space<hbm>>) target(%dma_start3A_1679 : memref<16x64xf32, #tpu.memory_space<vmem>>) offsets(%get3A_1670 : vector<16xi32>) semaphore(%dma_start3A_1684 : memref<!tpu.dma_semaphore, #tpu.memory_space<semaphore_mem>>)
      %mul3A_1685 = arith.constant 320 : i32
      %mul3A_1686 = arith.muli %add3A_1285, %mul3A_1685 : i32
      %add3A_1687 = arith.constant 272 : i32
      %add3A_1688 = arith.addi %mul3A_1686, %add3A_1687 : i32
      %get3A_1689 = arith.index_cast %add3A_1688 : i32 to index
      %get3A_1690 = tpu.vector_load %arg5[%get3A_1689] {strides = array<i32>} : memref<25600xi32, #tpu.memory_space<vmem>>, vector<16xi32>,
      %get3A_1691 = vector.shape_cast %get3A_1690 : vector<16xi32> to vector<16xi32>
      %dma_start3A_1692 = arith.constant 0 : i32
      %dma_start3A_1693 = arith.constant 0 : i32
      %dma_start3A_1694 = arith.constant 0 : i32
      %dma_start3A_1695 = arith.constant 0 : i32
      %dma_start3A_1696 = tpu.memref_slice %arg6[%dma_start3A_1692, %dma_start3A_1694, %dma_start3A_1695] : memref<3x320x64xf32, #tpu.memory_space<vmem>> -> memref<1x320x64xf32, #tpu.memory_space<vmem>>
      %dma_start3A_1697 = tpu.memref_squeeze %dma_start3A_1696 : memref<1x320x64xf32, #tpu.memory_space<vmem>> -> memref<320x64xf32, #tpu.memory_space<vmem>>
      %dma_start3A_1698 = arith.constant 272 : i32
      %dma_start3A_1699 = arith.constant 0 : i32
      %dma_start3A_1700 = tpu.memref_slice %dma_start3A_1697[%dma_start3A_1698, %dma_start3A_1699] : memref<320x64xf32, #tpu.memory_space<vmem>> -> memref<16x64xf32, #tpu.memory_space<vmem>>
      %dma_start3A_1701 = arith.constant 0 : i32
      %dma_start3A_1702 = arith.constant 0 : i32
      %dma_start3A_1703 = tpu.memref_slice %arg3[%dma_start3A_1701, %dma_start3A_1702] : memref<1000000x64xf32, #tpu.memory_space<hbm>> -> memref<1000000x64xf32, #tpu.memory_space<hbm>>
      %dma_start3A_1704 = tpu.memref_slice %arg7[%dma_start3A_1693] : memref<3x!tpu.dma_semaphore, #tpu.memory_space<semaphore_mem>> -> memref<1x!tpu.dma_semaphore, #tpu.memory_space<semaphore_mem>>
      %dma_start3A_1705 = tpu.memref_squeeze %dma_start3A_1704 : memref<1x!tpu.dma_semaphore, #tpu.memory_space<semaphore_mem>> -> memref<!tpu.dma_semaphore, #tpu.memory_space<semaphore_mem>>
      tpu.enqueue_indirect_dma source(%dma_start3A_1703 : memref<1000000x64xf32, #tpu.memory_space<hbm>>) target(%dma_start3A_1700 : memref<16x64xf32, #tpu.memory_space<vmem>>) offsets(%get3A_1691 : vector<16xi32>) semaphore(%dma_start3A_1705 : memref<!tpu.dma_semaphore, #tpu.memory_space<semaphore_mem>>)
      %mul3A_1706 = arith.constant 320 : i32
      %mul3A_1707 = arith.muli %add3A_1285, %mul3A_1706 : i32
      %add3A_1708 = arith.constant 288 : i32
      %add3A_1709 = arith.addi %mul3A_1707, %add3A_1708 : i32
      %get3A_1710 = arith.index_cast %add3A_1709 : i32 to index
      %get3A_1711 = tpu.vector_load %arg5[%get3A_1710] {strides = array<i32>} : memref<25600xi32, #tpu.memory_space<vmem>>, vector<16xi32>,
      %get3A_1712 = vector.shape_cast %get3A_1711 : vector<16xi32> to vector<16xi32>
      %dma_start3A_1713 = arith.constant 0 : i32
      %dma_start3A_1714 = arith.constant 0 : i32
      %dma_start3A_1715 = arith.constant 0 : i32
      %dma_start3A_1716 = arith.constant 0 : i32
      %dma_start3A_1717 = tpu.memref_slice %arg6[%dma_start3A_1713, %dma_start3A_1715, %dma_start3A_1716] : memref<3x320x64xf32, #tpu.memory_space<vmem>> -> memref<1x320x64xf32, #tpu.memory_space<vmem>>
      %dma_start3A_1718 = tpu.memref_squeeze %dma_start3A_1717 : memref<1x320x64xf32, #tpu.memory_space<vmem>> -> memref<320x64xf32, #tpu.memory_space<vmem>>
      %dma_start3A_1719 = arith.constant 288 : i32
      %dma_start3A_1720 = arith.constant 0 : i32
      %dma_start3A_1721 = tpu.memref_slice %dma_start3A_1718[%dma_start3A_1719, %dma_start3A_1720] : memref<320x64xf32, #tpu.memory_space<vmem>> -> memref<16x64xf32, #tpu.memory_space<vmem>>
      %dma_start3A_1722 = arith.constant 0 : i32
      %dma_start3A_1723 = arith.constant 0 : i32
      %dma_start3A_1724 = tpu.memref_slice %arg3[%dma_start3A_1722, %dma_start3A_1723] : memref<1000000x64xf32, #tpu.memory_space<hbm>> -> memref<1000000x64xf32, #tpu.memory_space<hbm>>
      %dma_start3A_1725 = tpu.memref_slice %arg7[%dma_start3A_1714] : memref<3x!tpu.dma_semaphore, #tpu.memory_space<semaphore_mem>> -> memref<1x!tpu.dma_semaphore, #tpu.memory_space<semaphore_mem>>
      %dma_start3A_1726 = tpu.memref_squeeze %dma_start3A_1725 : memref<1x!tpu.dma_semaphore, #tpu.memory_space<semaphore_mem>> -> memref<!tpu.dma_semaphore, #tpu.memory_space<semaphore_mem>>
      tpu.enqueue_indirect_dma source(%dma_start3A_1724 : memref<1000000x64xf32, #tpu.memory_space<hbm>>) target(%dma_start3A_1721 : memref<16x64xf32, #tpu.memory_space<vmem>>) offsets(%get3A_1712 : vector<16xi32>) semaphore(%dma_start3A_1726 : memref<!tpu.dma_semaphore, #tpu.memory_space<semaphore_mem>>)
      %mul3A_1727 = arith.constant 320 : i32
      %mul3A_1728 = arith.muli %add3A_1285, %mul3A_1727 : i32
      %add3A_1729 = arith.constant 304 : i32
      %add3A_1730 = arith.addi %mul3A_1728, %add3A_1729 : i32
      %get3A_1731 = arith.index_cast %add3A_1730 : i32 to index
      %get3A_1732 = tpu.vector_load %arg5[%get3A_1731] {strides = array<i32>} : memref<25600xi32, #tpu.memory_space<vmem>>, vector<16xi32>,
      %get3A_1733 = vector.shape_cast %get3A_1732 : vector<16xi32> to vector<16xi32>
      %dma_start3A_1734 = arith.constant 0 : i32
      %dma_start3A_1735 = arith.constant 0 : i32
      %dma_start3A_1736 = arith.constant 0 : i32
      %dma_start3A_1737 = arith.constant 0 : i32
      %dma_start3A_1738 = tpu.memref_slice %arg6[%dma_start3A_1734, %dma_start3A_1736, %dma_start3A_1737] : memref<3x320x64xf32, #tpu.memory_space<vmem>> -> memref<1x320x64xf32, #tpu.memory_space<vmem>>
      %dma_start3A_1739 = tpu.memref_squeeze %dma_start3A_1738 : memref<1x320x64xf32, #tpu.memory_space<vmem>> -> memref<320x64xf32, #tpu.memory_space<vmem>>
      %dma_start3A_1740 = arith.constant 304 : i32
      %dma_start3A_1741 = arith.constant 0 : i32
      %dma_start3A_1742 = tpu.memref_slice %dma_start3A_1739[%dma_start3A_1740, %dma_start3A_1741] : memref<320x64xf32, #tpu.memory_space<vmem>> -> memref<16x64xf32, #tpu.memory_space<vmem>>
      %dma_start3A_1743 = arith.constant 0 : i32
      %dma_start3A_1744 = arith.constant 0 : i32
      %dma_start3A_1745 = tpu.memref_slice %arg3[%dma_start3A_1743, %dma_start3A_1744] : memref<1000000x64xf32, #tpu.memory_space<hbm>> -> memref<1000000x64xf32, #tpu.memory_space<hbm>>
      %dma_start3A_1746 = tpu.memref_slice %arg7[%dma_start3A_1735] : memref<3x!tpu.dma_semaphore, #tpu.memory_space<semaphore_mem>> -> memref<1x!tpu.dma_semaphore, #tpu.memory_space<semaphore_mem>>
      %dma_start3A_1747 = tpu.memref_squeeze %dma_start3A_1746 : memref<1x!tpu.dma_semaphore, #tpu.memory_space<semaphore_mem>> -> memref<!tpu.dma_semaphore, #tpu.memory_space<semaphore_mem>>
      tpu.enqueue_indirect_dma source(%dma_start3A_1745 : memref<1000000x64xf32, #tpu.memory_space<hbm>>) target(%dma_start3A_1742 : memref<16x64xf32, #tpu.memory_space<vmem>>) offsets(%get3A_1733 : vector<16xi32>) semaphore(%dma_start3A_1747 : memref<!tpu.dma_semaphore, #tpu.memory_space<semaphore_mem>>)
      %mul3A_1748 = arith.constant 3 : i32
      %mul3A_1749 = arith.muli %add3A_814, %mul3A_1748 : i32
      %add3A_1750 = arith.constant 2 : i32
      %add3A_1751 = arith.addi %mul3A_1749, %add3A_1750 : i32
      %add3A_1752 = arith.constant 2 : i32
      %add3A_1753 = arith.addi %add3A_1751, %add3A_1752 : i32
      %dma_wait3A_1754 = arith.constant 2 : i32
      %dma_wait3A_1755 = arith.constant 2 : i32
      %dma_wait3A_1756 = arith.constant 0 : i32
      %dma_wait3A_1757 = arith.constant 0 : i32
      %dma_wait3A_1758 = tpu.memref_slice %arg6[%dma_wait3A_1754, %dma_wait3A_1756, %dma_wait3A_1757] : memref<3x320x64xf32, #tpu.memory_space<vmem>> -> memref<1x320x64xf32, #tpu.memory_space<vmem>>
      %dma_wait3A_1759 = tpu.memref_squeeze %dma_wait3A_1758 : memref<1x320x64xf32, #tpu.memory_space<vmem>> -> memref<320x64xf32, #tpu.memory_space<vmem>>
      %dma_wait3A_1760 = arith.constant 0 : i32
      %dma_wait3A_1761 = arith.constant 0 : i32
      %dma_wait3A_1762 = tpu.memref_slice %arg3[%dma_wait3A_1760, %dma_wait3A_1761] : memref<1000000x64xf32, #tpu.memory_space<hbm>> -> memref<320x64xf32, #tpu.memory_space<hbm>>
      %dma_wait3A_1763 = tpu.memref_slice %arg7[%dma_wait3A_1755] : memref<3x!tpu.dma_semaphore, #tpu.memory_space<semaphore_mem>> -> memref<1x!tpu.dma_semaphore, #tpu.memory_space<semaphore_mem>>
      %dma_wait3A_1764 = tpu.memref_squeeze %dma_wait3A_1763 : memref<1x!tpu.dma_semaphore, #tpu.memory_space<semaphore_mem>> -> memref<!tpu.dma_semaphore, #tpu.memory_space<semaphore_mem>>
      %dma_wait3A_1765 = arith.constant 0 : i32
      %dma_wait3A_1766 = arith.constant 0 : i32
      %dma_wait3A_1767 = tpu.memref_slice %arg6[%dma_wait3A_1754, %dma_wait3A_1765, %dma_wait3A_1766] : memref<3x320x64xf32, #tpu.memory_space<vmem>> -> memref<1x320x64xf32, #tpu.memory_space<vmem>>
      %dma_wait3A_1768 = tpu.memref_squeeze %dma_wait3A_1767 : memref<1x320x64xf32, #tpu.memory_space<vmem>> -> memref<320x64xf32, #tpu.memory_space<vmem>>
      %dma_wait3A_1769 = arith.constant 0 : i32
      %dma_wait3A_1770 = arith.constant 0 : i32
      %dma_wait3A_1771 = tpu.memref_slice %arg3[%dma_wait3A_1769, %dma_wait3A_1770] : memref<1000000x64xf32, #tpu.memory_space<hbm>> -> memref<320x64xf32, #tpu.memory_space<hbm>>
      tpu.wait_dma2 semaphore(%dma_wait3A_1764 : memref<!tpu.dma_semaphore, #tpu.memory_space<semaphore_mem>>) src(%dma_wait3A_1771 : memref<320x64xf32, #tpu.memory_space<hbm>>) dst(%dma_wait3A_1768 : memref<320x64xf32, #tpu.memory_space<vmem>>)
      %mul3A_1772 = arith.constant 320 : i32
      %mul3A_1773 = arith.muli %add3A_1751, %mul3A_1772 : i32
      %add3A_1774 = arith.addi %mul3A_2, %mul3A_1773 : i32
      %dma_start3A_1775 = arith.constant 2 : i32
      %dma_start3A_1776 = arith.constant 2 : i32
      %dma_start3A_1777 = arith.constant 0 : i32
      %dma_start3A_1778 = arith.constant 0 : i32
      %dma_start3A_1779 = tpu.memref_slice %arg6[%dma_start3A_1775, %dma_start3A_1777, %dma_start3A_1778] : memref<3x320x64xf32, #tpu.memory_space<vmem>> -> memref<1x320x64xf32, #tpu.memory_space<vmem>>
      %dma_start3A_1780 = tpu.memref_squeeze %dma_start3A_1779 : memref<1x320x64xf32, #tpu.memory_space<vmem>> -> memref<320x64xf32, #tpu.memory_space<vmem>>
      %dma_start3A_1781 = arith.constant 0 : i32
      %dma_start3A_1782 = tpu.memref_slice %arg4[%add3A_1774, %dma_start3A_1781] : memref<819200x64xf32, #tpu.memory_space<hbm>> -> memref<320x64xf32, #tpu.memory_space<hbm>>
      %dma_start3A_1783 = tpu.memref_slice %arg8[%dma_start3A_1776] : memref<3x!tpu.dma_semaphore, #tpu.memory_space<semaphore_mem>> -> memref<1x!tpu.dma_semaphore, #tpu.memory_space<semaphore_mem>>
      %dma_start3A_1784 = tpu.memref_squeeze %dma_start3A_1783 : memref<1x!tpu.dma_semaphore, #tpu.memory_space<semaphore_mem>> -> memref<!tpu.dma_semaphore, #tpu.memory_space<semaphore_mem>>
      %dma_start3A_1785 = arith.constant 0 : i32
      %dma_start3A_1786 = tpu.memref_slice %arg4[%add3A_1774, %dma_start3A_1785] : memref<819200x64xf32, #tpu.memory_space<hbm>> -> memref<320x64xf32, #tpu.memory_space<hbm>>
      %dma_start3A_1787 = arith.constant 0 : i32
      %dma_start3A_1788 = arith.constant 0 : i32
      %dma_start3A_1789 = tpu.memref_slice %arg6[%dma_start3A_1775, %dma_start3A_1787, %dma_start3A_1788] : memref<3x320x64xf32, #tpu.memory_space<vmem>> -> memref<1x320x64xf32, #tpu.memory_space<vmem>>
      %dma_start3A_1790 = tpu.memref_squeeze %dma_start3A_1789 : memref<1x320x64xf32, #tpu.memory_space<vmem>> -> memref<320x64xf32, #tpu.memory_space<vmem>>
      tpu.enqueue_dma source(%dma_start3A_1790 : memref<320x64xf32, #tpu.memory_space<vmem>>) target(%dma_start3A_1786 : memref<320x64xf32, #tpu.memory_space<hbm>>) target_semaphore(%dma_start3A_1784 : memref<!tpu.dma_semaphore, #tpu.memory_space<semaphore_mem>>)
      %ge3A_1791 = arith.constant 3 : i32
      %ge3A_1792 = arith.cmpi sge, %add3A_1753, %ge3A_1791 : i32
      %convert_element_type3A_1793 = arith.extui %ge3A_1792 : i1 to i32
      %cond3A_1794 = arith.constant 0 : i32
      %cond3A_1795 = arith.cmpi ne, %convert_element_type3A_1793, %cond3A_1794 : i32
      scf.if %cond3A_1795 {
        %sub3A = arith.constant 3 : i32
        %sub3A_2216 = arith.subi %add3A_1753, %sub3A : i32
        %mul3A_2217 = arith.constant 320 : i32
        %mul3A_2218 = arith.muli %sub3A_2216, %mul3A_2217 : i32
        %add3A_2219 = arith.addi %mul3A_2, %mul3A_2218 : i32
        %dma_wait3A_2220 = arith.constant 1 : i32
        %dma_wait3A_2221 = arith.constant 1 : i32
        %dma_wait3A_2222 = arith.constant 0 : i32
        %dma_wait3A_2223 = arith.constant 0 : i32
        %dma_wait3A_2224 = tpu.memref_slice %arg6[%dma_wait3A_2220, %dma_wait3A_2222, %dma_wait3A_2223] : memref<3x320x64xf32, #tpu.memory_space<vmem>> -> memref<1x320x64xf32, #tpu.memory_space<vmem>>
        %dma_wait3A_2225 = tpu.memref_squeeze %dma_wait3A_2224 : memref<1x320x64xf32, #tpu.memory_space<vmem>> -> memref<320x64xf32, #tpu.memory_space<vmem>>
        %dma_wait3A_2226 = arith.constant 0 : i32
        %dma_wait3A_2227 = tpu.memref_slice %arg4[%add3A_2219, %dma_wait3A_2226] : memref<819200x64xf32, #tpu.memory_space<hbm>> -> memref<320x64xf32, #tpu.memory_space<hbm>>
        %dma_wait3A_2228 = tpu.memref_slice %arg8[%dma_wait3A_2221] : memref<3x!tpu.dma_semaphore, #tpu.memory_space<semaphore_mem>> -> memref<1x!tpu.dma_semaphore, #tpu.memory_space<semaphore_mem>>
        %dma_wait3A_2229 = tpu.memref_squeeze %dma_wait3A_2228 : memref<1x!tpu.dma_semaphore, #tpu.memory_space<semaphore_mem>> -> memref<!tpu.dma_semaphore, #tpu.memory_space<semaphore_mem>>
        %dma_wait3A_2230 = arith.constant 0 : i32
        %dma_wait3A_2231 = tpu.memref_slice %arg4[%add3A_2219, %dma_wait3A_2230] : memref<819200x64xf32, #tpu.memory_space<hbm>> -> memref<320x64xf32, #tpu.memory_space<hbm>>
        %dma_wait3A_2232 = arith.constant 0 : i32
        %dma_wait3A_2233 = arith.constant 0 : i32
        %dma_wait3A_2234 = tpu.memref_slice %arg6[%dma_wait3A_2220, %dma_wait3A_2232, %dma_wait3A_2233] : memref<3x320x64xf32, #tpu.memory_space<vmem>> -> memref<1x320x64xf32, #tpu.memory_space<vmem>>
        %dma_wait3A_2235 = tpu.memref_squeeze %dma_wait3A_2234 : memref<1x320x64xf32, #tpu.memory_space<vmem>> -> memref<320x64xf32, #tpu.memory_space<vmem>>
        tpu.wait_dma2 semaphore(%dma_wait3A_2229 : memref<!tpu.dma_semaphore, #tpu.memory_space<semaphore_mem>>) src(%dma_wait3A_2235 : memref<320x64xf32, #tpu.memory_space<vmem>>) dst(%dma_wait3A_2231 : memref<320x64xf32, #tpu.memory_space<hbm>>)
      } else {
      }
      %mul3A_1796 = arith.constant 320 : i32
      %mul3A_1797 = arith.muli %add3A_1753, %mul3A_1796 : i32
      %add3A_1798 = arith.constant 0 : i32
      %add3A_1799 = arith.addi %mul3A_1797, %add3A_1798 : i32
      %get3A_1800 = arith.index_cast %add3A_1799 : i32 to index
      %get3A_1801 = tpu.vector_load %arg5[%get3A_1800] {strides = array<i32>} : memref<25600xi32, #tpu.memory_space<vmem>>, vector<16xi32>,
      %get3A_1802 = vector.shape_cast %get3A_1801 : vector<16xi32> to vector<16xi32>
      %dma_start3A_1803 = arith.constant 1 : i32
      %dma_start3A_1804 = arith.constant 1 : i32
      %dma_start3A_1805 = arith.constant 0 : i32
      %dma_start3A_1806 = arith.constant 0 : i32
      %dma_start3A_1807 = tpu.memref_slice %arg6[%dma_start3A_1803, %dma_start3A_1805, %dma_start3A_1806] : memref<3x320x64xf32, #tpu.memory_space<vmem>> -> memref<1x320x64xf32, #tpu.memory_space<vmem>>
      %dma_start3A_1808 = tpu.memref_squeeze %dma_start3A_1807 : memref<1x320x64xf32, #tpu.memory_space<vmem>> -> memref<320x64xf32, #tpu.memory_space<vmem>>
      %dma_start3A_1809 = arith.constant 0 : i32
      %dma_start3A_1810 = arith.constant 0 : i32
      %dma_start3A_1811 = tpu.memref_slice %dma_start3A_1808[%dma_start3A_1809, %dma_start3A_1810] : memref<320x64xf32, #tpu.memory_space<vmem>> -> memref<16x64xf32, #tpu.memory_space<vmem>>
      %dma_start3A_1812 = arith.constant 0 : i32
      %dma_start3A_1813 = arith.constant 0 : i32
      %dma_start3A_1814 = tpu.memref_slice %arg3[%dma_start3A_1812, %dma_start3A_1813] : memref<1000000x64xf32, #tpu.memory_space<hbm>> -> memref<1000000x64xf32, #tpu.memory_space<hbm>>
      %dma_start3A_1815 = tpu.memref_slice %arg7[%dma_start3A_1804] : memref<3x!tpu.dma_semaphore, #tpu.memory_space<semaphore_mem>> -> memref<1x!tpu.dma_semaphore, #tpu.memory_space<semaphore_mem>>
      %dma_start3A_1816 = tpu.memref_squeeze %dma_start3A_1815 : memref<1x!tpu.dma_semaphore, #tpu.memory_space<semaphore_mem>> -> memref<!tpu.dma_semaphore, #tpu.memory_space<semaphore_mem>>
      tpu.enqueue_indirect_dma source(%dma_start3A_1814 : memref<1000000x64xf32, #tpu.memory_space<hbm>>) target(%dma_start3A_1811 : memref<16x64xf32, #tpu.memory_space<vmem>>) offsets(%get3A_1802 : vector<16xi32>) semaphore(%dma_start3A_1816 : memref<!tpu.dma_semaphore, #tpu.memory_space<semaphore_mem>>)
      %mul3A_1817 = arith.constant 320 : i32
      %mul3A_1818 = arith.muli %add3A_1753, %mul3A_1817 : i32
      %add3A_1819 = arith.constant 16 : i32
      %add3A_1820 = arith.addi %mul3A_1818, %add3A_1819 : i32
      %get3A_1821 = arith.index_cast %add3A_1820 : i32 to index
      %get3A_1822 = tpu.vector_load %arg5[%get3A_1821] {strides = array<i32>} : memref<25600xi32, #tpu.memory_space<vmem>>, vector<16xi32>,
      %get3A_1823 = vector.shape_cast %get3A_1822 : vector<16xi32> to vector<16xi32>
      %dma_start3A_1824 = arith.constant 1 : i32
      %dma_start3A_1825 = arith.constant 1 : i32
      %dma_start3A_1826 = arith.constant 0 : i32
      %dma_start3A_1827 = arith.constant 0 : i32
      %dma_start3A_1828 = tpu.memref_slice %arg6[%dma_start3A_1824, %dma_start3A_1826, %dma_start3A_1827] : memref<3x320x64xf32, #tpu.memory_space<vmem>> -> memref<1x320x64xf32, #tpu.memory_space<vmem>>
      %dma_start3A_1829 = tpu.memref_squeeze %dma_start3A_1828 : memref<1x320x64xf32, #tpu.memory_space<vmem>> -> memref<320x64xf32, #tpu.memory_space<vmem>>
      %dma_start3A_1830 = arith.constant 16 : i32
      %dma_start3A_1831 = arith.constant 0 : i32
      %dma_start3A_1832 = tpu.memref_slice %dma_start3A_1829[%dma_start3A_1830, %dma_start3A_1831] : memref<320x64xf32, #tpu.memory_space<vmem>> -> memref<16x64xf32, #tpu.memory_space<vmem>>
      %dma_start3A_1833 = arith.constant 0 : i32
      %dma_start3A_1834 = arith.constant 0 : i32
      %dma_start3A_1835 = tpu.memref_slice %arg3[%dma_start3A_1833, %dma_start3A_1834] : memref<1000000x64xf32, #tpu.memory_space<hbm>> -> memref<1000000x64xf32, #tpu.memory_space<hbm>>
      %dma_start3A_1836 = tpu.memref_slice %arg7[%dma_start3A_1825] : memref<3x!tpu.dma_semaphore, #tpu.memory_space<semaphore_mem>> -> memref<1x!tpu.dma_semaphore, #tpu.memory_space<semaphore_mem>>
      %dma_start3A_1837 = tpu.memref_squeeze %dma_start3A_1836 : memref<1x!tpu.dma_semaphore, #tpu.memory_space<semaphore_mem>> -> memref<!tpu.dma_semaphore, #tpu.memory_space<semaphore_mem>>
      tpu.enqueue_indirect_dma source(%dma_start3A_1835 : memref<1000000x64xf32, #tpu.memory_space<hbm>>) target(%dma_start3A_1832 : memref<16x64xf32, #tpu.memory_space<vmem>>) offsets(%get3A_1823 : vector<16xi32>) semaphore(%dma_start3A_1837 : memref<!tpu.dma_semaphore, #tpu.memory_space<semaphore_mem>>)
      %mul3A_1838 = arith.constant 320 : i32
      %mul3A_1839 = arith.muli %add3A_1753, %mul3A_1838 : i32
      %add3A_1840 = arith.constant 32 : i32
      %add3A_1841 = arith.addi %mul3A_1839, %add3A_1840 : i32
      %get3A_1842 = arith.index_cast %add3A_1841 : i32 to index
      %get3A_1843 = tpu.vector_load %arg5[%get3A_1842] {strides = array<i32>} : memref<25600xi32, #tpu.memory_space<vmem>>, vector<16xi32>,
      %get3A_1844 = vector.shape_cast %get3A_1843 : vector<16xi32> to vector<16xi32>
      %dma_start3A_1845 = arith.constant 1 : i32
      %dma_start3A_1846 = arith.constant 1 : i32
      %dma_start3A_1847 = arith.constant 0 : i32
      %dma_start3A_1848 = arith.constant 0 : i32
      %dma_start3A_1849 = tpu.memref_slice %arg6[%dma_start3A_1845, %dma_start3A_1847, %dma_start3A_1848] : memref<3x320x64xf32, #tpu.memory_space<vmem>> -> memref<1x320x64xf32, #tpu.memory_space<vmem>>
      %dma_start3A_1850 = tpu.memref_squeeze %dma_start3A_1849 : memref<1x320x64xf32, #tpu.memory_space<vmem>> -> memref<320x64xf32, #tpu.memory_space<vmem>>
      %dma_start3A_1851 = arith.constant 32 : i32
      %dma_start3A_1852 = arith.constant 0 : i32
      %dma_start3A_1853 = tpu.memref_slice %dma_start3A_1850[%dma_start3A_1851, %dma_start3A_1852] : memref<320x64xf32, #tpu.memory_space<vmem>> -> memref<16x64xf32, #tpu.memory_space<vmem>>
      %dma_start3A_1854 = arith.constant 0 : i32
      %dma_start3A_1855 = arith.constant 0 : i32
      %dma_start3A_1856 = tpu.memref_slice %arg3[%dma_start3A_1854, %dma_start3A_1855] : memref<1000000x64xf32, #tpu.memory_space<hbm>> -> memref<1000000x64xf32, #tpu.memory_space<hbm>>
      %dma_start3A_1857 = tpu.memref_slice %arg7[%dma_start3A_1846] : memref<3x!tpu.dma_semaphore, #tpu.memory_space<semaphore_mem>> -> memref<1x!tpu.dma_semaphore, #tpu.memory_space<semaphore_mem>>
      %dma_start3A_1858 = tpu.memref_squeeze %dma_start3A_1857 : memref<1x!tpu.dma_semaphore, #tpu.memory_space<semaphore_mem>> -> memref<!tpu.dma_semaphore, #tpu.memory_space<semaphore_mem>>
      tpu.enqueue_indirect_dma source(%dma_start3A_1856 : memref<1000000x64xf32, #tpu.memory_space<hbm>>) target(%dma_start3A_1853 : memref<16x64xf32, #tpu.memory_space<vmem>>) offsets(%get3A_1844 : vector<16xi32>) semaphore(%dma_start3A_1858 : memref<!tpu.dma_semaphore, #tpu.memory_space<semaphore_mem>>)
      %mul3A_1859 = arith.constant 320 : i32
      %mul3A_1860 = arith.muli %add3A_1753, %mul3A_1859 : i32
      %add3A_1861 = arith.constant 48 : i32
      %add3A_1862 = arith.addi %mul3A_1860, %add3A_1861 : i32
      %get3A_1863 = arith.index_cast %add3A_1862 : i32 to index
      %get3A_1864 = tpu.vector_load %arg5[%get3A_1863] {strides = array<i32>} : memref<25600xi32, #tpu.memory_space<vmem>>, vector<16xi32>,
      %get3A_1865 = vector.shape_cast %get3A_1864 : vector<16xi32> to vector<16xi32>
      %dma_start3A_1866 = arith.constant 1 : i32
      %dma_start3A_1867 = arith.constant 1 : i32
      %dma_start3A_1868 = arith.constant 0 : i32
      %dma_start3A_1869 = arith.constant 0 : i32
      %dma_start3A_1870 = tpu.memref_slice %arg6[%dma_start3A_1866, %dma_start3A_1868, %dma_start3A_1869] : memref<3x320x64xf32, #tpu.memory_space<vmem>> -> memref<1x320x64xf32, #tpu.memory_space<vmem>>
      %dma_start3A_1871 = tpu.memref_squeeze %dma_start3A_1870 : memref<1x320x64xf32, #tpu.memory_space<vmem>> -> memref<320x64xf32, #tpu.memory_space<vmem>>
      %dma_start3A_1872 = arith.constant 48 : i32
      %dma_start3A_1873 = arith.constant 0 : i32
      %dma_start3A_1874 = tpu.memref_slice %dma_start3A_1871[%dma_start3A_1872, %dma_start3A_1873] : memref<320x64xf32, #tpu.memory_space<vmem>> -> memref<16x64xf32, #tpu.memory_space<vmem>>
      %dma_start3A_1875 = arith.constant 0 : i32
      %dma_start3A_1876 = arith.constant 0 : i32
      %dma_start3A_1877 = tpu.memref_slice %arg3[%dma_start3A_1875, %dma_start3A_1876] : memref<1000000x64xf32, #tpu.memory_space<hbm>> -> memref<1000000x64xf32, #tpu.memory_space<hbm>>
      %dma_start3A_1878 = tpu.memref_slice %arg7[%dma_start3A_1867] : memref<3x!tpu.dma_semaphore, #tpu.memory_space<semaphore_mem>> -> memref<1x!tpu.dma_semaphore, #tpu.memory_space<semaphore_mem>>
      %dma_start3A_1879 = tpu.memref_squeeze %dma_start3A_1878 : memref<1x!tpu.dma_semaphore, #tpu.memory_space<semaphore_mem>> -> memref<!tpu.dma_semaphore, #tpu.memory_space<semaphore_mem>>
      tpu.enqueue_indirect_dma source(%dma_start3A_1877 : memref<1000000x64xf32, #tpu.memory_space<hbm>>) target(%dma_start3A_1874 : memref<16x64xf32, #tpu.memory_space<vmem>>) offsets(%get3A_1865 : vector<16xi32>) semaphore(%dma_start3A_1879 : memref<!tpu.dma_semaphore, #tpu.memory_space<semaphore_mem>>)
      %mul3A_1880 = arith.constant 320 : i32
      %mul3A_1881 = arith.muli %add3A_1753, %mul3A_1880 : i32
      %add3A_1882 = arith.constant 64 : i32
      %add3A_1883 = arith.addi %mul3A_1881, %add3A_1882 : i32
      %get3A_1884 = arith.index_cast %add3A_1883 : i32 to index
      %get3A_1885 = tpu.vector_load %arg5[%get3A_1884] {strides = array<i32>} : memref<25600xi32, #tpu.memory_space<vmem>>, vector<16xi32>,
      %get3A_1886 = vector.shape_cast %get3A_1885 : vector<16xi32> to vector<16xi32>
      %dma_start3A_1887 = arith.constant 1 : i32
      %dma_start3A_1888 = arith.constant 1 : i32
      %dma_start3A_1889 = arith.constant 0 : i32
      %dma_start3A_1890 = arith.constant 0 : i32
      %dma_start3A_1891 = tpu.memref_slice %arg6[%dma_start3A_1887, %dma_start3A_1889, %dma_start3A_1890] : memref<3x320x64xf32, #tpu.memory_space<vmem>> -> memref<1x320x64xf32, #tpu.memory_space<vmem>>
      %dma_start3A_1892 = tpu.memref_squeeze %dma_start3A_1891 : memref<1x320x64xf32, #tpu.memory_space<vmem>> -> memref<320x64xf32, #tpu.memory_space<vmem>>
      %dma_start3A_1893 = arith.constant 64 : i32
      %dma_start3A_1894 = arith.constant 0 : i32
      %dma_start3A_1895 = tpu.memref_slice %dma_start3A_1892[%dma_start3A_1893, %dma_start3A_1894] : memref<320x64xf32, #tpu.memory_space<vmem>> -> memref<16x64xf32, #tpu.memory_space<vmem>>
      %dma_start3A_1896 = arith.constant 0 : i32
      %dma_start3A_1897 = arith.constant 0 : i32
      %dma_start3A_1898 = tpu.memref_slice %arg3[%dma_start3A_1896, %dma_start3A_1897] : memref<1000000x64xf32, #tpu.memory_space<hbm>> -> memref<1000000x64xf32, #tpu.memory_space<hbm>>
      %dma_start3A_1899 = tpu.memref_slice %arg7[%dma_start3A_1888] : memref<3x!tpu.dma_semaphore, #tpu.memory_space<semaphore_mem>> -> memref<1x!tpu.dma_semaphore, #tpu.memory_space<semaphore_mem>>
      %dma_start3A_1900 = tpu.memref_squeeze %dma_start3A_1899 : memref<1x!tpu.dma_semaphore, #tpu.memory_space<semaphore_mem>> -> memref<!tpu.dma_semaphore, #tpu.memory_space<semaphore_mem>>
      tpu.enqueue_indirect_dma source(%dma_start3A_1898 : memref<1000000x64xf32, #tpu.memory_space<hbm>>) target(%dma_start3A_1895 : memref<16x64xf32, #tpu.memory_space<vmem>>) offsets(%get3A_1886 : vector<16xi32>) semaphore(%dma_start3A_1900 : memref<!tpu.dma_semaphore, #tpu.memory_space<semaphore_mem>>)
      %mul3A_1901 = arith.constant 320 : i32
      %mul3A_1902 = arith.muli %add3A_1753, %mul3A_1901 : i32
      %add3A_1903 = arith.constant 80 : i32
      %add3A_1904 = arith.addi %mul3A_1902, %add3A_1903 : i32
      %get3A_1905 = arith.index_cast %add3A_1904 : i32 to index
      %get3A_1906 = tpu.vector_load %arg5[%get3A_1905] {strides = array<i32>} : memref<25600xi32, #tpu.memory_space<vmem>>, vector<16xi32>,
      %get3A_1907 = vector.shape_cast %get3A_1906 : vector<16xi32> to vector<16xi32>
      %dma_start3A_1908 = arith.constant 1 : i32
      %dma_start3A_1909 = arith.constant 1 : i32
      %dma_start3A_1910 = arith.constant 0 : i32
      %dma_start3A_1911 = arith.constant 0 : i32
      %dma_start3A_1912 = tpu.memref_slice %arg6[%dma_start3A_1908, %dma_start3A_1910, %dma_start3A_1911] : memref<3x320x64xf32, #tpu.memory_space<vmem>> -> memref<1x320x64xf32, #tpu.memory_space<vmem>>
      %dma_start3A_1913 = tpu.memref_squeeze %dma_start3A_1912 : memref<1x320x64xf32, #tpu.memory_space<vmem>> -> memref<320x64xf32, #tpu.memory_space<vmem>>
      %dma_start3A_1914 = arith.constant 80 : i32
      %dma_start3A_1915 = arith.constant 0 : i32
      %dma_start3A_1916 = tpu.memref_slice %dma_start3A_1913[%dma_start3A_1914, %dma_start3A_1915] : memref<320x64xf32, #tpu.memory_space<vmem>> -> memref<16x64xf32, #tpu.memory_space<vmem>>
      %dma_start3A_1917 = arith.constant 0 : i32
      %dma_start3A_1918 = arith.constant 0 : i32
      %dma_start3A_1919 = tpu.memref_slice %arg3[%dma_start3A_1917, %dma_start3A_1918] : memref<1000000x64xf32, #tpu.memory_space<hbm>> -> memref<1000000x64xf32, #tpu.memory_space<hbm>>
      %dma_start3A_1920 = tpu.memref_slice %arg7[%dma_start3A_1909] : memref<3x!tpu.dma_semaphore, #tpu.memory_space<semaphore_mem>> -> memref<1x!tpu.dma_semaphore, #tpu.memory_space<semaphore_mem>>
      %dma_start3A_1921 = tpu.memref_squeeze %dma_start3A_1920 : memref<1x!tpu.dma_semaphore, #tpu.memory_space<semaphore_mem>> -> memref<!tpu.dma_semaphore, #tpu.memory_space<semaphore_mem>>
      tpu.enqueue_indirect_dma source(%dma_start3A_1919 : memref<1000000x64xf32, #tpu.memory_space<hbm>>) target(%dma_start3A_1916 : memref<16x64xf32, #tpu.memory_space<vmem>>) offsets(%get3A_1907 : vector<16xi32>) semaphore(%dma_start3A_1921 : memref<!tpu.dma_semaphore, #tpu.memory_space<semaphore_mem>>)
      %mul3A_1922 = arith.constant 320 : i32
      %mul3A_1923 = arith.muli %add3A_1753, %mul3A_1922 : i32
      %add3A_1924 = arith.constant 96 : i32
      %add3A_1925 = arith.addi %mul3A_1923, %add3A_1924 : i32
      %get3A_1926 = arith.index_cast %add3A_1925 : i32 to index
      %get3A_1927 = tpu.vector_load %arg5[%get3A_1926] {strides = array<i32>} : memref<25600xi32, #tpu.memory_space<vmem>>, vector<16xi32>,
      %get3A_1928 = vector.shape_cast %get3A_1927 : vector<16xi32> to vector<16xi32>
      %dma_start3A_1929 = arith.constant 1 : i32
      %dma_start3A_1930 = arith.constant 1 : i32
      %dma_start3A_1931 = arith.constant 0 : i32
      %dma_start3A_1932 = arith.constant 0 : i32
      %dma_start3A_1933 = tpu.memref_slice %arg6[%dma_start3A_1929, %dma_start3A_1931, %dma_start3A_1932] : memref<3x320x64xf32, #tpu.memory_space<vmem>> -> memref<1x320x64xf32, #tpu.memory_space<vmem>>
      %dma_start3A_1934 = tpu.memref_squeeze %dma_start3A_1933 : memref<1x320x64xf32, #tpu.memory_space<vmem>> -> memref<320x64xf32, #tpu.memory_space<vmem>>
      %dma_start3A_1935 = arith.constant 96 : i32
      %dma_start3A_1936 = arith.constant 0 : i32
      %dma_start3A_1937 = tpu.memref_slice %dma_start3A_1934[%dma_start3A_1935, %dma_start3A_1936] : memref<320x64xf32, #tpu.memory_space<vmem>> -> memref<16x64xf32, #tpu.memory_space<vmem>>
      %dma_start3A_1938 = arith.constant 0 : i32
      %dma_start3A_1939 = arith.constant 0 : i32
      %dma_start3A_1940 = tpu.memref_slice %arg3[%dma_start3A_1938, %dma_start3A_1939] : memref<1000000x64xf32, #tpu.memory_space<hbm>> -> memref<1000000x64xf32, #tpu.memory_space<hbm>>
      %dma_start3A_1941 = tpu.memref_slice %arg7[%dma_start3A_1930] : memref<3x!tpu.dma_semaphore, #tpu.memory_space<semaphore_mem>> -> memref<1x!tpu.dma_semaphore, #tpu.memory_space<semaphore_mem>>
      %dma_start3A_1942 = tpu.memref_squeeze %dma_start3A_1941 : memref<1x!tpu.dma_semaphore, #tpu.memory_space<semaphore_mem>> -> memref<!tpu.dma_semaphore, #tpu.memory_space<semaphore_mem>>
      tpu.enqueue_indirect_dma source(%dma_start3A_1940 : memref<1000000x64xf32, #tpu.memory_space<hbm>>) target(%dma_start3A_1937 : memref<16x64xf32, #tpu.memory_space<vmem>>) offsets(%get3A_1928 : vector<16xi32>) semaphore(%dma_start3A_1942 : memref<!tpu.dma_semaphore, #tpu.memory_space<semaphore_mem>>)
      %mul3A_1943 = arith.constant 320 : i32
      %mul3A_1944 = arith.muli %add3A_1753, %mul3A_1943 : i32
      %add3A_1945 = arith.constant 112 : i32
      %add3A_1946 = arith.addi %mul3A_1944, %add3A_1945 : i32
      %get3A_1947 = arith.index_cast %add3A_1946 : i32 to index
      %get3A_1948 = tpu.vector_load %arg5[%get3A_1947] {strides = array<i32>} : memref<25600xi32, #tpu.memory_space<vmem>>, vector<16xi32>,
      %get3A_1949 = vector.shape_cast %get3A_1948 : vector<16xi32> to vector<16xi32>
      %dma_start3A_1950 = arith.constant 1 : i32
      %dma_start3A_1951 = arith.constant 1 : i32
      %dma_start3A_1952 = arith.constant 0 : i32
      %dma_start3A_1953 = arith.constant 0 : i32
      %dma_start3A_1954 = tpu.memref_slice %arg6[%dma_start3A_1950, %dma_start3A_1952, %dma_start3A_1953] : memref<3x320x64xf32, #tpu.memory_space<vmem>> -> memref<1x320x64xf32, #tpu.memory_space<vmem>>
      %dma_start3A_1955 = tpu.memref_squeeze %dma_start3A_1954 : memref<1x320x64xf32, #tpu.memory_space<vmem>> -> memref<320x64xf32, #tpu.memory_space<vmem>>
      %dma_start3A_1956 = arith.constant 112 : i32
      %dma_start3A_1957 = arith.constant 0 : i32
      %dma_start3A_1958 = tpu.memref_slice %dma_start3A_1955[%dma_start3A_1956, %dma_start3A_1957] : memref<320x64xf32, #tpu.memory_space<vmem>> -> memref<16x64xf32, #tpu.memory_space<vmem>>
      %dma_start3A_1959 = arith.constant 0 : i32
      %dma_start3A_1960 = arith.constant 0 : i32
      %dma_start3A_1961 = tpu.memref_slice %arg3[%dma_start3A_1959, %dma_start3A_1960] : memref<1000000x64xf32, #tpu.memory_space<hbm>> -> memref<1000000x64xf32, #tpu.memory_space<hbm>>
      %dma_start3A_1962 = tpu.memref_slice %arg7[%dma_start3A_1951] : memref<3x!tpu.dma_semaphore, #tpu.memory_space<semaphore_mem>> -> memref<1x!tpu.dma_semaphore, #tpu.memory_space<semaphore_mem>>
      %dma_start3A_1963 = tpu.memref_squeeze %dma_start3A_1962 : memref<1x!tpu.dma_semaphore, #tpu.memory_space<semaphore_mem>> -> memref<!tpu.dma_semaphore, #tpu.memory_space<semaphore_mem>>
      tpu.enqueue_indirect_dma source(%dma_start3A_1961 : memref<1000000x64xf32, #tpu.memory_space<hbm>>) target(%dma_start3A_1958 : memref<16x64xf32, #tpu.memory_space<vmem>>) offsets(%get3A_1949 : vector<16xi32>) semaphore(%dma_start3A_1963 : memref<!tpu.dma_semaphore, #tpu.memory_space<semaphore_mem>>)
      %mul3A_1964 = arith.constant 320 : i32
      %mul3A_1965 = arith.muli %add3A_1753, %mul3A_1964 : i32
      %add3A_1966 = arith.constant 128 : i32
      %add3A_1967 = arith.addi %mul3A_1965, %add3A_1966 : i32
      %get3A_1968 = arith.index_cast %add3A_1967 : i32 to index
      %get3A_1969 = tpu.vector_load %arg5[%get3A_1968] {strides = array<i32>} : memref<25600xi32, #tpu.memory_space<vmem>>, vector<16xi32>,
      %get3A_1970 = vector.shape_cast %get3A_1969 : vector<16xi32> to vector<16xi32>
      %dma_start3A_1971 = arith.constant 1 : i32
      %dma_start3A_1972 = arith.constant 1 : i32
      %dma_start3A_1973 = arith.constant 0 : i32
      %dma_start3A_1974 = arith.constant 0 : i32
      %dma_start3A_1975 = tpu.memref_slice %arg6[%dma_start3A_1971, %dma_start3A_1973, %dma_start3A_1974] : memref<3x320x64xf32, #tpu.memory_space<vmem>> -> memref<1x320x64xf32, #tpu.memory_space<vmem>>
      %dma_start3A_1976 = tpu.memref_squeeze %dma_start3A_1975 : memref<1x320x64xf32, #tpu.memory_space<vmem>> -> memref<320x64xf32, #tpu.memory_space<vmem>>
      %dma_start3A_1977 = arith.constant 128 : i32
      %dma_start3A_1978 = arith.constant 0 : i32
      %dma_start3A_1979 = tpu.memref_slice %dma_start3A_1976[%dma_start3A_1977, %dma_start3A_1978] : memref<320x64xf32, #tpu.memory_space<vmem>> -> memref<16x64xf32, #tpu.memory_space<vmem>>
      %dma_start3A_1980 = arith.constant 0 : i32
      %dma_start3A_1981 = arith.constant 0 : i32
      %dma_start3A_1982 = tpu.memref_slice %arg3[%dma_start3A_1980, %dma_start3A_1981] : memref<1000000x64xf32, #tpu.memory_space<hbm>> -> memref<1000000x64xf32, #tpu.memory_space<hbm>>
      %dma_start3A_1983 = tpu.memref_slice %arg7[%dma_start3A_1972] : memref<3x!tpu.dma_semaphore, #tpu.memory_space<semaphore_mem>> -> memref<1x!tpu.dma_semaphore, #tpu.memory_space<semaphore_mem>>
      %dma_start3A_1984 = tpu.memref_squeeze %dma_start3A_1983 : memref<1x!tpu.dma_semaphore, #tpu.memory_space<semaphore_mem>> -> memref<!tpu.dma_semaphore, #tpu.memory_space<semaphore_mem>>
      tpu.enqueue_indirect_dma source(%dma_start3A_1982 : memref<1000000x64xf32, #tpu.memory_space<hbm>>) target(%dma_start3A_1979 : memref<16x64xf32, #tpu.memory_space<vmem>>) offsets(%get3A_1970 : vector<16xi32>) semaphore(%dma_start3A_1984 : memref<!tpu.dma_semaphore, #tpu.memory_space<semaphore_mem>>)
      %mul3A_1985 = arith.constant 320 : i32
      %mul3A_1986 = arith.muli %add3A_1753, %mul3A_1985 : i32
      %add3A_1987 = arith.constant 144 : i32
      %add3A_1988 = arith.addi %mul3A_1986, %add3A_1987 : i32
      %get3A_1989 = arith.index_cast %add3A_1988 : i32 to index
      %get3A_1990 = tpu.vector_load %arg5[%get3A_1989] {strides = array<i32>} : memref<25600xi32, #tpu.memory_space<vmem>>, vector<16xi32>,
      %get3A_1991 = vector.shape_cast %get3A_1990 : vector<16xi32> to vector<16xi32>
      %dma_start3A_1992 = arith.constant 1 : i32
      %dma_start3A_1993 = arith.constant 1 : i32
      %dma_start3A_1994 = arith.constant 0 : i32
      %dma_start3A_1995 = arith.constant 0 : i32
      %dma_start3A_1996 = tpu.memref_slice %arg6[%dma_start3A_1992, %dma_start3A_1994, %dma_start3A_1995] : memref<3x320x64xf32, #tpu.memory_space<vmem>> -> memref<1x320x64xf32, #tpu.memory_space<vmem>>
      %dma_start3A_1997 = tpu.memref_squeeze %dma_start3A_1996 : memref<1x320x64xf32, #tpu.memory_space<vmem>> -> memref<320x64xf32, #tpu.memory_space<vmem>>
      %dma_start3A_1998 = arith.constant 144 : i32
      %dma_start3A_1999 = arith.constant 0 : i32
      %dma_start3A_2000 = tpu.memref_slice %dma_start3A_1997[%dma_start3A_1998, %dma_start3A_1999] : memref<320x64xf32, #tpu.memory_space<vmem>> -> memref<16x64xf32, #tpu.memory_space<vmem>>
      %dma_start3A_2001 = arith.constant 0 : i32
      %dma_start3A_2002 = arith.constant 0 : i32
      %dma_start3A_2003 = tpu.memref_slice %arg3[%dma_start3A_2001, %dma_start3A_2002] : memref<1000000x64xf32, #tpu.memory_space<hbm>> -> memref<1000000x64xf32, #tpu.memory_space<hbm>>
      %dma_start3A_2004 = tpu.memref_slice %arg7[%dma_start3A_1993] : memref<3x!tpu.dma_semaphore, #tpu.memory_space<semaphore_mem>> -> memref<1x!tpu.dma_semaphore, #tpu.memory_space<semaphore_mem>>
      %dma_start3A_2005 = tpu.memref_squeeze %dma_start3A_2004 : memref<1x!tpu.dma_semaphore, #tpu.memory_space<semaphore_mem>> -> memref<!tpu.dma_semaphore, #tpu.memory_space<semaphore_mem>>
      tpu.enqueue_indirect_dma source(%dma_start3A_2003 : memref<1000000x64xf32, #tpu.memory_space<hbm>>) target(%dma_start3A_2000 : memref<16x64xf32, #tpu.memory_space<vmem>>) offsets(%get3A_1991 : vector<16xi32>) semaphore(%dma_start3A_2005 : memref<!tpu.dma_semaphore, #tpu.memory_space<semaphore_mem>>)
      %mul3A_2006 = arith.constant 320 : i32
      %mul3A_2007 = arith.muli %add3A_1753, %mul3A_2006 : i32
      %add3A_2008 = arith.constant 160 : i32
      %add3A_2009 = arith.addi %mul3A_2007, %add3A_2008 : i32
      %get3A_2010 = arith.index_cast %add3A_2009 : i32 to index
      %get3A_2011 = tpu.vector_load %arg5[%get3A_2010] {strides = array<i32>} : memref<25600xi32, #tpu.memory_space<vmem>>, vector<16xi32>,
      %get3A_2012 = vector.shape_cast %get3A_2011 : vector<16xi32> to vector<16xi32>
      %dma_start3A_2013 = arith.constant 1 : i32
      %dma_start3A_2014 = arith.constant 1 : i32
      %dma_start3A_2015 = arith.constant 0 : i32
      %dma_start3A_2016 = arith.constant 0 : i32
      %dma_start3A_2017 = tpu.memref_slice %arg6[%dma_start3A_2013, %dma_start3A_2015, %dma_start3A_2016] : memref<3x320x64xf32, #tpu.memory_space<vmem>> -> memref<1x320x64xf32, #tpu.memory_space<vmem>>
      %dma_start3A_2018 = tpu.memref_squeeze %dma_start3A_2017 : memref<1x320x64xf32, #tpu.memory_space<vmem>> -> memref<320x64xf32, #tpu.memory_space<vmem>>
      %dma_start3A_2019 = arith.constant 160 : i32
      %dma_start3A_2020 = arith.constant 0 : i32
      %dma_start3A_2021 = tpu.memref_slice %dma_start3A_2018[%dma_start3A_2019, %dma_start3A_2020] : memref<320x64xf32, #tpu.memory_space<vmem>> -> memref<16x64xf32, #tpu.memory_space<vmem>>
      %dma_start3A_2022 = arith.constant 0 : i32
      %dma_start3A_2023 = arith.constant 0 : i32
      %dma_start3A_2024 = tpu.memref_slice %arg3[%dma_start3A_2022, %dma_start3A_2023] : memref<1000000x64xf32, #tpu.memory_space<hbm>> -> memref<1000000x64xf32, #tpu.memory_space<hbm>>
      %dma_start3A_2025 = tpu.memref_slice %arg7[%dma_start3A_2014] : memref<3x!tpu.dma_semaphore, #tpu.memory_space<semaphore_mem>> -> memref<1x!tpu.dma_semaphore, #tpu.memory_space<semaphore_mem>>
      %dma_start3A_2026 = tpu.memref_squeeze %dma_start3A_2025 : memref<1x!tpu.dma_semaphore, #tpu.memory_space<semaphore_mem>> -> memref<!tpu.dma_semaphore, #tpu.memory_space<semaphore_mem>>
      tpu.enqueue_indirect_dma source(%dma_start3A_2024 : memref<1000000x64xf32, #tpu.memory_space<hbm>>) target(%dma_start3A_2021 : memref<16x64xf32, #tpu.memory_space<vmem>>) offsets(%get3A_2012 : vector<16xi32>) semaphore(%dma_start3A_2026 : memref<!tpu.dma_semaphore, #tpu.memory_space<semaphore_mem>>)
      %mul3A_2027 = arith.constant 320 : i32
      %mul3A_2028 = arith.muli %add3A_1753, %mul3A_2027 : i32
      %add3A_2029 = arith.constant 176 : i32
      %add3A_2030 = arith.addi %mul3A_2028, %add3A_2029 : i32
      %get3A_2031 = arith.index_cast %add3A_2030 : i32 to index
      %get3A_2032 = tpu.vector_load %arg5[%get3A_2031] {strides = array<i32>} : memref<25600xi32, #tpu.memory_space<vmem>>, vector<16xi32>,
      %get3A_2033 = vector.shape_cast %get3A_2032 : vector<16xi32> to vector<16xi32>
      %dma_start3A_2034 = arith.constant 1 : i32
      %dma_start3A_2035 = arith.constant 1 : i32
      %dma_start3A_2036 = arith.constant 0 : i32
      %dma_start3A_2037 = arith.constant 0 : i32
      %dma_start3A_2038 = tpu.memref_slice %arg6[%dma_start3A_2034, %dma_start3A_2036, %dma_start3A_2037] : memref<3x320x64xf32, #tpu.memory_space<vmem>> -> memref<1x320x64xf32, #tpu.memory_space<vmem>>
      %dma_start3A_2039 = tpu.memref_squeeze %dma_start3A_2038 : memref<1x320x64xf32, #tpu.memory_space<vmem>> -> memref<320x64xf32, #tpu.memory_space<vmem>>
      %dma_start3A_2040 = arith.constant 176 : i32
      %dma_start3A_2041 = arith.constant 0 : i32
      %dma_start3A_2042 = tpu.memref_slice %dma_start3A_2039[%dma_start3A_2040, %dma_start3A_2041] : memref<320x64xf32, #tpu.memory_space<vmem>> -> memref<16x64xf32, #tpu.memory_space<vmem>>
      %dma_start3A_2043 = arith.constant 0 : i32
      %dma_start3A_2044 = arith.constant 0 : i32
      %dma_start3A_2045 = tpu.memref_slice %arg3[%dma_start3A_2043, %dma_start3A_2044] : memref<1000000x64xf32, #tpu.memory_space<hbm>> -> memref<1000000x64xf32, #tpu.memory_space<hbm>>
      %dma_start3A_2046 = tpu.memref_slice %arg7[%dma_start3A_2035] : memref<3x!tpu.dma_semaphore, #tpu.memory_space<semaphore_mem>> -> memref<1x!tpu.dma_semaphore, #tpu.memory_space<semaphore_mem>>
      %dma_start3A_2047 = tpu.memref_squeeze %dma_start3A_2046 : memref<1x!tpu.dma_semaphore, #tpu.memory_space<semaphore_mem>> -> memref<!tpu.dma_semaphore, #tpu.memory_space<semaphore_mem>>
      tpu.enqueue_indirect_dma source(%dma_start3A_2045 : memref<1000000x64xf32, #tpu.memory_space<hbm>>) target(%dma_start3A_2042 : memref<16x64xf32, #tpu.memory_space<vmem>>) offsets(%get3A_2033 : vector<16xi32>) semaphore(%dma_start3A_2047 : memref<!tpu.dma_semaphore, #tpu.memory_space<semaphore_mem>>)
      %mul3A_2048 = arith.constant 320 : i32
      %mul3A_2049 = arith.muli %add3A_1753, %mul3A_2048 : i32
      %add3A_2050 = arith.constant 192 : i32
      %add3A_2051 = arith.addi %mul3A_2049, %add3A_2050 : i32
      %get3A_2052 = arith.index_cast %add3A_2051 : i32 to index
      %get3A_2053 = tpu.vector_load %arg5[%get3A_2052] {strides = array<i32>} : memref<25600xi32, #tpu.memory_space<vmem>>, vector<16xi32>,
      %get3A_2054 = vector.shape_cast %get3A_2053 : vector<16xi32> to vector<16xi32>
      %dma_start3A_2055 = arith.constant 1 : i32
      %dma_start3A_2056 = arith.constant 1 : i32
      %dma_start3A_2057 = arith.constant 0 : i32
      %dma_start3A_2058 = arith.constant 0 : i32
      %dma_start3A_2059 = tpu.memref_slice %arg6[%dma_start3A_2055, %dma_start3A_2057, %dma_start3A_2058] : memref<3x320x64xf32, #tpu.memory_space<vmem>> -> memref<1x320x64xf32, #tpu.memory_space<vmem>>
      %dma_start3A_2060 = tpu.memref_squeeze %dma_start3A_2059 : memref<1x320x64xf32, #tpu.memory_space<vmem>> -> memref<320x64xf32, #tpu.memory_space<vmem>>
      %dma_start3A_2061 = arith.constant 192 : i32
      %dma_start3A_2062 = arith.constant 0 : i32
      %dma_start3A_2063 = tpu.memref_slice %dma_start3A_2060[%dma_start3A_2061, %dma_start3A_2062] : memref<320x64xf32, #tpu.memory_space<vmem>> -> memref<16x64xf32, #tpu.memory_space<vmem>>
      %dma_start3A_2064 = arith.constant 0 : i32
      %dma_start3A_2065 = arith.constant 0 : i32
      %dma_start3A_2066 = tpu.memref_slice %arg3[%dma_start3A_2064, %dma_start3A_2065] : memref<1000000x64xf32, #tpu.memory_space<hbm>> -> memref<1000000x64xf32, #tpu.memory_space<hbm>>
      %dma_start3A_2067 = tpu.memref_slice %arg7[%dma_start3A_2056] : memref<3x!tpu.dma_semaphore, #tpu.memory_space<semaphore_mem>> -> memref<1x!tpu.dma_semaphore, #tpu.memory_space<semaphore_mem>>
      %dma_start3A_2068 = tpu.memref_squeeze %dma_start3A_2067 : memref<1x!tpu.dma_semaphore, #tpu.memory_space<semaphore_mem>> -> memref<!tpu.dma_semaphore, #tpu.memory_space<semaphore_mem>>
      tpu.enqueue_indirect_dma source(%dma_start3A_2066 : memref<1000000x64xf32, #tpu.memory_space<hbm>>) target(%dma_start3A_2063 : memref<16x64xf32, #tpu.memory_space<vmem>>) offsets(%get3A_2054 : vector<16xi32>) semaphore(%dma_start3A_2068 : memref<!tpu.dma_semaphore, #tpu.memory_space<semaphore_mem>>)
      %mul3A_2069 = arith.constant 320 : i32
      %mul3A_2070 = arith.muli %add3A_1753, %mul3A_2069 : i32
      %add3A_2071 = arith.constant 208 : i32
      %add3A_2072 = arith.addi %mul3A_2070, %add3A_2071 : i32
      %get3A_2073 = arith.index_cast %add3A_2072 : i32 to index
      %get3A_2074 = tpu.vector_load %arg5[%get3A_2073] {strides = array<i32>} : memref<25600xi32, #tpu.memory_space<vmem>>, vector<16xi32>,
      %get3A_2075 = vector.shape_cast %get3A_2074 : vector<16xi32> to vector<16xi32>
      %dma_start3A_2076 = arith.constant 1 : i32
      %dma_start3A_2077 = arith.constant 1 : i32
      %dma_start3A_2078 = arith.constant 0 : i32
      %dma_start3A_2079 = arith.constant 0 : i32
      %dma_start3A_2080 = tpu.memref_slice %arg6[%dma_start3A_2076, %dma_start3A_2078, %dma_start3A_2079] : memref<3x320x64xf32, #tpu.memory_space<vmem>> -> memref<1x320x64xf32, #tpu.memory_space<vmem>>
      %dma_start3A_2081 = tpu.memref_squeeze %dma_start3A_2080 : memref<1x320x64xf32, #tpu.memory_space<vmem>> -> memref<320x64xf32, #tpu.memory_space<vmem>>
      %dma_start3A_2082 = arith.constant 208 : i32
      %dma_start3A_2083 = arith.constant 0 : i32
      %dma_start3A_2084 = tpu.memref_slice %dma_start3A_2081[%dma_start3A_2082, %dma_start3A_2083] : memref<320x64xf32, #tpu.memory_space<vmem>> -> memref<16x64xf32, #tpu.memory_space<vmem>>
      %dma_start3A_2085 = arith.constant 0 : i32
      %dma_start3A_2086 = arith.constant 0 : i32
      %dma_start3A_2087 = tpu.memref_slice %arg3[%dma_start3A_2085, %dma_start3A_2086] : memref<1000000x64xf32, #tpu.memory_space<hbm>> -> memref<1000000x64xf32, #tpu.memory_space<hbm>>
      %dma_start3A_2088 = tpu.memref_slice %arg7[%dma_start3A_2077] : memref<3x!tpu.dma_semaphore, #tpu.memory_space<semaphore_mem>> -> memref<1x!tpu.dma_semaphore, #tpu.memory_space<semaphore_mem>>
      %dma_start3A_2089 = tpu.memref_squeeze %dma_start3A_2088 : memref<1x!tpu.dma_semaphore, #tpu.memory_space<semaphore_mem>> -> memref<!tpu.dma_semaphore, #tpu.memory_space<semaphore_mem>>
      tpu.enqueue_indirect_dma source(%dma_start3A_2087 : memref<1000000x64xf32, #tpu.memory_space<hbm>>) target(%dma_start3A_2084 : memref<16x64xf32, #tpu.memory_space<vmem>>) offsets(%get3A_2075 : vector<16xi32>) semaphore(%dma_start3A_2089 : memref<!tpu.dma_semaphore, #tpu.memory_space<semaphore_mem>>)
      %mul3A_2090 = arith.constant 320 : i32
      %mul3A_2091 = arith.muli %add3A_1753, %mul3A_2090 : i32
      %add3A_2092 = arith.constant 224 : i32
      %add3A_2093 = arith.addi %mul3A_2091, %add3A_2092 : i32
      %get3A_2094 = arith.index_cast %add3A_2093 : i32 to index
      %get3A_2095 = tpu.vector_load %arg5[%get3A_2094] {strides = array<i32>} : memref<25600xi32, #tpu.memory_space<vmem>>, vector<16xi32>,
      %get3A_2096 = vector.shape_cast %get3A_2095 : vector<16xi32> to vector<16xi32>
      %dma_start3A_2097 = arith.constant 1 : i32
      %dma_start3A_2098 = arith.constant 1 : i32
      %dma_start3A_2099 = arith.constant 0 : i32
      %dma_start3A_2100 = arith.constant 0 : i32
      %dma_start3A_2101 = tpu.memref_slice %arg6[%dma_start3A_2097, %dma_start3A_2099, %dma_start3A_2100] : memref<3x320x64xf32, #tpu.memory_space<vmem>> -> memref<1x320x64xf32, #tpu.memory_space<vmem>>
      %dma_start3A_2102 = tpu.memref_squeeze %dma_start3A_2101 : memref<1x320x64xf32, #tpu.memory_space<vmem>> -> memref<320x64xf32, #tpu.memory_space<vmem>>
      %dma_start3A_2103 = arith.constant 224 : i32
      %dma_start3A_2104 = arith.constant 0 : i32
      %dma_start3A_2105 = tpu.memref_slice %dma_start3A_2102[%dma_start3A_2103, %dma_start3A_2104] : memref<320x64xf32, #tpu.memory_space<vmem>> -> memref<16x64xf32, #tpu.memory_space<vmem>>
      %dma_start3A_2106 = arith.constant 0 : i32
      %dma_start3A_2107 = arith.constant 0 : i32
      %dma_start3A_2108 = tpu.memref_slice %arg3[%dma_start3A_2106, %dma_start3A_2107] : memref<1000000x64xf32, #tpu.memory_space<hbm>> -> memref<1000000x64xf32, #tpu.memory_space<hbm>>
      %dma_start3A_2109 = tpu.memref_slice %arg7[%dma_start3A_2098] : memref<3x!tpu.dma_semaphore, #tpu.memory_space<semaphore_mem>> -> memref<1x!tpu.dma_semaphore, #tpu.memory_space<semaphore_mem>>
      %dma_start3A_2110 = tpu.memref_squeeze %dma_start3A_2109 : memref<1x!tpu.dma_semaphore, #tpu.memory_space<semaphore_mem>> -> memref<!tpu.dma_semaphore, #tpu.memory_space<semaphore_mem>>
      tpu.enqueue_indirect_dma source(%dma_start3A_2108 : memref<1000000x64xf32, #tpu.memory_space<hbm>>) target(%dma_start3A_2105 : memref<16x64xf32, #tpu.memory_space<vmem>>) offsets(%get3A_2096 : vector<16xi32>) semaphore(%dma_start3A_2110 : memref<!tpu.dma_semaphore, #tpu.memory_space<semaphore_mem>>)
      %mul3A_2111 = arith.constant 320 : i32
      %mul3A_2112 = arith.muli %add3A_1753, %mul3A_2111 : i32
      %add3A_2113 = arith.constant 240 : i32
      %add3A_2114 = arith.addi %mul3A_2112, %add3A_2113 : i32
      %get3A_2115 = arith.index_cast %add3A_2114 : i32 to index
      %get3A_2116 = tpu.vector_load %arg5[%get3A_2115] {strides = array<i32>} : memref<25600xi32, #tpu.memory_space<vmem>>, vector<16xi32>,
      %get3A_2117 = vector.shape_cast %get3A_2116 : vector<16xi32> to vector<16xi32>
      %dma_start3A_2118 = arith.constant 1 : i32
      %dma_start3A_2119 = arith.constant 1 : i32
      %dma_start3A_2120 = arith.constant 0 : i32
      %dma_start3A_2121 = arith.constant 0 : i32
      %dma_start3A_2122 = tpu.memref_slice %arg6[%dma_start3A_2118, %dma_start3A_2120, %dma_start3A_2121] : memref<3x320x64xf32, #tpu.memory_space<vmem>> -> memref<1x320x64xf32, #tpu.memory_space<vmem>>
      %dma_start3A_2123 = tpu.memref_squeeze %dma_start3A_2122 : memref<1x320x64xf32, #tpu.memory_space<vmem>> -> memref<320x64xf32, #tpu.memory_space<vmem>>
      %dma_start3A_2124 = arith.constant 240 : i32
      %dma_start3A_2125 = arith.constant 0 : i32
      %dma_start3A_2126 = tpu.memref_slice %dma_start3A_2123[%dma_start3A_2124, %dma_start3A_2125] : memref<320x64xf32, #tpu.memory_space<vmem>> -> memref<16x64xf32, #tpu.memory_space<vmem>>
      %dma_start3A_2127 = arith.constant 0 : i32
      %dma_start3A_2128 = arith.constant 0 : i32
      %dma_start3A_2129 = tpu.memref_slice %arg3[%dma_start3A_2127, %dma_start3A_2128] : memref<1000000x64xf32, #tpu.memory_space<hbm>> -> memref<1000000x64xf32, #tpu.memory_space<hbm>>
      %dma_start3A_2130 = tpu.memref_slice %arg7[%dma_start3A_2119] : memref<3x!tpu.dma_semaphore, #tpu.memory_space<semaphore_mem>> -> memref<1x!tpu.dma_semaphore, #tpu.memory_space<semaphore_mem>>
      %dma_start3A_2131 = tpu.memref_squeeze %dma_start3A_2130 : memref<1x!tpu.dma_semaphore, #tpu.memory_space<semaphore_mem>> -> memref<!tpu.dma_semaphore, #tpu.memory_space<semaphore_mem>>
      tpu.enqueue_indirect_dma source(%dma_start3A_2129 : memref<1000000x64xf32, #tpu.memory_space<hbm>>) target(%dma_start3A_2126 : memref<16x64xf32, #tpu.memory_space<vmem>>) offsets(%get3A_2117 : vector<16xi32>) semaphore(%dma_start3A_2131 : memref<!tpu.dma_semaphore, #tpu.memory_space<semaphore_mem>>)
      %mul3A_2132 = arith.constant 320 : i32
      %mul3A_2133 = arith.muli %add3A_1753, %mul3A_2132 : i32
      %add3A_2134 = arith.constant 256 : i32
      %add3A_2135 = arith.addi %mul3A_2133, %add3A_2134 : i32
      %get3A_2136 = arith.index_cast %add3A_2135 : i32 to index
      %get3A_2137 = tpu.vector_load %arg5[%get3A_2136] {strides = array<i32>} : memref<25600xi32, #tpu.memory_space<vmem>>, vector<16xi32>,
      %get3A_2138 = vector.shape_cast %get3A_2137 : vector<16xi32> to vector<16xi32>
      %dma_start3A_2139 = arith.constant 1 : i32
      %dma_start3A_2140 = arith.constant 1 : i32
      %dma_start3A_2141 = arith.constant 0 : i32
      %dma_start3A_2142 = arith.constant 0 : i32
      %dma_start3A_2143 = tpu.memref_slice %arg6[%dma_start3A_2139, %dma_start3A_2141, %dma_start3A_2142] : memref<3x320x64xf32, #tpu.memory_space<vmem>> -> memref<1x320x64xf32, #tpu.memory_space<vmem>>
      %dma_start3A_2144 = tpu.memref_squeeze %dma_start3A_2143 : memref<1x320x64xf32, #tpu.memory_space<vmem>> -> memref<320x64xf32, #tpu.memory_space<vmem>>
      %dma_start3A_2145 = arith.constant 256 : i32
      %dma_start3A_2146 = arith.constant 0 : i32
      %dma_start3A_2147 = tpu.memref_slice %dma_start3A_2144[%dma_start3A_2145, %dma_start3A_2146] : memref<320x64xf32, #tpu.memory_space<vmem>> -> memref<16x64xf32, #tpu.memory_space<vmem>>
      %dma_start3A_2148 = arith.constant 0 : i32
      %dma_start3A_2149 = arith.constant 0 : i32
      %dma_start3A_2150 = tpu.memref_slice %arg3[%dma_start3A_2148, %dma_start3A_2149] : memref<1000000x64xf32, #tpu.memory_space<hbm>> -> memref<1000000x64xf32, #tpu.memory_space<hbm>>
      %dma_start3A_2151 = tpu.memref_slice %arg7[%dma_start3A_2140] : memref<3x!tpu.dma_semaphore, #tpu.memory_space<semaphore_mem>> -> memref<1x!tpu.dma_semaphore, #tpu.memory_space<semaphore_mem>>
      %dma_start3A_2152 = tpu.memref_squeeze %dma_start3A_2151 : memref<1x!tpu.dma_semaphore, #tpu.memory_space<semaphore_mem>> -> memref<!tpu.dma_semaphore, #tpu.memory_space<semaphore_mem>>
      tpu.enqueue_indirect_dma source(%dma_start3A_2150 : memref<1000000x64xf32, #tpu.memory_space<hbm>>) target(%dma_start3A_2147 : memref<16x64xf32, #tpu.memory_space<vmem>>) offsets(%get3A_2138 : vector<16xi32>) semaphore(%dma_start3A_2152 : memref<!tpu.dma_semaphore, #tpu.memory_space<semaphore_mem>>)
      %mul3A_2153 = arith.constant 320 : i32
      %mul3A_2154 = arith.muli %add3A_1753, %mul3A_2153 : i32
      %add3A_2155 = arith.constant 272 : i32
      %add3A_2156 = arith.addi %mul3A_2154, %add3A_2155 : i32
      %get3A_2157 = arith.index_cast %add3A_2156 : i32 to index
      %get3A_2158 = tpu.vector_load %arg5[%get3A_2157] {strides = array<i32>} : memref<25600xi32, #tpu.memory_space<vmem>>, vector<16xi32>,
      %get3A_2159 = vector.shape_cast %get3A_2158 : vector<16xi32> to vector<16xi32>
      %dma_start3A_2160 = arith.constant 1 : i32
      %dma_start3A_2161 = arith.constant 1 : i32
      %dma_start3A_2162 = arith.constant 0 : i32
      %dma_start3A_2163 = arith.constant 0 : i32
      %dma_start3A_2164 = tpu.memref_slice %arg6[%dma_start3A_2160, %dma_start3A_2162, %dma_start3A_2163] : memref<3x320x64xf32, #tpu.memory_space<vmem>> -> memref<1x320x64xf32, #tpu.memory_space<vmem>>
      %dma_start3A_2165 = tpu.memref_squeeze %dma_start3A_2164 : memref<1x320x64xf32, #tpu.memory_space<vmem>> -> memref<320x64xf32, #tpu.memory_space<vmem>>
      %dma_start3A_2166 = arith.constant 272 : i32
      %dma_start3A_2167 = arith.constant 0 : i32
      %dma_start3A_2168 = tpu.memref_slice %dma_start3A_2165[%dma_start3A_2166, %dma_start3A_2167] : memref<320x64xf32, #tpu.memory_space<vmem>> -> memref<16x64xf32, #tpu.memory_space<vmem>>
      %dma_start3A_2169 = arith.constant 0 : i32
      %dma_start3A_2170 = arith.constant 0 : i32
      %dma_start3A_2171 = tpu.memref_slice %arg3[%dma_start3A_2169, %dma_start3A_2170] : memref<1000000x64xf32, #tpu.memory_space<hbm>> -> memref<1000000x64xf32, #tpu.memory_space<hbm>>
      %dma_start3A_2172 = tpu.memref_slice %arg7[%dma_start3A_2161] : memref<3x!tpu.dma_semaphore, #tpu.memory_space<semaphore_mem>> -> memref<1x!tpu.dma_semaphore, #tpu.memory_space<semaphore_mem>>
      %dma_start3A_2173 = tpu.memref_squeeze %dma_start3A_2172 : memref<1x!tpu.dma_semaphore, #tpu.memory_space<semaphore_mem>> -> memref<!tpu.dma_semaphore, #tpu.memory_space<semaphore_mem>>
      tpu.enqueue_indirect_dma source(%dma_start3A_2171 : memref<1000000x64xf32, #tpu.memory_space<hbm>>) target(%dma_start3A_2168 : memref<16x64xf32, #tpu.memory_space<vmem>>) offsets(%get3A_2159 : vector<16xi32>) semaphore(%dma_start3A_2173 : memref<!tpu.dma_semaphore, #tpu.memory_space<semaphore_mem>>)
      %mul3A_2174 = arith.constant 320 : i32
      %mul3A_2175 = arith.muli %add3A_1753, %mul3A_2174 : i32
      %add3A_2176 = arith.constant 288 : i32
      %add3A_2177 = arith.addi %mul3A_2175, %add3A_2176 : i32
      %get3A_2178 = arith.index_cast %add3A_2177 : i32 to index
      %get3A_2179 = tpu.vector_load %arg5[%get3A_2178] {strides = array<i32>} : memref<25600xi32, #tpu.memory_space<vmem>>, vector<16xi32>,
      %get3A_2180 = vector.shape_cast %get3A_2179 : vector<16xi32> to vector<16xi32>
      %dma_start3A_2181 = arith.constant 1 : i32
      %dma_start3A_2182 = arith.constant 1 : i32
      %dma_start3A_2183 = arith.constant 0 : i32
      %dma_start3A_2184 = arith.constant 0 : i32
      %dma_start3A_2185 = tpu.memref_slice %arg6[%dma_start3A_2181, %dma_start3A_2183, %dma_start3A_2184] : memref<3x320x64xf32, #tpu.memory_space<vmem>> -> memref<1x320x64xf32, #tpu.memory_space<vmem>>
      %dma_start3A_2186 = tpu.memref_squeeze %dma_start3A_2185 : memref<1x320x64xf32, #tpu.memory_space<vmem>> -> memref<320x64xf32, #tpu.memory_space<vmem>>
      %dma_start3A_2187 = arith.constant 288 : i32
      %dma_start3A_2188 = arith.constant 0 : i32
      %dma_start3A_2189 = tpu.memref_slice %dma_start3A_2186[%dma_start3A_2187, %dma_start3A_2188] : memref<320x64xf32, #tpu.memory_space<vmem>> -> memref<16x64xf32, #tpu.memory_space<vmem>>
      %dma_start3A_2190 = arith.constant 0 : i32
      %dma_start3A_2191 = arith.constant 0 : i32
      %dma_start3A_2192 = tpu.memref_slice %arg3[%dma_start3A_2190, %dma_start3A_2191] : memref<1000000x64xf32, #tpu.memory_space<hbm>> -> memref<1000000x64xf32, #tpu.memory_space<hbm>>
      %dma_start3A_2193 = tpu.memref_slice %arg7[%dma_start3A_2182] : memref<3x!tpu.dma_semaphore, #tpu.memory_space<semaphore_mem>> -> memref<1x!tpu.dma_semaphore, #tpu.memory_space<semaphore_mem>>
      %dma_start3A_2194 = tpu.memref_squeeze %dma_start3A_2193 : memref<1x!tpu.dma_semaphore, #tpu.memory_space<semaphore_mem>> -> memref<!tpu.dma_semaphore, #tpu.memory_space<semaphore_mem>>
      tpu.enqueue_indirect_dma source(%dma_start3A_2192 : memref<1000000x64xf32, #tpu.memory_space<hbm>>) target(%dma_start3A_2189 : memref<16x64xf32, #tpu.memory_space<vmem>>) offsets(%get3A_2180 : vector<16xi32>) semaphore(%dma_start3A_2194 : memref<!tpu.dma_semaphore, #tpu.memory_space<semaphore_mem>>)
      %mul3A_2195 = arith.constant 320 : i32
      %mul3A_2196 = arith.muli %add3A_1753, %mul3A_2195 : i32
      %add3A_2197 = arith.constant 304 : i32
      %add3A_2198 = arith.addi %mul3A_2196, %add3A_2197 : i32
      %get3A_2199 = arith.index_cast %add3A_2198 : i32 to index
      %get3A_2200 = tpu.vector_load %arg5[%get3A_2199] {strides = array<i32>} : memref<25600xi32, #tpu.memory_space<vmem>>, vector<16xi32>,
      %get3A_2201 = vector.shape_cast %get3A_2200 : vector<16xi32> to vector<16xi32>
      %dma_start3A_2202 = arith.constant 1 : i32
      %dma_start3A_2203 = arith.constant 1 : i32
      %dma_start3A_2204 = arith.constant 0 : i32
      %dma_start3A_2205 = arith.constant 0 : i32
      %dma_start3A_2206 = tpu.memref_slice %arg6[%dma_start3A_2202, %dma_start3A_2204, %dma_start3A_2205] : memref<3x320x64xf32, #tpu.memory_space<vmem>> -> memref<1x320x64xf32, #tpu.memory_space<vmem>>
      %dma_start3A_2207 = tpu.memref_squeeze %dma_start3A_2206 : memref<1x320x64xf32, #tpu.memory_space<vmem>> -> memref<320x64xf32, #tpu.memory_space<vmem>>
      %dma_start3A_2208 = arith.constant 304 : i32
      %dma_start3A_2209 = arith.constant 0 : i32
      %dma_start3A_2210 = tpu.memref_slice %dma_start3A_2207[%dma_start3A_2208, %dma_start3A_2209] : memref<320x64xf32, #tpu.memory_space<vmem>> -> memref<16x64xf32, #tpu.memory_space<vmem>>
      %dma_start3A_2211 = arith.constant 0 : i32
      %dma_start3A_2212 = arith.constant 0 : i32
      %dma_start3A_2213 = tpu.memref_slice %arg3[%dma_start3A_2211, %dma_start3A_2212] : memref<1000000x64xf32, #tpu.memory_space<hbm>> -> memref<1000000x64xf32, #tpu.memory_space<hbm>>
      %dma_start3A_2214 = tpu.memref_slice %arg7[%dma_start3A_2203] : memref<3x!tpu.dma_semaphore, #tpu.memory_space<semaphore_mem>> -> memref<1x!tpu.dma_semaphore, #tpu.memory_space<semaphore_mem>>
      %dma_start3A_2215 = tpu.memref_squeeze %dma_start3A_2214 : memref<1x!tpu.dma_semaphore, #tpu.memory_space<semaphore_mem>> -> memref<!tpu.dma_semaphore, #tpu.memory_space<semaphore_mem>>
      tpu.enqueue_indirect_dma source(%dma_start3A_2213 : memref<1000000x64xf32, #tpu.memory_space<hbm>>) target(%dma_start3A_2210 : memref<16x64xf32, #tpu.memory_space<vmem>>) offsets(%get3A_2201 : vector<16xi32>) semaphore(%dma_start3A_2215 : memref<!tpu.dma_semaphore, #tpu.memory_space<semaphore_mem>>)
    }
    %scan3A_684 = arith.constant 26 : i32
    %dma_wait3A = arith.constant 0 : i32
    %dma_wait3A_685 = arith.constant 0 : i32
    %dma_wait3A_686 = arith.constant 0 : i32
    %dma_wait3A_687 = arith.constant 0 : i32
    %dma_wait3A_688 = tpu.memref_slice %arg6[%dma_wait3A, %dma_wait3A_686, %dma_wait3A_687] : memref<3x320x64xf32, #tpu.memory_space<vmem>> -> memref<1x320x64xf32, #tpu.memory_space<vmem>>
    %dma_wait3A_689 = tpu.memref_squeeze %dma_wait3A_688 : memref<1x320x64xf32, #tpu.memory_space<vmem>> -> memref<320x64xf32, #tpu.memory_space<vmem>>
    %dma_wait3A_690 = arith.constant 0 : i32
    %dma_wait3A_691 = arith.constant 0 : i32
    %dma_wait3A_692 = tpu.memref_slice %arg3[%dma_wait3A_690, %dma_wait3A_691] : memref<1000000x64xf32, #tpu.memory_space<hbm>> -> memref<320x64xf32, #tpu.memory_space<hbm>>
    %dma_wait3A_693 = tpu.memref_slice %arg7[%dma_wait3A_685] : memref<3x!tpu.dma_semaphore, #tpu.memory_space<semaphore_mem>> -> memref<1x!tpu.dma_semaphore, #tpu.memory_space<semaphore_mem>>
    %dma_wait3A_694 = tpu.memref_squeeze %dma_wait3A_693 : memref<1x!tpu.dma_semaphore, #tpu.memory_space<semaphore_mem>> -> memref<!tpu.dma_semaphore, #tpu.memory_space<semaphore_mem>>
    %dma_wait3A_695 = arith.constant 0 : i32
    %dma_wait3A_696 = arith.constant 0 : i32
    %dma_wait3A_697 = tpu.memref_slice %arg6[%dma_wait3A, %dma_wait3A_695, %dma_wait3A_696] : memref<3x320x64xf32, #tpu.memory_space<vmem>> -> memref<1x320x64xf32, #tpu.memory_space<vmem>>
    %dma_wait3A_698 = tpu.memref_squeeze %dma_wait3A_697 : memref<1x320x64xf32, #tpu.memory_space<vmem>> -> memref<320x64xf32, #tpu.memory_space<vmem>>
    %dma_wait3A_699 = arith.constant 0 : i32
    %dma_wait3A_700 = arith.constant 0 : i32
    %dma_wait3A_701 = tpu.memref_slice %arg3[%dma_wait3A_699, %dma_wait3A_700] : memref<1000000x64xf32, #tpu.memory_space<hbm>> -> memref<320x64xf32, #tpu.memory_space<hbm>>
    tpu.wait_dma2 semaphore(%dma_wait3A_694 : memref<!tpu.dma_semaphore, #tpu.memory_space<semaphore_mem>>) src(%dma_wait3A_701 : memref<320x64xf32, #tpu.memory_space<hbm>>) dst(%dma_wait3A_698 : memref<320x64xf32, #tpu.memory_space<vmem>>)
    %add3A_702 = arith.constant 24960 : i32
    %add3A_703 = arith.addi %mul3A_2, %add3A_702 : i32
    %dma_start3A_704 = arith.constant 0 : i32
    %dma_start3A_705 = arith.constant 0 : i32
    %dma_start3A_706 = arith.constant 0 : i32
    %dma_start3A_707 = arith.constant 0 : i32
    %dma_start3A_708 = tpu.memref_slice %arg6[%dma_start3A_704, %dma_start3A_706, %dma_start3A_707] : memref<3x320x64xf32, #tpu.memory_space<vmem>> -> memref<1x320x64xf32, #tpu.memory_space<vmem>>
    %dma_start3A_709 = tpu.memref_squeeze %dma_start3A_708 : memref<1x320x64xf32, #tpu.memory_space<vmem>> -> memref<320x64xf32, #tpu.memory_space<vmem>>
    %dma_start3A_710 = arith.constant 0 : i32
    %dma_start3A_711 = tpu.memref_slice %arg4[%add3A_703, %dma_start3A_710] : memref<819200x64xf32, #tpu.memory_space<hbm>> -> memref<320x64xf32, #tpu.memory_space<hbm>>
    %dma_start3A_712 = tpu.memref_slice %arg8[%dma_start3A_705] : memref<3x!tpu.dma_semaphore, #tpu.memory_space<semaphore_mem>> -> memref<1x!tpu.dma_semaphore, #tpu.memory_space<semaphore_mem>>
    %dma_start3A_713 = tpu.memref_squeeze %dma_start3A_712 : memref<1x!tpu.dma_semaphore, #tpu.memory_space<semaphore_mem>> -> memref<!tpu.dma_semaphore, #tpu.memory_space<semaphore_mem>>
    %dma_start3A_714 = arith.constant 0 : i32
    %dma_start3A_715 = tpu.memref_slice %arg4[%add3A_703, %dma_start3A_714] : memref<819200x64xf32, #tpu.memory_space<hbm>> -> memref<320x64xf32, #tpu.memory_space<hbm>>
    %dma_start3A_716 = arith.constant 0 : i32
    %dma_start3A_717 = arith.constant 0 : i32
    %dma_start3A_718 = tpu.memref_slice %arg6[%dma_start3A_704, %dma_start3A_716, %dma_start3A_717] : memref<3x320x64xf32, #tpu.memory_space<vmem>> -> memref<1x320x64xf32, #tpu.memory_space<vmem>>
    %dma_start3A_719 = tpu.memref_squeeze %dma_start3A_718 : memref<1x320x64xf32, #tpu.memory_space<vmem>> -> memref<320x64xf32, #tpu.memory_space<vmem>>
    tpu.enqueue_dma source(%dma_start3A_719 : memref<320x64xf32, #tpu.memory_space<vmem>>) target(%dma_start3A_715 : memref<320x64xf32, #tpu.memory_space<hbm>>) target_semaphore(%dma_start3A_713 : memref<!tpu.dma_semaphore, #tpu.memory_space<semaphore_mem>>)
    %dma_wait3A_720 = arith.constant 1 : i32
    %dma_wait3A_721 = arith.constant 1 : i32
    %dma_wait3A_722 = arith.constant 0 : i32
    %dma_wait3A_723 = arith.constant 0 : i32
    %dma_wait3A_724 = tpu.memref_slice %arg6[%dma_wait3A_720, %dma_wait3A_722, %dma_wait3A_723] : memref<3x320x64xf32, #tpu.memory_space<vmem>> -> memref<1x320x64xf32, #tpu.memory_space<vmem>>
    %dma_wait3A_725 = tpu.memref_squeeze %dma_wait3A_724 : memref<1x320x64xf32, #tpu.memory_space<vmem>> -> memref<320x64xf32, #tpu.memory_space<vmem>>
    %dma_wait3A_726 = arith.constant 0 : i32
    %dma_wait3A_727 = arith.constant 0 : i32
    %dma_wait3A_728 = tpu.memref_slice %arg3[%dma_wait3A_726, %dma_wait3A_727] : memref<1000000x64xf32, #tpu.memory_space<hbm>> -> memref<320x64xf32, #tpu.memory_space<hbm>>
    %dma_wait3A_729 = tpu.memref_slice %arg7[%dma_wait3A_721] : memref<3x!tpu.dma_semaphore, #tpu.memory_space<semaphore_mem>> -> memref<1x!tpu.dma_semaphore, #tpu.memory_space<semaphore_mem>>
    %dma_wait3A_730 = tpu.memref_squeeze %dma_wait3A_729 : memref<1x!tpu.dma_semaphore, #tpu.memory_space<semaphore_mem>> -> memref<!tpu.dma_semaphore, #tpu.memory_space<semaphore_mem>>
    %dma_wait3A_731 = arith.constant 0 : i32
    %dma_wait3A_732 = arith.constant 0 : i32
    %dma_wait3A_733 = tpu.memref_slice %arg6[%dma_wait3A_720, %dma_wait3A_731, %dma_wait3A_732] : memref<3x320x64xf32, #tpu.memory_space<vmem>> -> memref<1x320x64xf32, #tpu.memory_space<vmem>>
    %dma_wait3A_734 = tpu.memref_squeeze %dma_wait3A_733 : memref<1x320x64xf32, #tpu.memory_space<vmem>> -> memref<320x64xf32, #tpu.memory_space<vmem>>
    %dma_wait3A_735 = arith.constant 0 : i32
    %dma_wait3A_736 = arith.constant 0 : i32
    %dma_wait3A_737 = tpu.memref_slice %arg3[%dma_wait3A_735, %dma_wait3A_736] : memref<1000000x64xf32, #tpu.memory_space<hbm>> -> memref<320x64xf32, #tpu.memory_space<hbm>>
    tpu.wait_dma2 semaphore(%dma_wait3A_730 : memref<!tpu.dma_semaphore, #tpu.memory_space<semaphore_mem>>) src(%dma_wait3A_737 : memref<320x64xf32, #tpu.memory_space<hbm>>) dst(%dma_wait3A_734 : memref<320x64xf32, #tpu.memory_space<vmem>>)
    %add3A_738 = arith.constant 25280 : i32
    %add3A_739 = arith.addi %mul3A_2, %add3A_738 : i32
    %dma_start3A_740 = arith.constant 1 : i32
    %dma_start3A_741 = arith.constant 1 : i32
    %dma_start3A_742 = arith.constant 0 : i32
    %dma_start3A_743 = arith.constant 0 : i32
    %dma_start3A_744 = tpu.memref_slice %arg6[%dma_start3A_740, %dma_start3A_742, %dma_start3A_743] : memref<3x320x64xf32, #tpu.memory_space<vmem>> -> memref<1x320x64xf32, #tpu.memory_space<vmem>>
    %dma_start3A_745 = tpu.memref_squeeze %dma_start3A_744 : memref<1x320x64xf32, #tpu.memory_space<vmem>> -> memref<320x64xf32, #tpu.memory_space<vmem>>
    %dma_start3A_746 = arith.constant 0 : i32
    %dma_start3A_747 = tpu.memref_slice %arg4[%add3A_739, %dma_start3A_746] : memref<819200x64xf32, #tpu.memory_space<hbm>> -> memref<320x64xf32, #tpu.memory_space<hbm>>
    %dma_start3A_748 = tpu.memref_slice %arg8[%dma_start3A_741] : memref<3x!tpu.dma_semaphore, #tpu.memory_space<semaphore_mem>> -> memref<1x!tpu.dma_semaphore, #tpu.memory_space<semaphore_mem>>
    %dma_start3A_749 = tpu.memref_squeeze %dma_start3A_748 : memref<1x!tpu.dma_semaphore, #tpu.memory_space<semaphore_mem>> -> memref<!tpu.dma_semaphore, #tpu.memory_space<semaphore_mem>>
    %dma_start3A_750 = arith.constant 0 : i32
    %dma_start3A_751 = tpu.memref_slice %arg4[%add3A_739, %dma_start3A_750] : memref<819200x64xf32, #tpu.memory_space<hbm>> -> memref<320x64xf32, #tpu.memory_space<hbm>>
    %dma_start3A_752 = arith.constant 0 : i32
    %dma_start3A_753 = arith.constant 0 : i32
    %dma_start3A_754 = tpu.memref_slice %arg6[%dma_start3A_740, %dma_start3A_752, %dma_start3A_753] : memref<3x320x64xf32, #tpu.memory_space<vmem>> -> memref<1x320x64xf32, #tpu.memory_space<vmem>>
    %dma_start3A_755 = tpu.memref_squeeze %dma_start3A_754 : memref<1x320x64xf32, #tpu.memory_space<vmem>> -> memref<320x64xf32, #tpu.memory_space<vmem>>
    tpu.enqueue_dma source(%dma_start3A_755 : memref<320x64xf32, #tpu.memory_space<vmem>>) target(%dma_start3A_751 : memref<320x64xf32, #tpu.memory_space<hbm>>) target_semaphore(%dma_start3A_749 : memref<!tpu.dma_semaphore, #tpu.memory_space<semaphore_mem>>)
    %add3A_756 = arith.constant 24640 : i32
    %add3A_757 = arith.addi %mul3A_2, %add3A_756 : i32
    %dma_wait3A_758 = arith.constant 2 : i32
    %dma_wait3A_759 = arith.constant 2 : i32
    %dma_wait3A_760 = arith.constant 0 : i32
    %dma_wait3A_761 = arith.constant 0 : i32
    %dma_wait3A_762 = tpu.memref_slice %arg6[%dma_wait3A_758, %dma_wait3A_760, %dma_wait3A_761] : memref<3x320x64xf32, #tpu.memory_space<vmem>> -> memref<1x320x64xf32, #tpu.memory_space<vmem>>
    %dma_wait3A_763 = tpu.memref_squeeze %dma_wait3A_762 : memref<1x320x64xf32, #tpu.memory_space<vmem>> -> memref<320x64xf32, #tpu.memory_space<vmem>>
    %dma_wait3A_764 = arith.constant 0 : i32
    %dma_wait3A_765 = tpu.memref_slice %arg4[%add3A_757, %dma_wait3A_764] : memref<819200x64xf32, #tpu.memory_space<hbm>> -> memref<320x64xf32, #tpu.memory_space<hbm>>
    %dma_wait3A_766 = tpu.memref_slice %arg8[%dma_wait3A_759] : memref<3x!tpu.dma_semaphore, #tpu.memory_space<semaphore_mem>> -> memref<1x!tpu.dma_semaphore, #tpu.memory_space<semaphore_mem>>
    %dma_wait3A_767 = tpu.memref_squeeze %dma_wait3A_766 : memref<1x!tpu.dma_semaphore, #tpu.memory_space<semaphore_mem>> -> memref<!tpu.dma_semaphore, #tpu.memory_space<semaphore_mem>>
    %dma_wait3A_768 = arith.constant 0 : i32
    %dma_wait3A_769 = tpu.memref_slice %arg4[%add3A_757, %dma_wait3A_768] : memref<819200x64xf32, #tpu.memory_space<hbm>> -> memref<320x64xf32, #tpu.memory_space<hbm>>
    %dma_wait3A_770 = arith.constant 0 : i32
    %dma_wait3A_771 = arith.constant 0 : i32
    %dma_wait3A_772 = tpu.memref_slice %arg6[%dma_wait3A_758, %dma_wait3A_770, %dma_wait3A_771] : memref<3x320x64xf32, #tpu.memory_space<vmem>> -> memref<1x320x64xf32, #tpu.memory_space<vmem>>
    %dma_wait3A_773 = tpu.memref_squeeze %dma_wait3A_772 : memref<1x320x64xf32, #tpu.memory_space<vmem>> -> memref<320x64xf32, #tpu.memory_space<vmem>>
    tpu.wait_dma2 semaphore(%dma_wait3A_767 : memref<!tpu.dma_semaphore, #tpu.memory_space<semaphore_mem>>) src(%dma_wait3A_773 : memref<320x64xf32, #tpu.memory_space<vmem>>) dst(%dma_wait3A_769 : memref<320x64xf32, #tpu.memory_space<hbm>>)
    %add3A_774 = arith.constant 24960 : i32
    %add3A_775 = arith.addi %mul3A_2, %add3A_774 : i32
    %dma_wait3A_776 = arith.constant 0 : i32
    %dma_wait3A_777 = arith.constant 0 : i32
    %dma_wait3A_778 = arith.constant 0 : i32
    %dma_wait3A_779 = arith.constant 0 : i32
    %dma_wait3A_780 = tpu.memref_slice %arg6[%dma_wait3A_776, %dma_wait3A_778, %dma_wait3A_779] : memref<3x320x64xf32, #tpu.memory_space<vmem>> -> memref<1x320x64xf32, #tpu.memory_space<vmem>>
    %dma_wait3A_781 = tpu.memref_squeeze %dma_wait3A_780 : memref<1x320x64xf32, #tpu.memory_space<vmem>> -> memref<320x64xf32, #tpu.memory_space<vmem>>
    %dma_wait3A_782 = arith.constant 0 : i32
    %dma_wait3A_783 = tpu.memref_slice %arg4[%add3A_775, %dma_wait3A_782] : memref<819200x64xf32, #tpu.memory_space<hbm>> -> memref<320x64xf32, #tpu.memory_space<hbm>>
    %dma_wait3A_784 = tpu.memref_slice %arg8[%dma_wait3A_777] : memref<3x!tpu.dma_semaphore, #tpu.memory_space<semaphore_mem>> -> memref<1x!tpu.dma_semaphore, #tpu.memory_space<semaphore_mem>>
    %dma_wait3A_785 = tpu.memref_squeeze %dma_wait3A_784 : memref<1x!tpu.dma_semaphore, #tpu.memory_space<semaphore_mem>> -> memref<!tpu.dma_semaphore, #tpu.memory_space<semaphore_mem>>
    %dma_wait3A_786 = arith.constant 0 : i32
    %dma_wait3A_787 = tpu.memref_slice %arg4[%add3A_775, %dma_wait3A_786] : memref<819200x64xf32, #tpu.memory_space<hbm>> -> memref<320x64xf32, #tpu.memory_space<hbm>>
    %dma_wait3A_788 = arith.constant 0 : i32
    %dma_wait3A_789 = arith.constant 0 : i32
    %dma_wait3A_790 = tpu.memref_slice %arg6[%dma_wait3A_776, %dma_wait3A_788, %dma_wait3A_789] : memref<3x320x64xf32, #tpu.memory_space<vmem>> -> memref<1x320x64xf32, #tpu.memory_space<vmem>>
    %dma_wait3A_791 = tpu.memref_squeeze %dma_wait3A_790 : memref<1x320x64xf32, #tpu.memory_space<vmem>> -> memref<320x64xf32, #tpu.memory_space<vmem>>
    tpu.wait_dma2 semaphore(%dma_wait3A_785 : memref<!tpu.dma_semaphore, #tpu.memory_space<semaphore_mem>>) src(%dma_wait3A_791 : memref<320x64xf32, #tpu.memory_space<vmem>>) dst(%dma_wait3A_787 : memref<320x64xf32, #tpu.memory_space<hbm>>)
    %add3A_792 = arith.constant 25280 : i32
    %add3A_793 = arith.addi %mul3A_2, %add3A_792 : i32
    %dma_wait3A_794 = arith.constant 1 : i32
    %dma_wait3A_795 = arith.constant 1 : i32
    %dma_wait3A_796 = arith.constant 0 : i32
    %dma_wait3A_797 = arith.constant 0 : i32
    %dma_wait3A_798 = tpu.memref_slice %arg6[%dma_wait3A_794, %dma_wait3A_796, %dma_wait3A_797] : memref<3x320x64xf32, #tpu.memory_space<vmem>> -> memref<1x320x64xf32, #tpu.memory_space<vmem>>
    %dma_wait3A_799 = tpu.memref_squeeze %dma_wait3A_798 : memref<1x320x64xf32, #tpu.memory_space<vmem>> -> memref<320x64xf32, #tpu.memory_space<vmem>>
    %dma_wait3A_800 = arith.constant 0 : i32
    %dma_wait3A_801 = tpu.memref_slice %arg4[%add3A_793, %dma_wait3A_800] : memref<819200x64xf32, #tpu.memory_space<hbm>> -> memref<320x64xf32, #tpu.memory_space<hbm>>
    %dma_wait3A_802 = tpu.memref_slice %arg8[%dma_wait3A_795] : memref<3x!tpu.dma_semaphore, #tpu.memory_space<semaphore_mem>> -> memref<1x!tpu.dma_semaphore, #tpu.memory_space<semaphore_mem>>
    %dma_wait3A_803 = tpu.memref_squeeze %dma_wait3A_802 : memref<1x!tpu.dma_semaphore, #tpu.memory_space<semaphore_mem>> -> memref<!tpu.dma_semaphore, #tpu.memory_space<semaphore_mem>>
    %dma_wait3A_804 = arith.constant 0 : i32
    %dma_wait3A_805 = tpu.memref_slice %arg4[%add3A_793, %dma_wait3A_804] : memref<819200x64xf32, #tpu.memory_space<hbm>> -> memref<320x64xf32, #tpu.memory_space<hbm>>
    %dma_wait3A_806 = arith.constant 0 : i32
    %dma_wait3A_807 = arith.constant 0 : i32
    %dma_wait3A_808 = tpu.memref_slice %arg6[%dma_wait3A_794, %dma_wait3A_806, %dma_wait3A_807] : memref<3x320x64xf32, #tpu.memory_space<vmem>> -> memref<1x320x64xf32, #tpu.memory_space<vmem>>
    %dma_wait3A_809 = tpu.memref_squeeze %dma_wait3A_808 : memref<1x320x64xf32, #tpu.memory_space<vmem>> -> memref<320x64xf32, #tpu.memory_space<vmem>>
    tpu.wait_dma2 semaphore(%dma_wait3A_803 : memref<!tpu.dma_semaphore, #tpu.memory_space<semaphore_mem>>) src(%dma_wait3A_809 : memref<320x64xf32, #tpu.memory_space<vmem>>) dst(%dma_wait3A_805 : memref<320x64xf32, #tpu.memory_space<hbm>>)
    return
  }
}

</mosaic_0001>

<sc_bundles>
// kernel: kernel.3.cloned.1.call-start
scs
__scs_entry_jumppad:
0x0: {  	(pc) =	sbr.rel $0x88, $3  }
0x1: {  	(tag) =	ssettag $0x0;
	lr =	simm.s32 $0x1  }
0x2: {  	[smem:$0x3F9F] =	sst lr;
	_ =	strace $0xD0000000  }
0x3: {  	_ = 	snop  }
0x4: {  	_ = 	snop  }
0x5: {  	_ = 	snop  }
0x6: {  	_ = 	snop  }
0x7: {  	_ = 	snop  }
__scs_overlays_trampoline_lowered:
0x8: {  	[smem:$0x3FAE] =	sst s0  }
0x9: {  	[smem:$0x3FAF] =	sst s1  }
0xa: {  	[smem:$0x3FB0] =	sst s2  }
0xb: {  	[smem:$0x3FB1] =	sst s3  }
0xc: {  	[smem:$0x3FB2] =	sst s4  }
0xd: {  	[smem:$0x3FB3] =	sst s5  }
0xe: {  	[smem:$0x3FB4] =	sst s6  }
0xf: {  	[smem:$0x3FB5] =	sst s7  }
0x10: {  	[smem:$0x3FB6] =	sst s8  }
0x11: {  	[smem:$0x3FB7] =	sst s9;
	s0 =	simm.s32 @!p0 $0x0  }
0x12: {  	s1 =	sld [smem:$0x3F9D];
	s0 =	simm.s32 @p0 $0x1  }
0x13: {  	[smem:$0x3FB8] =	sst s0;
	s0 =	simm.s32 @!p1 $0x0  }
0x14: {  	s2 =	sld [smem:$0x3F9C];
	s0 =	simm.s32 @p1 $0x1  }
0x15: {  	[smem:$0x3FB9] =	sst s0;
	s0 =	simm.s32 @!p2 $0x0  }
0x16: {  	s3 =	sld [smem:$0x3FDB];
	s0 =	simm.s32 @p2 $0x1  }
0x17: {  	s4 =	simm.s32 $0x1BF5;
	[smem:$0x3FBB] =	sst s0  }
0x18: {  	s0 =	sld [smem:$0x3F9E];
	_ =	swait.ge [sflag:s4], $0x0  }
0x19: {  	s7 =	sld [smem:$0x3F9F]  }
0x1a: {  	s8 =	sadd.s32 $0xFFFFE003, lr  }
0x1b: {  	s9 =	sadd.s32 $0xFFFFFEF7, lr;
	s5 =	simm.s32 $0xFFFFFFFF;
	p2 =	slt.u32 s8, $0xFFFFF086  }
0x1c: {  	p1 =	slt.u32 s9, $0xF7A;
	s5 =	simm.s32 @!p2 $0x0  }
0x1d: {  	s5 =	simm.s32 @p1 $0x1;
	p0 =	seq.s32 s7, s2  }
0x1e: {  	s7 =	smul.u32 @!p0 $0xF7A, s2;
	p2 =	seq.s32 @!p0 s5, $0x0  }
0x1f: {  	s9 =	smul.u32 $0xF7A, s1;
	s8 =	simm.s32 @!p0 $0x1BF5;
	p2 =	por !p2, p0  }
0x20: {  	[sflag:s8] =	ssyncset.s32 @!p0 $0xFFFFF086;
	s6 =	sadd.s32 @!p0 s3, s7;
	s7 =	simm.s32 @!p0 $0x108  }
0x21: {  	s3 =	sadd.s32 s3, s9;
	s6 =	sadd.s32 @!p0 $0x88, s6;
	s7 =	simm.s32 @p2 $0x1082  }
0x22: {  	[simem:s7], [sflag:s8] =	dma.local @!p0 [hbm:s6], $0xF7A  }
0x23: {  	s9 =	sor.u32 $0xD0000000, s2;
	s6 =	simm.s32 $0x108;
	_ =	swait.ge @!p0 [sflag:s8], $0x0  }
0x24: {  	s3 =	sadd.s32 $0x88, s3;
	s6 =	simm.s32 @!p1 $0x1082;
	[sflag:s4] =	ssyncset.s32 $0xFFFFF086  }
0x25: {  	[simem:s6], [sflag:s4] =	dma.local [hbm:s3], $0xF7A  }
0x26: {  	[smem:$0x3F9F] =	sst s1;
	(tag) =	ssettag s2;
	_ =	strace s9  }
0x27: {  	s1 =	sld [smem:$0x3FAF]  }
0x28: {  	s2 =	sld [smem:$0x3FB0]  }
0x29: {  	s4 =	sld [smem:$0x3FB2]  }
0x2a: {  	p0 =	seq.s32 s5, $0x0;
	s5 =	sld [smem:$0x3FB3]  }
0x2b: {  	s6 =	sld [smem:$0x3FB4]  }
0x2c: {  	s7 =	sld [smem:$0x3FB5]  }
0x2d: {  	s3 =	simm.s32 $0x108;
	s8 =	sld [smem:$0x3FB6]  }
0x2e: {  	s3 =	simm.s32 @!p0 $0x1082;
	s9 =	sld [smem:$0x3FB7]  }
0x2f: {  	lr =	sadd.s32 s0, s3;
	s0 =	sld [smem:$0x3FAE]  }
0x30: {  	s3 =	sld [smem:$0x3FB1]  }
0x31: {  	[smem:$0x3FBA] =	sst s10  }
0x32: {  	s10 =	sld [smem:$0x3FB8];
	_ =	sdelay $0x3  }
0x33: {  	p0 =	seq.s32 s10, $0x1;
	s10 =	sld [smem:$0x3FBA];
	_ =	sdelay $0x3  }
0x34: {  	[smem:$0x3FBA] =	sst s10  }
0x35: {  	s10 =	sld [smem:$0x3FB9];
	_ =	sdelay $0x3  }
0x36: {  	p1 =	seq.s32 s10, $0x1;
	s10 =	sld [smem:$0x3FBA];
	_ =	sdelay $0x3  }
0x37: {  	[smem:$0x3FBA] =	sst s10  }
0x38: {  	s10 =	sld [smem:$0x3FBB]  }
0x39: {  	_ = 	snop;
	(pc) =	sbr.ind lr, $3  }
0x3a: {  	_ = 	snop  }
0x3b: {  	_ = 	snop  }
0x3c: {  	p2 =	seq.s32 s10, $0x1;
	s10 =	sld [smem:$0x3FBA]  }
0x3d: {  	_ =	shalt  }
0x3e: {  	_ =	shalt  }
0x3f: {  	_ =	shalt  }
0x40: {  	_ =	shalt  }
0x41: {  	_ =	shalt  }
0x42: {  	_ =	shalt  }
0x43: {  	_ =	shalt  }
0x44: {  	_ =	shalt  }
0x45: {  	_ =	shalt  }
0x46: {  	_ =	shalt  }
0x47: {  	_ =	shalt  }
0x48: {  	_ =	shalt  }
0x49: {  	_ =	shalt  }
0x4a: {  	_ =	shalt  }
0x4b: {  	_ =	shalt  }
0x4c: {  	_ =	shalt  }
0x4d: {  	_ =	shalt  }
0x4e: {  	_ =	shalt  }
0x4f: {  	_ =	shalt  }
0x50: {  	_ =	shalt  }
0x51: {  	_ =	shalt  }
0x52: {  	_ =	shalt  }
0x53: {  	_ =	shalt  }
0x54: {  	_ =	shalt  }
0x55: {  	_ =	shalt  }
0x56: {  	_ =	shalt  }
0x57: {  	_ =	shalt  }
0x58: {  	_ =	shalt  }
0x59: {  	_ =	shalt  }
0x5a: {  	_ =	shalt  }
0x5b: {  	_ =	shalt  }
0x5c: {  	_ =	shalt  }
0x5d: {  	_ =	shalt  }
0x5e: {  	_ =	shalt  }
0x5f: {  	_ =	shalt  }
0x60: {  	_ =	shalt  }
0x61: {  	_ =	shalt  }
0x62: {  	_ =	shalt  }
0x63: {  	_ =	shalt  }
0x64: {  	_ =	shalt  }
0x65: {  	_ =	shalt  }
0x66: {  	_ =	shalt  }
0x67: {  	_ =	shalt  }
0x68: {  	_ =	shalt  }
0x69: {  	_ =	shalt  }
0x6a: {  	_ =	shalt  }
0x6b: {  	_ =	shalt  }
0x6c: {  	_ =	shalt  }
0x6d: {  	_ =	shalt  }
0x6e: {  	_ =	shalt  }
0x6f: {  	_ =	shalt  }
0x70: {  	_ =	shalt  }
0x71: {  	_ =	shalt  }
0x72: {  	_ =	shalt  }
0x73: {  	_ =	shalt  }
0x74: {  	_ =	shalt  }
0x75: {  	_ =	shalt  }
0x76: {  	_ =	shalt  }
0x77: {  	_ =	shalt  }
0x78: {  	_ =	shalt  }
0x79: {  	_ =	shalt  }
0x7a: {  	_ =	shalt  }
0x7b: {  	_ =	shalt  }
0x7c: {  	_ =	shalt  }
0x7d: {  	_ =	shalt  }
0x7e: {  	_ =	shalt  }
0x7f: {  	_ =	shalt  }
0x80: {  	_ =	shalt  }
0x81: {  	_ =	shalt  }
0x82: {  	_ =	shalt  }
0x83: {  	_ =	shalt  }
0x84: {  	_ =	shalt  }
0x85: {  	_ =	shalt  }
0x86: {  	_ =	shalt  }
0x87: {  	_ =	shalt  }
.Lfunc_end0:
.L_simem_size_0:
called_computation.1_lowered:
.L_overlay_start_0:
0x88: {  	s2 =	sld [smem:$0x3FD9]  }
0x89: {  	s3 =	sld [smem:$0x3FFE];
	_ =	sdelay $0x1  }
0x8a: {  	s1 =	srdreg.scid  }
0x8b: {  	s0 =	sand.u32 $0x1, s1  }
0x8c: {  	s17 =	sshll.u32 s0, $0xA;
	s2 =	sadd.s32 s3, s2  }
0x8d: {  	s2 =	sadd.s32 s2, s17  }
0x8e: {  	[smem:$0x3FC6] =	sst s2  }
0x8f: {  	_ = 	snop  }
0x90: {  	s2 =	sld [smem:$0x3FD0];
	(tm) =	ssettm $0x1  }
0x91: {  	s18 =	sld [smem:$0x3FFB];
	_ =	sdelay $0x3  }
0x92: {  	_ =	strace s18  }
0x93: {  	s3 =	sld [smem:$0x3FFC];
	_ =	sdelay $0x3  }
0x94: {  	_ =	strace s3  }
0x95: {  	s3 =	sld [smem:$0x3FFD];
	_ =	sdelay $0x3  }
0x96: {  	_ =	strace s3  }
0x97: {  	_ =	strace $0x8FFFFFFF  }
0x98: {  	s19 =	sld [smem:$0x3FDB];
	_ =	sdelay $0x1  }
0x99: {  	s4 =	simm.s32 $_scs_section_size  }
0x9a: {  	s5 =	simm.s32 $_size__tile_overlayer_lowered;
	s6 =	simm.s32 $_tile_overlayer_lowered  }
0x9b: {  	s22 =	simm.s32 $0x1BFF;
	s21 =	sshll.u32 s6, $0x1;
	s3 =	sadd.s32 s4, s19  }
0x9c: {  	s7 =	simm.s32 $0x0;
	s20 =	sshll.u32 s5, $0x1;
	s5 =	sadd.s32 s21, s3  }
0x9d: {  	[timem:s7], [sflag:s22] =	dma.local [hbm:s5], s20  }
0x9e: {  	_ =	swait.ge [sflag:s22], s20  }
0x9f: {  	s4 =	ssub.s32 $0x0, s20;
	[sflag:s22] =	ssyncset.done $0x0  }
0xa0: {  	[sflag:s22] =	ssyncadd.s32 s4;
	_ =	sdelay $0x1  }
0xa1: {  	s23 =	simm.s32 $0x1B8B  }
0xa2: {  	_ =	swait.ge [sflag:s23], $0x1  }
0xa3: {  	[sflag:s23] =	ssyncset.done $0x0  }
0xa4: {  	s25 =	simm.s32 $0x1B8E;
	s24 =	sld [smem:$0x3FFE];
	[sflag:s23] =	ssyncadd.s32 $0xFFFFFFFF  }
0xa5: {  	s26 =	simm.s32 $execute0_lowered;
	[smem:$0x3FD2] =	sst s25  }
0xa6: {  	s5 =	sshll.u32 s26, $0x1;
	_ =	strace $0x80000046;
	[dreg:$0x1] =	wrdreg $0xFFFFFFFF  }
0xa7: {  	s28 =	simm.s32 $_size_execute0_lowered;
	s3 =	sadd.s32 s3, s5;
	[dreg:$0x0] =	wrdreg $0x0  }
0xa8: {  	s5 =	sshll.u32 s28, $0x1;
	[dreg:$0x2] =	wrdreg s3  }
0xa9: {  	[dreg:$0x3] =	wrdreg s5  }
0xaa: {  	[dreg:$0x4] =	wrdreg $0xC0  }
0xab: {  	_ =	task [dreg:s7], $0x5FFFF  }
0xac: {  	[dreg:$0x1] =	wrdreg $0xFFFFFFFF  }
0xad: {  	[dreg:$0x0] =	wrdreg $0x60  }
0xae: {  	[dreg:$0x2] =	wrdreg s24  }
0xaf: {  	[dreg:$0x3] =	wrdreg s2  }
0xb0: {  	[dreg:$0x4] =	wrdreg $0x9  }
0xb1: {  	_ =	task.clear_ibuf [dreg:s7], $0x5FFFF;
	_ =	strace $0x90000046  }
0xb2: {  	s29 =	simm.s32 $0x9;
	_ =	strace $0x80000048  }
0xb3: {  	_ =	swait.ge [sflag:s29], $0x1  }
0xb4: {  	[sflag:s29] =	ssyncadd.s32 $0xFFFFFFFF  }
0xb5: {  	_ =	strace $0x90000048  }
0xb6: {  	_ =	sfence  }
0xb7: {  	s30 =	sld [smem:$0x0];
	_ =	sdelay $0x2  }
0xb8: {  	s31 =	sshll.u32 s1, $0xD;
	s1 =	sshrl.u32 s1, $0x2  }
0xb9: {  	s3 =	sand.u32 $0x4000, s31;
	s1 =	sadd.s32 s1, s30  }
0xba: {  	s0 =	sor.u32 s3, s0;
	s1 =	sshll.u32 s1, $0x11  }
0xbb: {  	s0 =	sor.u32 s1, s0  }
0xbc: {  	s0 =	sadd.s32 $0x8F2B, s0  }
0xbd: {  	[sflag:s0] =	ssyncadd.remote.s32 $0x1  }
0xbe: {  	_ =	sfence.sel $0xFFFF  }
0xbf: {  	[dreg:$0x0] =	wrdreg $0xFFFFFFFF;
	(pc) =	sbr.abs _section_cstart, $3  }
0xc0: {  	[dreg:$0x1] =	wrdreg $0xFFFFFFFF  }
0xc1: {  	_ =	task.clear_ibuf [dreg:s7], $0x2FFFF;
	_ =	strace $0x9FFFFFFF  }
0xc2: {  	(tm) =	ssettm $0x7FFFFFFF  }
0xc3: {  	_ =	shalt  }
tec
execute0_lowered:
.L_overlay_start_1:
0x0: {  	(tag) =	ssettag $0x1  }
0x1: {  	s0 =	srdreg.scid;
	s1 =	rddreg [dreg:$0x0]  }
0x2: {  	s10 =	stileid.u32;
	s4 =	rddreg [dreg:$0x1];
	s11 =	simm.s32 $0x11000  }
0x3: {  	s12 =	simm.s32 $0x11400;
	s0 =	sand.u32 $0x1, s0;
	s2 =	sshll.u32 s10, $0x1  }
0x4: {  	s6 =	smul.u32 $0xC800, s10;
	s5 =	sor.u32 s0, s2;
	s2 =	simm.s32 $0x0  }
0x5: {  	s26 =	smul.u32 $0x64000, s10;
	s10 =	simm.s32 $0x10C00;
	[smem:$0x7FF] =	sst s2  }
0x6: {  	s13 =	simm.s32 $0x11800;
	_ =	strace $0x80000047;
	[dreg:$0x7] =	wrdreg s10  }
0x7: {  	s29 =	simm.s32 $0x6C00;
	s14 =	simm.s32 $0x11C00;
	[dreg:$0x8] =	wrdreg s11  }
0x8: {  	s15 =	simm.s32 $0x12000;
	s16 =	simm.s32 $0x12400;
	[dreg:$0x9] =	wrdreg s12  }
0x9: {  	s17 =	simm.s32 $0x12800;
	s18 =	simm.s32 $0x12C00;
	[dreg:$0xa] =	wrdreg s13  }
0xa: {  	s19 =	simm.s32 $0x13000;
	s20 =	simm.s32 $0x13400;
	[dreg:$0xb] =	wrdreg s14  }
0xb: {  	s21 =	simm.s32 $0x13800;
	s22 =	simm.s32 $0x13C00;
	[dreg:$0xc] =	wrdreg s15  }
0xc: {  	s23 =	simm.s32 $0x14000;
	s24 =	simm.s32 $0x14400;
	[dreg:$0xd] =	wrdreg s16  }
0xd: {  	s30 =	simm.s32 $0xB400;
	s7 =	smul.u32 $0x6400, s0;
	[dreg:$0xe] =	wrdreg s17  }
0xe: {  	s25 =	ssub.s32 $0x2, s0;
	s0 =	smul.u32 $0x32000, s0;
	[dreg:$0xf] =	wrdreg s18  }
0xf: {  	s31 =	simm.s32 $0xB800;
	s3 =	smul.u32 $0x6400, s5;
	[dreg:$0x10] =	wrdreg s19  }
0x10: {  	s9 =	sshrl.u32 s25, $0x1;
	s5 =	smul.u32 $0x190000, s5;
	[dreg:$0x11] =	wrdreg s20  }
0x11: {  	s6 =	sadd.s32 s7, s6;
	s7 =	sadd.s32 s26, s4;
	[dreg:$0x12] =	wrdreg s21  }
0x12: {  	s10 =	simm.s32 $0x8400;
	s11 =	simm.s32 $0x8800;
	[dreg:$0x13] =	wrdreg s22  }
0x13: {  	s12 =	simm.s32 $0x8C00;
	s13 =	simm.s32 $0x9000;
	[dreg:$0x14] =	wrdreg s23  }
0x14: {  	s14 =	simm.s32 $0x9400;
	s15 =	simm.s32 $0x9800;
	[dreg:$0x15] =	wrdreg s24  }
0x15: {  	s16 =	simm.s32 $0x9C00;
	s26 =	simm.s32 $0x14C00;
	s17 =	simm.s32 $0xA000  }
0x16: {  	s18 =	simm.s32 $0xA800;
	s19 =	simm.s32 $0xAC00;
	s20 =	simm.s32 $0xB000  }
0x17: {  	s21 =	simm.s32 $0x1;
	s22 =	simm.s32 $0x10400;
	s23 =	simm.s32 $0x2  }
0x18: {  	s24 =	simm.s32 $0x4;
	s3 =	sshrl.u32 s3, $0x3;
	s6 =	sshll.u32 s6, $0x3  }
0x19: {  	s5 =	sshrl.u32 s5, $0x3;
	s0 =	sadd.s32 s0, s7;
	s7 =	simm.s32 $0x7C00  }
0x1a: {  	[dreg:$0x17] =	wrdreg s26;
	s8 =	sadd.s32 s3, s1;
	s3 =	sadd.s32 $0xF42E00, s1  }
0x1b: {  	s1 =	ssub.s32 s25, s9;
	[dreg:$0x4] =	wrdreg s0;
	s9 =	simm.s32 $0x10800  }
0x1c: {  	s26 =	simm.s32 $0x5;
	s25 =	simm.s32 $0x14800;
	[dreg:$0x6] =	wrdreg s9  }
0x1d: {  	s6 =	sadd.s32 s6, s4;
	s8 =	sadd.s32 $0xA00, s8;
	[dreg:$0x16] =	wrdreg s25  }
0x1e: {  	s4 =	sadd.s32 s4, s5;
	s28 =	sadd.s32 $0xA00, s6;
	[dreg:$0x19] =	wrdreg s8  }
0x1f: {  	s0 =	simm.s32 $0xA400;
	s5 =	sadd.s32 $0x30C00, s4;
	[dreg:$0x3] =	wrdreg s28  }
0x20: {  	s4 =	sadd.s32 $0x31600, s4;
	s1 =	smax.u32 s1, $0x1;
	[dreg:$0x1a] =	wrdreg s5  }
0x21: {  	s9 =	simm.s32 $0x6400;
	s25 =	simm.s32 $0x3;
	[dreg:$0x1b] =	wrdreg s4  }
0x22: {  	s8 =	sadd.s32 $0x1400, s6;
	[dreg:$0x1c] =	wrdreg s1;
	s1 =	simm.s32 $0x6800  }
0x23: {  	s4 =	simm.s32 $0x7000;
	s28 =	simm.s32 $0x15000;
	[dreg:$0x5] =	wrdreg s8  }
0x24: {  	s5 =	simm.s32 $0x7400;
	[dreg:$0x18] =	wrdreg s28;
	s28 =	simm.s32 $0x0  }
0x25: {  	vm0 =	vmmov $0xffff;
	s6 =	simm.s32 $0x7800;
	s8 =	simm.s32 $0x8000;
	[dreg:$0x1d] =	wrdreg s28  }
.LBB2_1:
0x26: {  	s28 =	rddreg [dreg:$0x19]  }
0x27: {  	[tilespmem:s2], [sflag:$0x7] =	stream.linear.gather [hbm4b:s28+s2], $0x6400, $0x38;
	[tilespmem:$0x15400] =	vst v63  }
0x28: {  	s28 =	simm.s32 $0x7  }
0x29: {  	_ =	swait.ge [sflag:s28], $0x6400  }
0x2a: {  	[sflag:s28] =	ssyncset.done $0x0  }
0x2b: {  	[sflag:s28] =	ssyncadd.s32 $0xFFFF9C00  }
0x2c: {  	v0 =	vld [tilespmem:$0x0];
	_ =	sdelay $0x7  }
0x2d: {  	[tilespmem:s9], [sflag:$0x1] =	stream.indirect_vreg.gather [hbm4b:s3+s2], $0x40, v0, vm0, $0xb8;
	[tilespmem:$0x15400] =	vst v63  }
0x2e: {  	v0 =	vld [tilespmem:$0x10];
	_ =	sdelay $0x7  }
0x2f: {  	[tilespmem:s1], [sflag:$0x1] =	stream.indirect_vreg.gather [hbm4b:s3+s2], $0x40, v0, vm0, $0xb8;
	[tilespmem:$0x15400] =	vst v63  }
0x30: {  	v0 =	vld [tilespmem:$0x20];
	_ =	sdelay $0x7  }
0x31: {  	[tilespmem:s29], [sflag:$0x1] =	stream.indirect_vreg.gather [hbm4b:s3+s2], $0x40, v0, vm0, $0xb8;
	[tilespmem:$0x15400] =	vst v63  }
0x32: {  	v0 =	vld [tilespmem:$0x30];
	_ =	sdelay $0x7  }
0x33: {  	[tilespmem:s4], [sflag:$0x1] =	stream.indirect_vreg.gather [hbm4b:s3+s2], $0x40, v0, vm0, $0xb8;
	[tilespmem:$0x15400] =	vst v63  }
0x34: {  	v0 =	vld [tilespmem:$0x40];
	_ =	sdelay $0x7  }
0x35: {  	[tilespmem:s5], [sflag:$0x1] =	stream.indirect_vreg.gather [hbm4b:s3+s2], $0x40, v0, vm0, $0xb8;
	[tilespmem:$0x15400] =	vst v63  }
0x36: {  	v0 =	vld [tilespmem:$0x50];
	_ =	sdelay $0x7  }
0x37: {  	[tilespmem:s6], [sflag:$0x1] =	stream.indirect_vreg.gather [hbm4b:s3+s2], $0x40, v0, vm0, $0xb8;
	[tilespmem:$0x15400] =	vst v63  }
0x38: {  	v0 =	vld [tilespmem:$0x60];
	_ =	sdelay $0x7  }
0x39: {  	[tilespmem:s7], [sflag:$0x1] =	stream.indirect_vreg.gather [hbm4b:s3+s2], $0x40, v0, vm0, $0xb8;
	[tilespmem:$0x15400] =	vst v63  }
0x3a: {  	v0 =	vld [tilespmem:$0x70];
	_ =	sdelay $0x7  }
0x3b: {  	[tilespmem:s8], [sflag:$0x1] =	stream.indirect_vreg.gather [hbm4b:s3+s2], $0x40, v0, vm0, $0xb8;
	[tilespmem:$0x15400] =	vst v63  }
0x3c: {  	v0 =	vld [tilespmem:$0x80];
	_ =	sdelay $0x7  }
0x3d: {  	[tilespmem:s10], [sflag:$0x1] =	stream.indirect_vreg.gather [hbm4b:s3+s2], $0x40, v0, vm0, $0xb8;
	[tilespmem:$0x15400] =	vst v63  }
0x3e: {  	v0 =	vld [tilespmem:$0x90];
	_ =	sdelay $0x7  }
0x3f: {  	[tilespmem:s11], [sflag:$0x1] =	stream.indirect_vreg.gather [hbm4b:s3+s2], $0x40, v0, vm0, $0xb8;
	[tilespmem:$0x15400] =	vst v63  }
0x40: {  	v0 =	vld [tilespmem:$0xA0];
	_ =	sdelay $0x7  }
0x41: {  	[tilespmem:s12], [sflag:$0x1] =	stream.indirect_vreg.gather [hbm4b:s3+s2], $0x40, v0, vm0, $0xb8;
	[tilespmem:$0x15400] =	vst v63  }
0x42: {  	v0 =	vld [tilespmem:$0xB0];
	_ =	sdelay $0x7  }
0x43: {  	[tilespmem:s13], [sflag:$0x1] =	stream.indirect_vreg.gather [hbm4b:s3+s2], $0x40, v0, vm0, $0xb8;
	[tilespmem:$0x15400] =	vst v63  }
0x44: {  	v0 =	vld [tilespmem:$0xC0];
	_ =	sdelay $0x7  }
0x45: {  	[tilespmem:s14], [sflag:$0x1] =	stream.indirect_vreg.gather [hbm4b:s3+s2], $0x40, v0, vm0, $0xb8;
	[tilespmem:$0x15400] =	vst v63  }
0x46: {  	v0 =	vld [tilespmem:$0xD0];
	_ =	sdelay $0x7  }
0x47: {  	[tilespmem:s15], [sflag:$0x1] =	stream.indirect_vreg.gather [hbm4b:s3+s2], $0x40, v0, vm0, $0xb8;
	[tilespmem:$0x15400] =	vst v63  }
0x48: {  	v0 =	vld [tilespmem:$0xE0];
	_ =	sdelay $0x7  }
0x49: {  	[tilespmem:s16], [sflag:$0x1] =	stream.indirect_vreg.gather [hbm4b:s3+s2], $0x40, v0, vm0, $0xb8;
	[tilespmem:$0x15400] =	vst v63  }
0x4a: {  	v0 =	vld [tilespmem:$0xF0];
	_ =	sdelay $0x7  }
0x4b: {  	[tilespmem:s17], [sflag:$0x1] =	stream.indirect_vreg.gather [hbm4b:s3+s2], $0x40, v0, vm0, $0xb8;
	[tilespmem:$0x15400] =	vst v63  }
0x4c: {  	v0 =	vld [tilespmem:$0x100];
	_ =	sdelay $0x7  }
0x4d: {  	[tilespmem:s0], [sflag:$0x1] =	stream.indirect_vreg.gather [hbm4b:s3+s2], $0x40, v0, vm0, $0xb8;
	[tilespmem:$0x15400] =	vst v63  }
0x4e: {  	v0 =	vld [tilespmem:$0x110];
	_ =	sdelay $0x7  }
0x4f: {  	[tilespmem:s18], [sflag:$0x1] =	stream.indirect_vreg.gather [hbm4b:s3+s2], $0x40, v0, vm0, $0xb8;
	[tilespmem:$0x15400] =	vst v63  }
0x50: {  	v0 =	vld [tilespmem:$0x120];
	_ =	sdelay $0x7  }
0x51: {  	[tilespmem:s19], [sflag:$0x1] =	stream.indirect_vreg.gather [hbm4b:s3+s2], $0x40, v0, vm0, $0xb8;
	[tilespmem:$0x15400] =	vst v63  }
0x52: {  	v0 =	vld [tilespmem:$0x130];
	_ =	sdelay $0x7  }
0x53: {  	[tilespmem:s20], [sflag:$0x1] =	stream.indirect_vreg.gather [hbm4b:s3+s2], $0x40, v0, vm0, $0xb8;
	[tilespmem:$0x15400] =	vst v63  }
0x54: {  	v0 =	vld [tilespmem:$0x140];
	_ =	sdelay $0x7  }
0x55: {  	[tilespmem:s30], [sflag:$0x2] =	stream.indirect_vreg.gather [hbm4b:s3+s2], $0x40, v0, vm0, $0xb8;
	[tilespmem:$0x15400] =	vst v63  }
0x56: {  	v0 =	vld [tilespmem:$0x150];
	_ =	sdelay $0x7  }
0x57: {  	[tilespmem:s31], [sflag:$0x2] =	stream.indirect_vreg.gather [hbm4b:s3+s2], $0x40, v0, vm0, $0xb8;
	[tilespmem:$0x15400] =	vst v63  }
0x58: {  	v0 =	vld [tilespmem:$0x160];
	_ =	sdelay $0x6  }
0x59: {  	s5 =	simm.s32 $0xBC00  }
0x5a: {  	[tilespmem:s5], [sflag:$0x2] =	stream.indirect_vreg.gather [hbm4b:s3+s2], $0x40, v0, vm0, $0xb8;
	[tilespmem:$0x15400] =	vst v63  }
0x5b: {  	v0 =	vld [tilespmem:$0x170];
	_ =	sdelay $0x6  }
0x5c: {  	s6 =	simm.s32 $0xC000  }
0x5d: {  	[tilespmem:s6], [sflag:$0x2] =	stream.indirect_vreg.gather [hbm4b:s3+s2], $0x40, v0, vm0, $0xb8;
	[tilespmem:$0x15400] =	vst v63  }
0x5e: {  	v0 =	vld [tilespmem:$0x180];
	_ =	sdelay $0x6  }
0x5f: {  	s7 =	simm.s32 $0xC400  }
0x60: {  	[tilespmem:s7], [sflag:$0x2] =	stream.indirect_vreg.gather [hbm4b:s3+s2], $0x40, v0, vm0, $0xb8;
	[tilespmem:$0x15400] =	vst v63  }
0x61: {  	v0 =	vld [tilespmem:$0x190];
	_ =	sdelay $0x6  }
0x62: {  	s8 =	simm.s32 $0xC800  }
0x63: {  	[tilespmem:s8], [sflag:$0x2] =	stream.indirect_vreg.gather [hbm4b:s3+s2], $0x40, v0, vm0, $0xb8;
	[tilespmem:$0x15400] =	vst v63  }
0x64: {  	v0 =	vld [tilespmem:$0x1A0];
	_ =	sdelay $0x6  }
0x65: {  	s10 =	simm.s32 $0xCC00  }
0x66: {  	[tilespmem:s10], [sflag:$0x2] =	stream.indirect_vreg.gather [hbm4b:s3+s2], $0x40, v0, vm0, $0xb8;
	[tilespmem:$0x15400] =	vst v63  }
0x67: {  	v0 =	vld [tilespmem:$0x1B0];
	_ =	sdelay $0x6  }
0x68: {  	s11 =	simm.s32 $0xD000  }
0x69: {  	[tilespmem:s11], [sflag:$0x2] =	stream.indirect_vreg.gather [hbm4b:s3+s2], $0x40, v0, vm0, $0xb8;
	[tilespmem:$0x15400] =	vst v63  }
0x6a: {  	v0 =	vld [tilespmem:$0x1C0];
	_ =	sdelay $0x6  }
0x6b: {  	s12 =	simm.s32 $0xD400  }
0x6c: {  	[tilespmem:s12], [sflag:$0x2] =	stream.indirect_vreg.gather [hbm4b:s3+s2], $0x40, v0, vm0, $0xb8;
	[tilespmem:$0x15400] =	vst v63  }
0x6d: {  	v0 =	vld [tilespmem:$0x1D0];
	_ =	sdelay $0x6  }
0x6e: {  	s13 =	simm.s32 $0xD800  }
0x6f: {  	[tilespmem:s13], [sflag:$0x2] =	stream.indirect_vreg.gather [hbm4b:s3+s2], $0x40, v0, vm0, $0xb8;
	[tilespmem:$0x15400] =	vst v63  }
0x70: {  	v0 =	vld [tilespmem:$0x1E0];
	_ =	sdelay $0x6  }
0x71: {  	s14 =	simm.s32 $0xDC00  }
0x72: {  	[tilespmem:s14], [sflag:$0x2] =	stream.indirect_vreg.gather [hbm4b:s3+s2], $0x40, v0, vm0, $0xb8;
	[tilespmem:$0x15400] =	vst v63  }
0x73: {  	v0 =	vld [tilespmem:$0x1F0];
	_ =	sdelay $0x6  }
0x74: {  	s15 =	simm.s32 $0xE000  }
0x75: {  	[tilespmem:s15], [sflag:$0x2] =	stream.indirect_vreg.gather [hbm4b:s3+s2], $0x40, v0, vm0, $0xb8;
	[tilespmem:$0x15400] =	vst v63  }
0x76: {  	v0 =	vld [tilespmem:$0x200];
	_ =	sdelay $0x6  }
0x77: {  	s16 =	simm.s32 $0xE400  }
0x78: {  	[tilespmem:s16], [sflag:$0x2] =	stream.indirect_vreg.gather [hbm4b:s3+s2], $0x40, v0, vm0, $0xb8;
	[tilespmem:$0x15400] =	vst v63  }
0x79: {  	v0 =	vld [tilespmem:$0x210];
	_ =	sdelay $0x6  }
0x7a: {  	s17 =	simm.s32 $0xE800  }
0x7b: {  	[tilespmem:s17], [sflag:$0x2] =	stream.indirect_vreg.gather [hbm4b:s3+s2], $0x40, v0, vm0, $0xb8;
	[tilespmem:$0x15400] =	vst v63  }
0x7c: {  	v0 =	vld [tilespmem:$0x220];
	_ =	sdelay $0x6  }
0x7d: {  	s18 =	simm.s32 $0xEC00  }
0x7e: {  	[tilespmem:s18], [sflag:$0x2] =	stream.indirect_vreg.gather [hbm4b:s3+s2], $0x40, v0, vm0, $0xb8;
	[tilespmem:$0x15400] =	vst v63  }
0x7f: {  	v0 =	vld [tilespmem:$0x230];
	_ =	sdelay $0x6  }
0x80: {  	s19 =	simm.s32 $0xF000  }
0x81: {  	[tilespmem:s19], [sflag:$0x2] =	stream.indirect_vreg.gather [hbm4b:s3+s2], $0x40, v0, vm0, $0xb8;
	[tilespmem:$0x15400] =	vst v63  }
0x82: {  	v0 =	vld [tilespmem:$0x240];
	_ =	sdelay $0x6  }
0x83: {  	s20 =	simm.s32 $0xF400  }
0x84: {  	[tilespmem:s20], [sflag:$0x2] =	stream.indirect_vreg.gather [hbm4b:s3+s2], $0x40, v0, vm0, $0xb8;
	[tilespmem:$0x15400] =	vst v63  }
0x85: {  	v0 =	vld [tilespmem:$0x250];
	_ =	sdelay $0x6  }
0x86: {  	s31 =	simm.s32 $0xF800  }
0x87: {  	[tilespmem:s31], [sflag:$0x2] =	stream.indirect_vreg.gather [hbm4b:s3+s2], $0x40, v0, vm0, $0xb8;
	[tilespmem:$0x15400] =	vst v63  }
0x88: {  	v0 =	vld [tilespmem:$0x260];
	_ =	sdelay $0x6  }
0x89: {  	s0 =	simm.s32 $0xFC00  }
0x8a: {  	[tilespmem:s0], [sflag:$0x2] =	stream.indirect_vreg.gather [hbm4b:s3+s2], $0x40, v0, vm0, $0xb8;
	[tilespmem:$0x15400] =	vst v63  }
0x8b: {  	v0 =	vld [tilespmem:$0x270];
	_ =	sdelay $0x1  }
0x8c: {  	s28 =	simm.s32 $0x320;
	s1 =	simm.s32 $0x10000;
	s29 =	simm.s32 $0x0  }
0x8d: {  	s4 =	simm.s32 $0x7000;
	s5 =	simm.s32 $0x7400;
	s6 =	simm.s32 $0x7800  }
0x8e: {  	s7 =	simm.s32 $0x7C00;
	s8 =	simm.s32 $0x8000;
	s10 =	simm.s32 $0x8400  }
0x8f: {  	s11 =	simm.s32 $0x8800;
	s12 =	simm.s32 $0x8C00;
	s13 =	simm.s32 $0x9000  }
0x90: {  	s14 =	simm.s32 $0x9400;
	s15 =	simm.s32 $0x9800;
	s16 =	simm.s32 $0x9C00  }
0x91: {  	s17 =	simm.s32 $0xA000;
	s18 =	simm.s32 $0xA400;
	s20 =	simm.s32 $0xAC00  }
0x92: {  	[tilespmem:s1], [sflag:$0x2] =	stream.indirect_vreg.gather [hbm4b:s3+s2], $0x40, v0, vm0, $0xb8;
	[tilespmem:$0x15400] =	vst v63  }
.LBB2_2:
0x93: {  	_ =	swait.ge [sflag:s21], $0x5000  }
0x94: {  	s31 =	rddreg [dreg:$0x4];
	[sflag:s21] =	ssyncset.done $0x0  }
0x95: {  	p0 =	seq.s32 s29, $0x0;
	[sflag:s21] =	ssyncadd.s32 $0xFFFFB000;
	s31 =	sadd.s32 s29, s31  }
0x96: {  	[hbm4b:s31+s2] =	stream.linear.scatter [tilespmem:s9], [sflag:$0x4], $0x5000, $0x38;
	[tilespmem:$0x15400] =	vst v63  }
0x97: {  	s31 =	simm.s32 @!p0 $0x6  }
0x98: {  	_ =	swait.ge @!p0 [sflag:s31], $0x5000  }
0x99: {  	[sflag:s31] =	ssyncset.done @!p0 $0x0  }
0x9a: {  	[sflag:s31] =	ssyncadd.s32 @!p0 $0xFFFFB000  }
0x9b: {  	v0 =	vld [tilespmem:s28+$0xFFFFFF60];
	_ =	sdelay $0x7  }
0x9c: {  	[tilespmem:s22], [sflag:$0x3] =	stream.indirect_vreg.gather [hbm4b:s3+s2], $0x40, v0, vm0, $0xb8;
	[tilespmem:$0x15400] =	vst v63  }
0x9d: {  	v0 =	vld [tilespmem:s28+$0xFFFFFF70];
	_ =	sdelay $0x6  }
0x9e: {  	s31 =	rddreg [dreg:$0x6]  }
0x9f: {  	[tilespmem:s31], [sflag:$0x3] =	stream.indirect_vreg.gather [hbm4b:s3+s2], $0x40, v0, vm0, $0xb8;
	[tilespmem:$0x15400] =	vst v63  }
0xa0: {  	v0 =	vld [tilespmem:s28+$0xFFFFFF80];
	_ =	sdelay $0x6  }
0xa1: {  	s31 =	rddreg [dreg:$0x7]  }
0xa2: {  	[tilespmem:s31], [sflag:$0x3] =	stream.indirect_vreg.gather [hbm4b:s3+s2], $0x40, v0, vm0, $0xb8;
	[tilespmem:$0x15400] =	vst v63  }
0xa3: {  	v0 =	vld [tilespmem:s28+$0xFFFFFF90];
	_ =	sdelay $0x6  }
0xa4: {  	s31 =	rddreg [dreg:$0x8]  }
0xa5: {  	[tilespmem:s31], [sflag:$0x3] =	stream.indirect_vreg.gather [hbm4b:s3+s2], $0x40, v0, vm0, $0xb8;
	[tilespmem:$0x15400] =	vst v63  }
0xa6: {  	v0 =	vld [tilespmem:s28+$0xFFFFFFA0];
	_ =	sdelay $0x6  }
0xa7: {  	s31 =	rddreg [dreg:$0x9]  }
0xa8: {  	[tilespmem:s31], [sflag:$0x3] =	stream.indirect_vreg.gather [hbm4b:s3+s2], $0x40, v0, vm0, $0xb8;
	[tilespmem:$0x15400] =	vst v63  }
0xa9: {  	v0 =	vld [tilespmem:s28+$0xFFFFFFB0];
	_ =	sdelay $0x6  }
0xaa: {  	s31 =	rddreg [dreg:$0xa]  }
0xab: {  	[tilespmem:s31], [sflag:$0x3] =	stream.indirect_vreg.gather [hbm4b:s3+s2], $0x40, v0, vm0, $0xb8;
	[tilespmem:$0x15400] =	vst v63  }
0xac: {  	v0 =	vld [tilespmem:s28+$0xFFFFFFC0];
	_ =	sdelay $0x6  }
0xad: {  	s31 =	rddreg [dreg:$0xb]  }
0xae: {  	[tilespmem:s31], [sflag:$0x3] =	stream.indirect_vreg.gather [hbm4b:s3+s2], $0x40, v0, vm0, $0xb8;
	[tilespmem:$0x15400] =	vst v63  }
0xaf: {  	v0 =	vld [tilespmem:s28+$0xFFFFFFD0];
	_ =	sdelay $0x6  }
0xb0: {  	s31 =	rddreg [dreg:$0xc]  }
0xb1: {  	[tilespmem:s31], [sflag:$0x3] =	stream.indirect_vreg.gather [hbm4b:s3+s2], $0x40, v0, vm0, $0xb8;
	[tilespmem:$0x15400] =	vst v63  }
0xb2: {  	v0 =	vld [tilespmem:s28+$0xFFFFFFE0];
	_ =	sdelay $0x6  }
0xb3: {  	s31 =	rddreg [dreg:$0xd]  }
0xb4: {  	[tilespmem:s31], [sflag:$0x3] =	stream.indirect_vreg.gather [hbm4b:s3+s2], $0x40, v0, vm0, $0xb8;
	[tilespmem:$0x15400] =	vst v63  }
0xb5: {  	v0 =	vld [tilespmem:s28+$0xFFFFFFF0];
	_ =	sdelay $0x6  }
0xb6: {  	s31 =	rddreg [dreg:$0xe]  }
0xb7: {  	[tilespmem:s31], [sflag:$0x3] =	stream.indirect_vreg.gather [hbm4b:s3+s2], $0x40, v0, vm0, $0xb8;
	[tilespmem:$0x15400] =	vst v63  }
0xb8: {  	v0 =	vld [tilespmem:s28+$0x0];
	_ =	sdelay $0x6  }
0xb9: {  	s31 =	rddreg [dreg:$0xf]  }
0xba: {  	[tilespmem:s31], [sflag:$0x3] =	stream.indirect_vreg.gather [hbm4b:s3+s2], $0x40, v0, vm0, $0xb8;
	[tilespmem:$0x15400] =	vst v63  }
0xbb: {  	v0 =	vld [tilespmem:s28+$0x10];
	_ =	sdelay $0x6  }
0xbc: {  	s31 =	rddreg [dreg:$0x10]  }
0xbd: {  	[tilespmem:s31], [sflag:$0x3] =	stream.indirect_vreg.gather [hbm4b:s3+s2], $0x40, v0, vm0, $0xb8;
	[tilespmem:$0x15400] =	vst v63  }
0xbe: {  	v0 =	vld [tilespmem:s28+$0x20];
	_ =	sdelay $0x6  }
0xbf: {  	s31 =	rddreg [dreg:$0x11]  }
0xc0: {  	[tilespmem:s31], [sflag:$0x3] =	stream.indirect_vreg.gather [hbm4b:s3+s2], $0x40, v0, vm0, $0xb8;
	[tilespmem:$0x15400] =	vst v63  }
0xc1: {  	v0 =	vld [tilespmem:s28+$0x30];
	_ =	sdelay $0x6  }
0xc2: {  	s31 =	rddreg [dreg:$0x12]  }
0xc3: {  	[tilespmem:s31], [sflag:$0x3] =	stream.indirect_vreg.gather [hbm4b:s3+s2], $0x40, v0, vm0, $0xb8;
	[tilespmem:$0x15400] =	vst v63  }
0xc4: {  	v0 =	vld [tilespmem:s28+$0x40];
	_ =	sdelay $0x6  }
0xc5: {  	s31 =	rddreg [dreg:$0x13]  }
0xc6: {  	[tilespmem:s31], [sflag:$0x3] =	stream.indirect_vreg.gather [hbm4b:s3+s2], $0x40, v0, vm0, $0xb8;
	[tilespmem:$0x15400] =	vst v63  }
0xc7: {  	v0 =	vld [tilespmem:s28+$0x50];
	_ =	sdelay $0x6  }
0xc8: {  	s31 =	rddreg [dreg:$0x14]  }
0xc9: {  	[tilespmem:s31], [sflag:$0x3] =	stream.indirect_vreg.gather [hbm4b:s3+s2], $0x40, v0, vm0, $0xb8;
	[tilespmem:$0x15400] =	vst v63  }
0xca: {  	v0 =	vld [tilespmem:s28+$0x60];
	_ =	sdelay $0x6  }
0xcb: {  	s31 =	rddreg [dreg:$0x15]  }
0xcc: {  	[tilespmem:s31], [sflag:$0x3] =	stream.indirect_vreg.gather [hbm4b:s3+s2], $0x40, v0, vm0, $0xb8;
	[tilespmem:$0x15400] =	vst v63  }
0xcd: {  	v0 =	vld [tilespmem:s28+$0x70];
	_ =	sdelay $0x6  }
0xce: {  	s31 =	rddreg [dreg:$0x16]  }
0xcf: {  	[tilespmem:s31], [sflag:$0x3] =	stream.indirect_vreg.gather [hbm4b:s3+s2], $0x40, v0, vm0, $0xb8;
	[tilespmem:$0x15400] =	vst v63  }
0xd0: {  	v0 =	vld [tilespmem:s28+$0x80];
	_ =	sdelay $0x6  }
0xd1: {  	s31 =	rddreg [dreg:$0x17]  }
0xd2: {  	[tilespmem:s31], [sflag:$0x3] =	stream.indirect_vreg.gather [hbm4b:s3+s2], $0x40, v0, vm0, $0xb8;
	[tilespmem:$0x15400] =	vst v63  }
0xd3: {  	v0 =	vld [tilespmem:s28+$0x90];
	_ =	sdelay $0x6  }
0xd4: {  	s31 =	rddreg [dreg:$0x18]  }
0xd5: {  	[tilespmem:s31], [sflag:$0x3] =	stream.indirect_vreg.gather [hbm4b:s3+s2], $0x40, v0, vm0, $0xb8;
	[tilespmem:$0x15400] =	vst v63  }
0xd6: {  	_ =	swait.ge [sflag:s23], $0x5000  }
0xd7: {  	s31 =	rddreg [dreg:$0x3];
	[sflag:s23] =	ssyncset.done $0x0  }
0xd8: {  	[sflag:s23] =	ssyncadd.s32 $0xFFFFB000;
	s31 =	sadd.s32 s29, s31  }
0xd9: {  	[hbm4b:s31+s2] =	stream.linear.scatter [tilespmem:s30], [sflag:$0x5], $0x5000, $0x38;
	[tilespmem:$0x15400] =	vst v63  }
0xda: {  	_ =	swait.ge [sflag:s24], $0x5000  }
0xdb: {  	[sflag:s24] =	ssyncset.done $0x0  }
0xdc: {  	[sflag:s24] =	ssyncadd.s32 $0xFFFFB000  }
0xdd: {  	v62 =	vld [tilespmem:s28+$0xA0];
	_ =	sdelay $0x7  }
0xde: {  	[tilespmem:s9], [sflag:$0x1] =	stream.indirect_vreg.gather [hbm4b:s3+s2], $0x40, v62, vm0, $0xb8;
	[tilespmem:$0x15400] =	vst v63  }
0xdf: {  	v0 =	vld [tilespmem:s28+$0xB0];
	_ =	sdelay $0x6  }
0xe0: {  	s19 =	simm.s32 $0x6800  }
0xe1: {  	[tilespmem:s19], [sflag:$0x1] =	stream.indirect_vreg.gather [hbm4b:s3+s2], $0x40, v0, vm0, $0xb8;
	[tilespmem:$0x15400] =	vst v63  }
0xe2: {  	v0 =	vld [tilespmem:s28+$0xC0];
	_ =	sdelay $0x6  }
0xe3: {  	s19 =	simm.s32 $0x6C00  }
0xe4: {  	[tilespmem:s19], [sflag:$0x1] =	stream.indirect_vreg.gather [hbm4b:s3+s2], $0x40, v0, vm0, $0xb8;
	[tilespmem:$0x15400] =	vst v63  }
0xe5: {  	v0 =	vld [tilespmem:s28+$0xD0];
	_ =	sdelay $0x7  }
0xe6: {  	[tilespmem:s4], [sflag:$0x1] =	stream.indirect_vreg.gather [hbm4b:s3+s2], $0x40, v0, vm0, $0xb8;
	[tilespmem:$0x15400] =	vst v63  }
0xe7: {  	v0 =	vld [tilespmem:s28+$0xE0];
	_ =	sdelay $0x7  }
0xe8: {  	[tilespmem:s5], [sflag:$0x1] =	stream.indirect_vreg.gather [hbm4b:s3+s2], $0x40, v0, vm0, $0xb8;
	[tilespmem:$0x15400] =	vst v63  }
0xe9: {  	v0 =	vld [tilespmem:s28+$0xF0];
	_ =	sdelay $0x7  }
0xea: {  	[tilespmem:s6], [sflag:$0x1] =	stream.indirect_vreg.gather [hbm4b:s3+s2], $0x40, v0, vm0, $0xb8;
	[tilespmem:$0x15400] =	vst v63  }
0xeb: {  	v0 =	vld [tilespmem:s28+$0x100];
	_ =	sdelay $0x7  }
0xec: {  	[tilespmem:s7], [sflag:$0x1] =	stream.indirect_vreg.gather [hbm4b:s3+s2], $0x40, v0, vm0, $0xb8;
	[tilespmem:$0x15400] =	vst v63  }
0xed: {  	v0 =	vld [tilespmem:s28+$0x110];
	_ =	sdelay $0x7  }
0xee: {  	[tilespmem:s8], [sflag:$0x1] =	stream.indirect_vreg.gather [hbm4b:s3+s2], $0x40, v0, vm0, $0xb8;
	[tilespmem:$0x15400] =	vst v63  }
0xef: {  	v0 =	vld [tilespmem:s28+$0x120];
	_ =	sdelay $0x7  }
0xf0: {  	[tilespmem:s10], [sflag:$0x1] =	stream.indirect_vreg.gather [hbm4b:s3+s2], $0x40, v0, vm0, $0xb8;
	[tilespmem:$0x15400] =	vst v63  }
0xf1: {  	v0 =	vld [tilespmem:s28+$0x130];
	_ =	sdelay $0x7  }
0xf2: {  	[tilespmem:s11], [sflag:$0x1] =	stream.indirect_vreg.gather [hbm4b:s3+s2], $0x40, v0, vm0, $0xb8;
	[tilespmem:$0x15400] =	vst v63  }
0xf3: {  	v0 =	vld [tilespmem:s28+$0x140];
	_ =	sdelay $0x7  }
0xf4: {  	[tilespmem:s12], [sflag:$0x1] =	stream.indirect_vreg.gather [hbm4b:s3+s2], $0x40, v0, vm0, $0xb8;
	[tilespmem:$0x15400] =	vst v63  }
0xf5: {  	v0 =	vld [tilespmem:s28+$0x150];
	_ =	sdelay $0x7  }
0xf6: {  	[tilespmem:s13], [sflag:$0x1] =	stream.indirect_vreg.gather [hbm4b:s3+s2], $0x40, v0, vm0, $0xb8;
	[tilespmem:$0x15400] =	vst v63  }
0xf7: {  	v0 =	vld [tilespmem:s28+$0x160];
	_ =	sdelay $0x7  }
0xf8: {  	[tilespmem:s14], [sflag:$0x1] =	stream.indirect_vreg.gather [hbm4b:s3+s2], $0x40, v0, vm0, $0xb8;
	[tilespmem:$0x15400] =	vst v63  }
0xf9: {  	v0 =	vld [tilespmem:s28+$0x170];
	_ =	sdelay $0x7  }
0xfa: {  	[tilespmem:s15], [sflag:$0x1] =	stream.indirect_vreg.gather [hbm4b:s3+s2], $0x40, v0, vm0, $0xb8;
	[tilespmem:$0x15400] =	vst v63  }
0xfb: {  	v0 =	vld [tilespmem:s28+$0x180];
	_ =	sdelay $0x7  }
0xfc: {  	[tilespmem:s16], [sflag:$0x1] =	stream.indirect_vreg.gather [hbm4b:s3+s2], $0x40, v0, vm0, $0xb8;
	[tilespmem:$0x15400] =	vst v63  }
0xfd: {  	v0 =	vld [tilespmem:s28+$0x190];
	_ =	sdelay $0x7  }
0xfe: {  	[tilespmem:s17], [sflag:$0x1] =	stream.indirect_vreg.gather [hbm4b:s3+s2], $0x40, v0, vm0, $0xb8;
	[tilespmem:$0x15400] =	vst v63  }
0xff: {  	v0 =	vld [tilespmem:s28+$0x1A0];
	_ =	sdelay $0x7  }
0x100: {  	[tilespmem:s18], [sflag:$0x1] =	stream.indirect_vreg.gather [hbm4b:s3+s2], $0x40, v0, vm0, $0xb8;
	[tilespmem:$0x15400] =	vst v63  }
0x101: {  	v0 =	vld [tilespmem:s28+$0x1B0];
	_ =	sdelay $0x6  }
0x102: {  	s19 =	simm.s32 $0xA800  }
0x103: {  	[tilespmem:s19], [sflag:$0x1] =	stream.indirect_vreg.gather [hbm4b:s3+s2], $0x40, v0, vm0, $0xb8;
	[tilespmem:$0x15400] =	vst v63  }
0x104: {  	v0 =	vld [tilespmem:s28+$0x1C0];
	_ =	sdelay $0x7  }
0x105: {  	[tilespmem:s20], [sflag:$0x1] =	stream.indirect_vreg.gather [hbm4b:s3+s2], $0x40, v0, vm0, $0xb8;
	[tilespmem:$0x15400] =	vst v63  }
0x106: {  	v0 =	vld [tilespmem:s28+$0x1D0];
	_ =	sdelay $0x6  }
0x107: {  	s19 =	simm.s32 $0xB000  }
0x108: {  	[tilespmem:s19], [sflag:$0x1] =	stream.indirect_vreg.gather [hbm4b:s3+s2], $0x40, v0, vm0, $0xb8;
	[tilespmem:$0x15400] =	vst v63  }
0x109: {  	_ =	swait.ge [sflag:s25], $0x5000  }
0x10a: {  	s31 =	rddreg [dreg:$0x5];
	[sflag:s25] =	ssyncset.done $0x0  }
0x10b: {  	[sflag:s25] =	ssyncadd.s32 $0xFFFFB000;
	s31 =	sadd.s32 s29, s31  }
0x10c: {  	[hbm4b:s31+s2] =	stream.linear.scatter [tilespmem:s22], [sflag:$0x6], $0x5000, $0x38;
	[tilespmem:$0x15400] =	vst v63  }
0x10d: {  	_ =	swait.ge [sflag:s26], $0x5000  }
0x10e: {  	[sflag:s26] =	ssyncset.done $0x0  }
0x10f: {  	[sflag:s26] =	ssyncadd.s32 $0xFFFFB000  }
0x110: {  	v63 =	vld [tilespmem:s28+$0x1E0];
	_ =	sdelay $0x7  }
0x111: {  	[tilespmem:s30], [sflag:$0x2] =	stream.indirect_vreg.gather [hbm4b:s3+s2], $0x40, v63, vm0, $0xb8;
	[tilespmem:$0x15400] =	vst v63  }
0x112: {  	v0 =	vld [tilespmem:s28+$0x1F0];
	_ =	sdelay $0x6  }
0x113: {  	s31 =	simm.s32 $0xB800  }
0x114: {  	[tilespmem:s31], [sflag:$0x2] =	stream.indirect_vreg.gather [hbm4b:s3+s2], $0x40, v0, vm0, $0xb8;
	[tilespmem:$0x15400] =	vst v63  }
0x115: {  	v0 =	vld [tilespmem:s28+$0x200];
	_ =	sdelay $0x6  }
0x116: {  	s19 =	simm.s32 $0xBC00  }
0x117: {  	[tilespmem:s19], [sflag:$0x2] =	stream.indirect_vreg.gather [hbm4b:s3+s2], $0x40, v0, vm0, $0xb8;
	[tilespmem:$0x15400] =	vst v63  }
0x118: {  	v0 =	vld [tilespmem:s28+$0x210];
	_ =	sdelay $0x6  }
0x119: {  	s19 =	simm.s32 $0xC000  }
0x11a: {  	[tilespmem:s19], [sflag:$0x2] =	stream.indirect_vreg.gather [hbm4b:s3+s2], $0x40, v0, vm0, $0xb8;
	[tilespmem:$0x15400] =	vst v63  }
0x11b: {  	v0 =	vld [tilespmem:s28+$0x220];
	_ =	sdelay $0x6  }
0x11c: {  	s19 =	simm.s32 $0xC400  }
0x11d: {  	[tilespmem:s19], [sflag:$0x2] =	stream.indirect_vreg.gather [hbm4b:s3+s2], $0x40, v0, vm0, $0xb8;
	[tilespmem:$0x15400] =	vst v63  }
0x11e: {  	v0 =	vld [tilespmem:s28+$0x230];
	_ =	sdelay $0x6  }
0x11f: {  	s19 =	simm.s32 $0xC800  }
0x120: {  	[tilespmem:s19], [sflag:$0x2] =	stream.indirect_vreg.gather [hbm4b:s3+s2], $0x40, v0, vm0, $0xb8;
	[tilespmem:$0x15400] =	vst v63  }
0x121: {  	v0 =	vld [tilespmem:s28+$0x240];
	_ =	sdelay $0x6  }
0x122: {  	s19 =	simm.s32 $0xCC00  }
0x123: {  	[tilespmem:s19], [sflag:$0x2] =	stream.indirect_vreg.gather [hbm4b:s3+s2], $0x40, v0, vm0, $0xb8;
	[tilespmem:$0x15400] =	vst v63  }
0x124: {  	v0 =	vld [tilespmem:s28+$0x250];
	_ =	sdelay $0x6  }
0x125: {  	s19 =	simm.s32 $0xD000  }
0x126: {  	[tilespmem:s19], [sflag:$0x2] =	stream.indirect_vreg.gather [hbm4b:s3+s2], $0x40, v0, vm0, $0xb8;
	[tilespmem:$0x15400] =	vst v63  }
0x127: {  	v0 =	vld [tilespmem:s28+$0x260];
	_ =	sdelay $0x6  }
0x128: {  	s19 =	simm.s32 $0xD400  }
0x129: {  	[tilespmem:s19], [sflag:$0x2] =	stream.indirect_vreg.gather [hbm4b:s3+s2], $0x40, v0, vm0, $0xb8;
	[tilespmem:$0x15400] =	vst v63  }
0x12a: {  	v0 =	vld [tilespmem:s28+$0x270];
	_ =	sdelay $0x6  }
0x12b: {  	s19 =	simm.s32 $0xD800  }
0x12c: {  	[tilespmem:s19], [sflag:$0x2] =	stream.indirect_vreg.gather [hbm4b:s3+s2], $0x40, v0, vm0, $0xb8;
	[tilespmem:$0x15400] =	vst v63  }
0x12d: {  	v0 =	vld [tilespmem:s28+$0x280];
	_ =	sdelay $0x6  }
0x12e: {  	s19 =	simm.s32 $0xDC00  }
0x12f: {  	[tilespmem:s19], [sflag:$0x2] =	stream.indirect_vreg.gather [hbm4b:s3+s2], $0x40, v0, vm0, $0xb8;
	[tilespmem:$0x15400] =	vst v63  }
0x130: {  	v0 =	vld [tilespmem:s28+$0x290];
	_ =	sdelay $0x6  }
0x131: {  	s19 =	simm.s32 $0xE000  }
0x132: {  	[tilespmem:s19], [sflag:$0x2] =	stream.indirect_vreg.gather [hbm4b:s3+s2], $0x40, v0, vm0, $0xb8;
	[tilespmem:$0x15400] =	vst v63  }
0x133: {  	v0 =	vld [tilespmem:s28+$0x2A0];
	_ =	sdelay $0x6  }
0x134: {  	s19 =	simm.s32 $0xE400  }
0x135: {  	[tilespmem:s19], [sflag:$0x2] =	stream.indirect_vreg.gather [hbm4b:s3+s2], $0x40, v0, vm0, $0xb8;
	[tilespmem:$0x15400] =	vst v63  }
0x136: {  	v0 =	vld [tilespmem:s28+$0x2B0];
	_ =	sdelay $0x6  }
0x137: {  	s19 =	simm.s32 $0xE800  }
0x138: {  	[tilespmem:s19], [sflag:$0x2] =	stream.indirect_vreg.gather [hbm4b:s3+s2], $0x40, v0, vm0, $0xb8;
	[tilespmem:$0x15400] =	vst v63  }
0x139: {  	v0 =	vld [tilespmem:s28+$0x2C0];
	_ =	sdelay $0x6  }
0x13a: {  	s19 =	simm.s32 $0xEC00  }
0x13b: {  	[tilespmem:s19], [sflag:$0x2] =	stream.indirect_vreg.gather [hbm4b:s3+s2], $0x40, v0, vm0, $0xb8;
	[tilespmem:$0x15400] =	vst v63  }
0x13c: {  	v0 =	vld [tilespmem:s28+$0x2D0];
	_ =	sdelay $0x6  }
0x13d: {  	s19 =	simm.s32 $0xF000  }
0x13e: {  	[tilespmem:s19], [sflag:$0x2] =	stream.indirect_vreg.gather [hbm4b:s3+s2], $0x40, v0, vm0, $0xb8;
	[tilespmem:$0x15400] =	vst v63  }
0x13f: {  	v0 =	vld [tilespmem:s28+$0x2E0];
	_ =	sdelay $0x6  }
0x140: {  	s19 =	simm.s32 $0xF400  }
0x141: {  	[tilespmem:s19], [sflag:$0x2] =	stream.indirect_vreg.gather [hbm4b:s3+s2], $0x40, v0, vm0, $0xb8;
	[tilespmem:$0x15400] =	vst v63  }
0x142: {  	v0 =	vld [tilespmem:s28+$0x2F0];
	_ =	sdelay $0x6  }
0x143: {  	s19 =	simm.s32 $0xF800  }
0x144: {  	[tilespmem:s19], [sflag:$0x2] =	stream.indirect_vreg.gather [hbm4b:s3+s2], $0x40, v0, vm0, $0xb8;
	[tilespmem:$0x15400] =	vst v63  }
0x145: {  	v0 =	vld [tilespmem:s28+$0x300];
	_ =	sdelay $0x7  }
0x146: {  	[tilespmem:s0], [sflag:$0x2] =	stream.indirect_vreg.gather [hbm4b:s3+s2], $0x40, v0, vm0, $0xb8;
	[tilespmem:$0x15400] =	vst v63  }
0x147: {  	v0 =	vld [tilespmem:s28+$0x310];
	_ =	sdelay $0x1  }
0x148: {  	s29 =	sadd.s32 $0x1E00, s29  }
0x149: {  	p0 =	sne.s32 s29, $0x30C00  }
.Ltmp0:
0x14a: {  	_ = 	snop;
	(pc) =	sbr.rel @p0 .LBB2_2-.Ltmp0, $3  }
0x14b: {  	_ =	sdelay $0x1  }
0x14c: {  	s28 =	sadd.s32 $0x3C0, s28  }
0x14d: {  	[tilespmem:s1], [sflag:$0x2] =	stream.indirect_vreg.gather [hbm4b:s3+s2], $0x40, v0, vm0, $0xb8;
	[tilespmem:$0x15400] =	vst v63  }
0x14e: {  	_ =	swait.ge [sflag:s21], $0x5000  }
0x14f: {  	[sflag:s21] =	ssyncset.done $0x0  }
0x150: {  	s28 =	rddreg [dreg:$0x1a];
	[sflag:s21] =	ssyncadd.s32 $0xFFFFB000  }
0x151: {  	[hbm4b:s28+s2] =	stream.linear.scatter [tilespmem:s9], [sflag:$0x4], $0x5000, $0x38;
	[tilespmem:$0x15400] =	vst v63  }
0x152: {  	_ =	swait.ge [sflag:s23], $0x5000  }
0x153: {  	[sflag:s23] =	ssyncset.done $0x0  }
0x154: {  	s0 =	simm.s32 $0x6;
	s18 =	rddreg [dreg:$0x1b];
	[sflag:s23] =	ssyncadd.s32 $0xFFFFB000  }
0x155: {  	[hbm4b:s18+s2] =	stream.linear.scatter [tilespmem:s30], [sflag:$0x5], $0x5000, $0x38;
	[tilespmem:$0x15400] =	vst v63  }
0x156: {  	_ =	swait.ge [sflag:s0], $0x5000  }
0x157: {  	[sflag:s0] =	ssyncset.done $0x0  }
0x158: {  	[sflag:s0] =	ssyncadd.s32 $0xFFFFB000  }
0x159: {  	_ =	swait.ge [sflag:s24], $0x5000  }
0x15a: {  	[sflag:s24] =	ssyncset.done $0x0  }
0x15b: {  	s1 =	simm.s32 $0x6800;
	[sflag:s24] =	ssyncadd.s32 $0xFFFFB000  }
0x15c: {  	s29 =	simm.s32 $0x6C00;
	s4 =	simm.s32 $0x7000;
	_ =	swait.ge [sflag:s26], $0x5000  }
0x15d: {  	s5 =	simm.s32 $0x7400;
	s6 =	simm.s32 $0x7800;
	s19 =	rddreg [dreg:$0x1d]  }
0x15e: {  	s7 =	simm.s32 $0x7C00;
	s20 =	rddreg [dreg:$0x1c];
	s0 =	sadd.s32 $0x1, s19  }
0x15f: {  	s8 =	simm.s32 $0x8000;
	s10 =	simm.s32 $0x8400;
	p0 =	sne.s32 s0, s20  }
.Ltmp1:
0x160: {  	s11 =	simm.s32 $0x8800;
	s12 =	simm.s32 $0x8C00;
	(pc) =	sbr.rel @p0 .LBB2_1-.Ltmp1, $4  }
0x161: {  	s13 =	simm.s32 $0x9000;
	s14 =	simm.s32 $0x9400;
	s15 =	simm.s32 $0x9800  }
0x162: {  	s16 =	simm.s32 $0x9C00;
	s17 =	simm.s32 $0xA000;
	[sflag:s26] =	ssyncset.done $0x0  }
0x163: {  	s18 =	simm.s32 $0xA800;
	[sflag:s26] =	ssyncadd.s32 $0xFFFFB000;
	s19 =	simm.s32 $0xAC00  }
0x164: {  	[dreg:$0x1d] =	wrdreg s0;
	s0 =	simm.s32 $0xA400;
	s20 =	simm.s32 $0xB000  }
0x165: {  	_ =	sfence.sel $0x180000  }
0x166: {  	[bflag:$0x0] =	sbarrier.arrive $0xFFFF  }
0x167: {  	_ =	strace $0x90000047  }
0x168: {  	s0 =	stileid.u32;
	[bflag:$0x2] =	sbarrier.arrive $0xFFFF  }
0x169: {  	p0 =	sne.s32 s0, $0x0;
	s0 =	rddreg [dreg:$0x2]  }
0x16a: {  	s0 =	sadd.s32 @!p0 $0x100000, s0  }
0x16b: {  	[sflag:s0] =	ssyncadd.tile.s32 @!p0 $0x1;
	_ =	shalt  }
.Lfunc_end2:
_tile_overlayer_lowered:
.L_overlay_start_2:
0x16c: {  	(tag) =	ssettag $0x2  }
0x16d: {  	s0 =	rddreg [dreg:$0x0];
	s2 =	stileid.u32  }
0x16e: {  	s1 =	rddreg [dreg:$0x1];
	p0 =	sne.s32 s2, $0x0  }
0x16f: {  	s3 =	rddreg [dreg:$0x2];
	[bflag:$0x3] =	sbarrier.arrive $0xFFFF;
	s2 =	simm.s32 @!p0 $0x1C07  }
0x170: {  	[timem:s3], [sflag:s2] =	dma.local @!p0 [hbm:s0], s1  }
0x171: {  	s0 =	simm.s32 @!p0 $0x7  }
0x172: {  	_ =	swait.ge @!p0 [sflag:s0], s1  }
0x173: {  	s1 =	ssub.s32 @!p0 $0x0, s1;
	[sflag:s0] =	ssyncset.done @!p0 $0x0  }
0x174: {  	[sflag:s0] =	ssyncadd.s32 @!p0 s1  }
0x175: {  	[bflag:$0x3] =	sbarrier.arrive $0xFFFF  }
0x176: {  	_ =	shalt  }

// kernel: sparse-core-data-format-call.cloned.1.call-start
scs
called_computation_lowered:
.L_overlay_start_0:
0x0: {  	s2 =	sld [smem:$0x3FD9]  }
0x1: {  	s3 =	sld [smem:$0x3FFE];
	_ =	sdelay $0x1  }
0x2: {  	s1 =	srdreg.scid  }
0x3: {  	s0 =	sand.u32 $0x1, s1  }
0x4: {  	s18 =	sshll.u32 s0, $0xA;
	s2 =	sadd.s32 s3, s2  }
0x5: {  	s2 =	sadd.s32 s2, s18  }
0x6: {  	[smem:$0x3FC6] =	sst s2  }
0x7: {  	_ = 	snop  }
0x8: {  	s2 =	sld [smem:$0x3FD0];
	(tm) =	ssettm $0x1  }
0x9: {  	s19 =	sld [smem:$0x3FFB];
	_ =	sdelay $0x3  }
0xa: {  	_ =	strace s19  }
0xb: {  	s3 =	sld [smem:$0x3FFC];
	_ =	sdelay $0x3  }
0xc: {  	_ =	strace s3  }
0xd: {  	s3 =	sld [smem:$0x3FFD];
	_ =	sdelay $0x3  }
0xe: {  	_ =	strace s3  }
0xf: {  	_ =	strace $0x8FFFFFFF  }
0x10: {  	s20 =	sld [smem:$0x3FDB];
	_ =	sdelay $0x1  }
0x11: {  	s4 =	simm.s32 $_scs_section_size  }
0x12: {  	s5 =	simm.s32 $_size__tile_overlayer_lowered;
	s6 =	simm.s32 $_tile_overlayer_lowered  }
0x13: {  	s23 =	simm.s32 $0x1BFF;
	s22 =	sshll.u32 s6, $0x1;
	s3 =	sadd.s32 s4, s20  }
0x14: {  	s7 =	simm.s32 $0x0;
	s21 =	sshll.u32 s5, $0x1;
	s5 =	sadd.s32 s22, s3  }
0x15: {  	[timem:s7], [sflag:s23] =	dma.local [hbm:s5], s21  }
0x16: {  	_ =	swait.ge [sflag:s23], s21  }
0x17: {  	s4 =	ssub.s32 $0x0, s21;
	[sflag:s23] =	ssyncset.done $0x0  }
0x18: {  	[sflag:s23] =	ssyncadd.s32 s4;
	_ =	sdelay $0x1  }
0x19: {  	s24 =	simm.s32 $0x1B8B  }
0x1a: {  	_ =	swait.ge [sflag:s24], $0x1  }
0x1b: {  	[sflag:s24] =	ssyncset.done $0x0  }
0x1c: {  	s26 =	simm.s32 $0x1B8E;
	s25 =	sld [smem:$0x3FFE];
	[sflag:s24] =	ssyncadd.s32 $0xFFFFFFFF  }
0x1d: {  	s27 =	simm.s32 $execute0_lowered;
	[smem:$0x3FD2] =	sst s26  }
0x1e: {  	s5 =	sshll.u32 s27, $0x1;
	_ =	strace $0x80000049;
	[dreg:$0x1] =	wrdreg $0xFFFFFFFF  }
0x1f: {  	s28 =	simm.s32 $_size_execute0_lowered;
	s3 =	sadd.s32 s3, s5;
	[dreg:$0x0] =	wrdreg $0x0  }
0x20: {  	s5 =	sshll.u32 s28, $0x1;
	[dreg:$0x2] =	wrdreg s3  }
0x21: {  	[dreg:$0x3] =	wrdreg s5  }
0x22: {  	[dreg:$0x4] =	wrdreg $0xC0  }
0x23: {  	_ =	task [dreg:s7], $0x5FFFF  }
0x24: {  	[dreg:$0x1] =	wrdreg $0xFFFFFFFF  }
0x25: {  	[dreg:$0x0] =	wrdreg $0x60  }
0x26: {  	[dreg:$0x2] =	wrdreg s25  }
0x27: {  	[dreg:$0x3] =	wrdreg s2  }
0x28: {  	[dreg:$0x4] =	wrdreg $0x9  }
0x29: {  	_ =	task.clear_ibuf [dreg:s7], $0x5FFFF;
	_ =	strace $0x90000049  }
0x2a: {  	s29 =	simm.s32 $0x9;
	_ =	strace $0x8000004B  }
0x2b: {  	_ =	swait.ge [sflag:s29], $0x1  }
0x2c: {  	[sflag:s29] =	ssyncadd.s32 $0xFFFFFFFF  }
0x2d: {  	_ =	strace $0x9000004B  }
0x2e: {  	_ =	sfence  }
0x2f: {  	s30 =	sld [smem:$0x0];
	_ =	sdelay $0x2  }
0x30: {  	s31 =	sshll.u32 s1, $0xD;
	s1 =	sshrl.u32 s1, $0x2  }
0x31: {  	s3 =	sand.u32 $0x4000, s31;
	s1 =	sadd.s32 s1, s30  }
0x32: {  	s0 =	sor.u32 s3, s0;
	s1 =	sshll.u32 s1, $0x11  }
0x33: {  	s0 =	sor.u32 s1, s0  }
0x34: {  	s0 =	sadd.s32 $0x8F2B, s0  }
0x35: {  	[sflag:s0] =	ssyncadd.remote.s32 $0x1  }
0x36: {  	_ =	sfence.sel $0xFFFF  }
0x37: {  	[dreg:$0x0] =	wrdreg $0xFFFFFFFF;
	(pc) =	sbr.abs _section_cstart, $3  }
0x38: {  	[dreg:$0x1] =	wrdreg $0xFFFFFFFF  }
0x39: {  	_ =	task.clear_ibuf [dreg:s7], $0x2FFFF;
	_ =	strace $0x9FFFFFFF  }
0x3a: {  	(tm) =	ssettm $0x7FFFFFFF  }
0x3b: {  	_ =	shalt  }
tec
execute0_lowered:
.L_overlay_start_1:
0x0: {  	(tag) =	ssettag $0x1  }
0x1: {  	s0 =	srdreg.scid  }
0x2: {  	s1 =	sshll.u32 s0, $0x4  }
0x3: {  	s0 =	stileid.u32;
	s1 =	sand.u32 $0x10, s1  }
0x4: {  	s1 =	sor.u32 s0, s1  }
0x5: {  	s6 =	rddreg [dreg:$0x0];
	s4 =	simm.s32 $0x1;
	s2 =	sshll.u32 s1, $0x7  }
0x6: {  	s7 =	simm.s32 $0x2;
	s12 =	simm.s32 $0x0;
	s1 =	ssub.s32 $0x1000, s2  }
0x7: {  	s8 =	simm.s32 $0x8000;
	s13 =	simm.s32 $0x0;
	s3 =	sand.u32 $0xF80, s1  }
0x8: {  	s9 =	simm.s32 $0x0;
	s5 =	sshrl.u32 s1, $0xC;
	p0 =	sne.s32 s3, $0x0  }
.Ltmp0:
0x9: {  	s1 =	rddreg [dreg:$0x2];
	s4 =	simm.s32 @!p0 $0x0;
	(pc) =	sbr.rel .LBB1_1-.Ltmp0, $4  }
0xa: {  	s11 =	simm.s32 $0x0;
	s3 =	rddreg [dreg:$0x1];
	s5 =	sadd.s32 s4, s5  }
0xb: {  	_ =	strace $0x8000004A;
	s4 =	simm.s32 $0x1;
	s5 =	smul.u32 $0xC8, s5  }
0xc: {  	s6 =	sadd.s32 $0xA00, s6;
	s10 =	smov.u32 s2;
	[sflag:s4] =	ssyncpa.u1 $0x0  }
0xd: {  	p0 =	por $0x0, $0x0;
	[sflag:s7] =	ssyncpa.u1 $0x0;
	s7 =	sor.u32 $0x1, s5  }
.LBB1_4:
0xe: {  	s16 =	sshll.u32 s13, $0x3;
	s17 =	sand.u32 $0x78, s13  }
0xf: {  	s30 =	sand.u32 $0x7E00, s13;
	s12 =	sshll.u32 s12, $0xF;
	s16 =	sand.u32 $0xC00, s16  }
0x10: {  	[tilespmem:s15+$0x810 ss:$0x81] =	vst.msk $0xffff, v2;
	s31 =	sand.u32 $0x7, s13;
	s16 =	sor.u32 s17, s16;
	s17 =	sadd.s32 s3, s30  }
0x11: {  	[tilespmem:s15+$0x1020 ss:$0x81] =	vst.msk $0xffff, v0;
	s13 =	sshll.u32 s31, $0x12;
	s12 =	sadd.s32 s12, s17;
	s16 =	sshrl.u32 s16, $0x3  }
0x12: {  	[tilespmem:s15+$0x0 ss:$0x81] =	vst.msk $0xffff, v1;
	s13 =	sor.u32 $0x400, s13;
	s12 =	sadd.s32 s16, s12  }
0x13: {  	[hbm4b:s12+s13] =	stream.strided.scatter [tilespmem:s14], [sflag:$0x2], $0x2000, s8, s13, $0x20;
	[tilespmem:$0x8080] =	vst v63  }
.LBB1_5:
0x14: {  	s14 =	sadd.s32 $0x1, s9  }
0x15: {  	s12 =	sadd.s32 $0x1000, s10;
	s16 =	smov.u32 s10;
	p2 =	sgt.s32 s14, $0xC7  }
0x16: {  	s16 =	smov.u32 @p2 s12  }
0x17: {  	s14 =	simm.s32 @p2 $0x0;
	p2 =	sgt.s32 s16, $0xFFF  }
0x18: {  	s16 =	smov.u32 @p2 s2;
	p2 =	sne.s32 s11, s7  }
.Ltmp1:
0x19: {  	p1 =	slt.u32 s11, $0x2;
	(pc) =	sbr.rel @!p2 .LBB1_6-.Ltmp1, $4  }
0x1a: {  	s15 =	simm.s32 @!p1 $0x2  }
0x1b: {  	s13 =	smov.u32 s10;
	p0 =	por !p0, !p0;
	_ =	swait.ge @!p1 [sflag:s15], $0x2000  }
0x1c: {  	s12 =	smov.u32 s9;
	[sflag:s15] =	ssyncset.done @!p1 $0x0;
	s9 =	smov.u32 s14  }
0x1d: {  	s11 =	sadd.s32 $0x1, s11;
	[sflag:s15] =	ssyncadd.s32 @!p1 $0xFFFFE000;
	s10 =	smov.u32 s16  }
.LBB1_1:
0x1e: {  	p1 =	sge.u32 s11, s5  }
0x1f: {  	s14 =	sand.u32 @!p1 $0x1FFFFFF, s9  }
0x20: {  	s15 =	smulhi.u32 @!p1 $0x147AE15, s14;
	_ =	sdelay $0x1  }
0x21: {  	s15 =	smul.u32 @!p1 $0xC8, s15  }
0x22: {  	s16 =	sxor.u32 @!p1 $0xFFFFFFFF, s11;
	s17 =	smul.u32 @!p1 $0xC80, s10  }
0x23: {  	s31 =	sadd.s32 $0xFFFFFFFF, s11;
	s16 =	sshll.u32 @!p1 s16, $0xD;
	s14 =	ssub.s32 @!p1 s14, s15  }
0x24: {  	s15 =	sand.u32 @!p1 $0x2000, s16;
	s16 =	sadd.s32 @!p1 s6, s17;
	s14 =	sshll.u32 @!p1 s14, $0x4  }
0x25: {  	s17 =	simm.s32 @!p1 $0x6400;
	s14 =	sadd.s32 @!p1 s14, s16;
	s16 =	simm.s32 @!p1 $0x40  }
0x26: {  	[tilespmem:s15], [sflag:$0x1] =	stream.strided.gather @!p1 [hbm4b:s14+s16], $0x2000, s17, s16, $0x38;
	[tilespmem:$0x8080] =	vst v63  }
0x27: {  	p1 =	sge.u32 s31, s5  }
.Ltmp2:
0x28: {  	_ = 	snop;
	(pc) =	sbr.rel @p1 .LBB1_5-.Ltmp2, $1  }
0x29: {  	_ =	sdelay $0x3  }
0x2a: {  	s14 =	simm.s32 $0x1  }
0x2b: {  	_ =	swait.ge [sflag:s4], $0x2000;
	s14 =	simm.s32 @!p0 $0x0  }
0x2c: {  	[sflag:s4] =	ssyncset.done $0x0;
	s15 =	sshll.u32 s14, $0xD  }
0x2d: {  	[sflag:s4] =	ssyncadd.s32 $0xFFFFE000;
	s18 =	sor.u32 $0x20, s15  }
0x2e: {  	s14 =	smul.u32 $0x8100, s14;
	v3 =	vld [tilespmem:s18+$0x10]  }
0x2f: {  	s30 =	sand.u32 $0x1, s11;
	v2 =	vld [tilespmem:s18+$0xFFFFFFF0]  }
0x30: {  	s15 =	smul.u32 $0x8100, s30;
	s14 =	sshrl.u32 s14, $0x2;
	v0 =	vld [tilespmem:s18+$0x0]  }
0x31: {  	v1 =	vld [tilespmem:s18+$0xFFFFFFE0];
	s16 =	sor.u32 $0x4000, s14  }
0x32: {  	s31 =	sshrl.u32 s15, $0x2;
	s15 =	sadd.s32 $0x0, s16  }
0x33: {  	s17 =	simm.s32 $0x4;
	s18 =	sadd.s32 $0x40, s18;
	s14 =	sor.u32 $0x4000, s31;
	[tilespmem:s15+$0x1830 ss:$0x81] =	vst.msk $0xffff, v3  }
.LBB1_3:
0x34: {  	v3 =	vld [tilespmem:s18+$0x10];
	p1 =	sne.s32 s17, $0x1FC;
	[tilespmem:s15+$0x810 ss:$0x81] =	vst.msk $0xffff, v2;
	s19 =	smov.u32 s17;
	s17 =	sadd.s32 $0x4, s17  }
.Ltmp3:
0x35: {  	v2 =	vld [tilespmem:s18+$0xFFFFFFF0];
	[tilespmem:s15+$0x1020 ss:$0x81] =	vst.msk $0xffff, v0;
	(pc) =	sbr.rel @p1 .LBB1_3-.Ltmp3, $4  }
0x36: {  	v0 =	vld [tilespmem:s18+$0x0];
	[tilespmem:s15+$0x0 ss:$0x81] =	vst.msk $0xffff, v1  }
0x37: {  	s15 =	sshra.s32 s19, $0x2;
	v1 =	vld [tilespmem:s18+$0xFFFFFFE0]  }
0x38: {  	s15 =	sadd.s32 s15, s16  }
0x39: {  	s18 =	sadd.s32 $0x40, s18;
	[tilespmem:s15+$0x1830 ss:$0x81] =	vst.msk $0xffff, v3  }
.Ltmp4:
0x3a: {  	_ = 	snop;
	(pc) =	sbr.rel .LBB1_4-.Ltmp4, $1  }
0x3b: {  	_ =	sdelay $0x3  }
.LBB1_6:
0x3c: {  	_ =	sfence.sel $0x180000  }
0x3d: {  	s2 =	simm.s32 $0x1;
	[bflag:$0x0] =	sbarrier.arrive $0xFFFF  }
0x3e: {  	s31 =	simm.s32 $0x2;
	[sflag:s2] =	ssyncpa.u1 $0x1  }
0x3f: {  	[sflag:s31] =	ssyncpa.u1 $0x1  }
0x40: {  	p0 =	sne.s32 s0, $0x0;
	_ =	strace $0x9000004A  }
0x41: {  	s0 =	sadd.s32 @!p0 $0x100000, s1;
	[bflag:$0x2] =	sbarrier.arrive $0xFFFF  }
0x42: {  	[sflag:s0] =	ssyncadd.tile.s32 @!p0 $0x1;
	_ =	shalt  }
.Lfunc_end1:
_tile_overlayer_lowered:
.L_overlay_start_2:
0x43: {  	(tag) =	ssettag $0x2  }
0x44: {  	s0 =	rddreg [dreg:$0x0];
	s2 =	stileid.u32  }
0x45: {  	s1 =	rddreg [dreg:$0x1];
	p0 =	sne.s32 s2, $0x0  }
0x46: {  	s3 =	rddreg [dreg:$0x2];
	[bflag:$0x3] =	sbarrier.arrive $0xFFFF;
	s2 =	simm.s32 @!p0 $0x1C01  }
0x47: {  	[timem:s3], [sflag:s2] =	dma.local @!p0 [hbm:s0], s1  }
0x48: {  	s0 =	simm.s32 @!p0 $0x1  }
0x49: {  	_ =	swait.ge @!p0 [sflag:s0], s1  }
0x4a: {  	s1 =	ssub.s32 @!p0 $0x0, s1;
	[sflag:s0] =	ssyncset.done @!p0 $0x0  }
0x4b: {  	[sflag:s0] =	ssyncadd.s32 @!p0 s1  }
0x4c: {  	[bflag:$0x3] =	sbarrier.arrive $0xFFFF  }
0x4d: {  	_ =	shalt  }

</sc_bundles>
